<compile_context>
chip_gen: v7x
topology: tpu7x:2x2x1
jax: 0.10.2.dev20260603
libtpu: 0.0.44.dev20260713+nightly
codegen_flags: <defaults>
</compile_context>

<pallas_src>
import jax
import jax.numpy as jnp
from jax import lax
from jax.experimental import pallas as pl
from jax.experimental.pallas import tpu as pltpu
from jax.experimental.pallas import tpu_sc as plsc

_VOCAB = 1000000
_DIM = 32
_BATCH = 16384
_L = 16

_NC = 2
_NS = 16
_NW = _NC * _NS
_BPW = _BATCH // _NW

_S = 1 << 18
_KB = 16384
_GRID = _S // _KB


def _detile_body(t0, t1, t2, t3, out_ref):
    x = jnp.concatenate([t0[...], t1[...], t2[...], t3[...]], axis=0)
    out_ref[...] = jnp.transpose(x)


def _tc_linearize(tableT):
    last = (_VOCAB - 1) // _KB
    in_specs = [
        pl.BlockSpec(
            (_DIM, _KB),
            lambda i, c=c: (0, jnp.minimum((c * _S) // _KB + i, last)))
        for c in range(4)
    ]
    return pl.pallas_call(
        _detile_body,
        grid=(_GRID,),
        in_specs=in_specs,
        out_specs=pl.BlockSpec((_KB, 128), lambda i: (i, 0)),
        out_shape=jax.ShapeDtypeStruct((_S, 128), jnp.float32),
    )(tableT, tableT, tableT, tableT)


def _rsqrt16(x):
    i = lax.bitcast_convert_type(x, jnp.int32)
    i = jnp.int32(0x5F3759DF) - (i >> 1)
    y = lax.bitcast_convert_type(i, jnp.float32)
    half = jnp.float32(0.5)
    three_half = jnp.float32(1.5)
    for _ in range(3):
        y = y * (three_half - half * x * y * y)
    return y


_GDN = lax.GatherDimensionNumbers(
    offset_dims=(), collapsed_slice_dims=(0,), start_index_map=(0,))


def _shuffle(v, perm):
    return lax.gather(v, perm[:, None], _GDN, slice_sizes=(1,),
                      mode=lax.GatherScatterMode.PROMISE_IN_BOUNDS)


def _sc_body(table_hbm, key_hbm, trace_hbm, out_hbm, idx_v, a_v, c32_v,
             rows_v, tr_v, out_v, sem_g, sem_t):
    wid = lax.axis_index("s") * _NC + lax.axis_index("c")
    base = wid * _BPW

    pltpu.sync_copy(key_hbm.at[pl.ds(base, _BPW)], idx_v)
    tcopy = pltpu.async_copy(trace_hbm.at[pl.ds(base, _BPW)], tr_v, sem_t)

    def split(g, _):
        goff = pl.multiple_of(g * _L, _L)
        ks = idx_v[pl.ds(goff, _L)]
        a_v[pl.ds(goff, _L)] = ks & jnp.int32(_S - 1)
        c32_v[pl.ds(goff, _L)] = (ks >> 18) << 5
        return _

    lax.fori_loop(0, _BPW // _L, split, None)

    gather = pltpu.async_copy(table_hbm.at[a_v], rows_v, sem_g)
    gather.wait()
    tcopy.wait()

    def group(g, _):
        goff = pl.multiple_of(g * _L, _L)
        cvec = c32_v[pl.ds(goff, _L)]
        for i in range(_L):
            r = goff + i
            off = cvec[i]
            v0 = rows_v[r, pl.ds(off, _L)] + tr_v[r, 0:16]
            v1 = rows_v[r, pl.ds(off + _L, _L)] + tr_v[r, 16:32]
            s = v0 * v0 + v1 * v1
            for k in (8, 4, 2, 1):
                perm = lax.iota(jnp.int32, _L) ^ k
                s = s + _shuffle(s, perm)
            rs = _rsqrt16(s + jnp.float32(1e-30))
            out_v[r, 0:16] = v0 * rs
            out_v[r, 16:32] = v1 * rs
        return _

    lax.fori_loop(0, _BPW // _L, group, None)
    pltpu.sync_copy(out_v, out_hbm.at[pl.ds(base, _BPW)])


def _sc_gather_norm(table_lin, key, trace):
    mesh = plsc.VectorSubcoreMesh(core_axis_name="c", subcore_axis_name="s")
    f = pl.kernel(
        _sc_body,
        out_type=jax.ShapeDtypeStruct((_BATCH, _DIM), jnp.float32),
        mesh=mesh,
        scratch_types=[
            pltpu.VMEM((_BPW,), jnp.int32),
            pltpu.VMEM((_BPW,), jnp.int32),
            pltpu.VMEM((_BPW,), jnp.int32),
            pltpu.VMEM((_BPW, 128), jnp.float32),
            pltpu.VMEM((_BPW, _DIM), jnp.float32),
            pltpu.VMEM((_BPW, _DIM), jnp.float32),
            pltpu.SemaphoreType.DMA,
            pltpu.SemaphoreType.DMA,
        ],
        compiler_params=pltpu.CompilerParams(use_tc_tiling_on_sc=False),
    )
    return f(table_lin, key, trace)


@jax.jit
def _impl(table, key, trace):
    lin = _tc_linearize(table.T)
    table_lin = lin.reshape(_S, 128)
    return _sc_gather_norm(table_lin, key, trace)


def kernel(arg0_unused, trace, arg2_unused, key, table):
    return _impl(table, key.astype(jnp.int32), trace)

# --- scband reference (transcript-rebuilt; emitter-appended) ---
"""Pipeline reference for scband-key-only-generator-48249662603622 (READ-ONLY COPY).

The authoritative reference and input builder live on the scoring server;
editing this copy changes nothing except your own understanding.
"""

import jax, jax.numpy as jnp
import numpy as np

VOCAB = 1000000
DIM = 32
BATCH = 16384

def _norm_tensor_magnitude(x, magnitude=1.0, axis=-1, eps=1e-12):
    # NormTensorMagnitude(1, -1): rescale so L2 norm along `axis` equals `magnitude`
    n = jnp.sqrt(jnp.sum(x * x, axis=axis, keepdims=True))
    return x * (magnitude / (n + eps))

def setup_inputs(seed: int = 0) -> dict:
    key = jax.random.key(seed)
    k1, k2, k3 = jax.random.split(key, 3)
    arg0_unused = jnp.zeros((1,), dtype=jnp.float32)
    trace = jax.random.normal(k1, (BATCH, DIM), dtype=jnp.float32)
    arg2_unused = jnp.zeros((1,), dtype=jnp.float32)
    idx = jax.random.randint(k2, (BATCH,), 0, VOCAB, dtype=jnp.int64) if jax.config.jax_enable_x64 else jax.random.randint(k2, (BATCH,), 0, VOCAB, dtype=jnp.int32)
    # embedding table for key_trace_map = nn.Embedding(VOCAB, DIM)
    table = jax.random.normal(k3, (VOCAB, DIM), dtype=jnp.float32)
    return {"arg0_unused": arg0_unused, "trace": trace, "arg2_unused": arg2_unused, "key": idx, "table": table}

def reference(arg0_unused, trace, arg2_unused, key, table):
    # protective_trace = key_trace_map(key)  (embedding lookup)
    protective_trace = jnp.take(table, key, axis=0)
    visible_trace = trace + protective_trace
    visible_trace = _norm_tensor_magnitude(visible_trace, 1.0, -1)
    return visible_trace

if __name__ == "__main__":
    import jax
    _d = setup_inputs()
    print(jax.jit(kernel)(*tuple(_d.values())))

</pallas_src>

<mosaic_0001>
#map = affine_map<(d0, d1) -> (0, 0)>
#map1 = affine_map<(d0, d1) -> (0)>
module attributes {stable_mosaic.version = 14 : i64} {
  func.func @_sc_body(%arg0: i32, %arg1: i32, %arg2: memref<262144x128xf32, #tpu.memory_space<hbm>>, %arg3: memref<16384xi32, #tpu.memory_space<hbm>>, %arg4: memref<16384x32xf32, #tpu.memory_space<hbm>>, %arg5: memref<16384x32xf32, #tpu.memory_space<hbm>>, %arg6: memref<512xi32, #tpu.memory_space<vmem>>, %arg7: memref<512xi32, #tpu.memory_space<vmem>>, %arg8: memref<512xi32, #tpu.memory_space<vmem>>, %arg9: memref<512x128xf32, #tpu.memory_space<vmem>>, %arg10: memref<512x32xf32, #tpu.memory_space<vmem>>, %arg11: memref<512x32xf32, #tpu.memory_space<vmem>>, %arg12: memref<!tpu.dma_semaphore, #tpu.memory_space<semaphore_mem>>, %arg13: memref<!tpu.dma_semaphore, #tpu.memory_space<semaphore_mem>>) attributes {dimension_semantics = [#tpu.dimension_semantics<core_parallel>, #tpu.dimension_semantics<subcore_parallel>], iteration_bounds = array<i64: 2, 16>, scalar_prefetch = 0 : i64, scratch_operands = 8 : i64, tpu.core_type = #tpu.core_type<sc_vector_subcore>, window_params = [{transform_indices = #map}, {transform_indices = #map1}, {transform_indices = #map}, {transform_indices = #map}]} {
    %mul3A = arith.constant 2 : i32
    %mul3A_0 = arith.muli %arg1, %mul3A : i32
    %add3A = arith.addi %mul3A_0, %arg0 : i32
    %mul3A_1 = arith.constant 512 : i32
    %mul3A_2 = arith.muli %add3A, %mul3A_1 : i32
    "tpu.region"() ({
      %run_scoped3A = tpu.sem_alloc : memref<!tpu.dma_semaphore, #tpu.memory_space<semaphore_mem>>
      %dma_start3A_24 = tpu.memref_slice %arg3[%mul3A_2] : memref<16384xi32, #tpu.memory_space<hbm>> -> memref<512xi32, #tpu.memory_space<hbm>>
      %dma_start3A_25 = tpu.memref_slice %arg3[%mul3A_2] : memref<16384xi32, #tpu.memory_space<hbm>> -> memref<512xi32, #tpu.memory_space<hbm>>
      tpu.enqueue_dma source(%dma_start3A_25 : memref<512xi32, #tpu.memory_space<hbm>>) target(%arg6 : memref<512xi32, #tpu.memory_space<vmem>>) target_semaphore(%run_scoped3A : memref<!tpu.dma_semaphore, #tpu.memory_space<semaphore_mem>>)
      %dma_wait3A_26 = tpu.memref_slice %arg3[%mul3A_2] : memref<16384xi32, #tpu.memory_space<hbm>> -> memref<512xi32, #tpu.memory_space<hbm>>
      %dma_wait3A_27 = tpu.memref_slice %arg3[%mul3A_2] : memref<16384xi32, #tpu.memory_space<hbm>> -> memref<512xi32, #tpu.memory_space<hbm>>
      tpu.wait_dma2 semaphore(%run_scoped3A : memref<!tpu.dma_semaphore, #tpu.memory_space<semaphore_mem>>) src(%dma_wait3A_27 : memref<512xi32, #tpu.memory_space<hbm>>) dst(%arg6 : memref<512xi32, #tpu.memory_space<vmem>>)
      tpu.yield
    }) : () -> ()
    %dma_start3A = arith.constant 0 : i32
    %dma_start3A_3 = tpu.memref_slice %arg4[%mul3A_2, %dma_start3A] : memref<16384x32xf32, #tpu.memory_space<hbm>> -> memref<512x32xf32, #tpu.memory_space<hbm>>
    %dma_start3A_4 = arith.constant 0 : i32
    %dma_start3A_5 = tpu.memref_slice %arg4[%mul3A_2, %dma_start3A_4] : memref<16384x32xf32, #tpu.memory_space<hbm>> -> memref<512x32xf32, #tpu.memory_space<hbm>>
    tpu.enqueue_dma source(%dma_start3A_5 : memref<512x32xf32, #tpu.memory_space<hbm>>) target(%arg10 : memref<512x32xf32, #tpu.memory_space<vmem>>) target_semaphore(%arg13 : memref<!tpu.dma_semaphore, #tpu.memory_space<semaphore_mem>>)
    %scan3A = arith.constant 0 : i32
    %scan3A_6 = arith.constant 32 : i32
    %scan3A_7 = arith.addi %scan3A, %scan3A_6 : i32
    %scan3A_8 = arith.constant 1 : i32
    scf.for %scan3A_24 = %scan3A to %scan3A_7 step %scan3A_8  : i32 {
      %mul3A_25 = arith.constant 16 : i32
      %mul3A_26 = arith.muli %scan3A_24, %mul3A_25 : i32
      %multiple_of3A = tpu.assume_multiple %mul3A_26, 16 : i32
      %get3A = arith.index_cast %multiple_of3A : i32 to index
      %get3A_27 = tpu.vector_load %arg6[%get3A] {strides = array<i32>} : memref<512xi32, #tpu.memory_space<vmem>>, vector<16xi32>,
      %get3A_28 = vector.shape_cast %get3A_27 : vector<16xi32> to vector<16xi32>
      %and3A = arith.constant 262143 : i32
      %and3A_29 = vector.broadcast %and3A : i32 to vector<16xi32>
      %and3A_30 = arith.andi %get3A_28, %and3A_29 : vector<16xi32>
      %swap3A = arith.index_cast %multiple_of3A : i32 to index
      %swap3A_31 = tpu.vector_load %arg7[%swap3A] {strides = array<i32>} : memref<512xi32, #tpu.memory_space<vmem>>, vector<16xi32>,
      %swap3A_32 = vector.shape_cast %swap3A_31 : vector<16xi32> to vector<16xi32>
      %swap3A_33 = vector.shape_cast %and3A_30 : vector<16xi32> to vector<16xi32>
      tpu.vector_store %arg7[%swap3A], %swap3A_33 {strides = array<i32>} : memref<512xi32, #tpu.memory_space<vmem>>, vector<16xi32>,
      %shift_right_arithmetic3A = arith.constant 18 : i32
      %shift_right_arithmetic3A_34 = vector.broadcast %shift_right_arithmetic3A : i32 to vector<16xi32>
      %shift_right_arithmetic3A_35 = arith.shrsi %get3A_28, %shift_right_arithmetic3A_34 : vector<16xi32>
      %shift_left3A = arith.constant 5 : i32
      %shift_left3A_36 = vector.broadcast %shift_left3A : i32 to vector<16xi32>
      %shift_left3A_37 = arith.shli %shift_right_arithmetic3A_35, %shift_left3A_36 : vector<16xi32>
      %swap3A_38 = arith.index_cast %multiple_of3A : i32 to index
      %swap3A_39 = tpu.vector_load %arg8[%swap3A_38] {strides = array<i32>} : memref<512xi32, #tpu.memory_space<vmem>>, vector<16xi32>,
      %swap3A_40 = vector.shape_cast %swap3A_39 : vector<16xi32> to vector<16xi32>
      %swap3A_41 = vector.shape_cast %shift_left3A_37 : vector<16xi32> to vector<16xi32>
      tpu.vector_store %arg8[%swap3A_38], %swap3A_41 {strides = array<i32>} : memref<512xi32, #tpu.memory_space<vmem>>, vector<16xi32>,
    }
    %scan3A_9 = arith.constant 32 : i32
    %dma_start3A_10 = arith.constant 0 : i32
    %dma_start3A_11 = arith.constant 0 : i32
    %dma_start3A_12 = tpu.memref_slice %arg2[%dma_start3A_10, %dma_start3A_11] : memref<262144x128xf32, #tpu.memory_space<hbm>> -> memref<262144x128xf32, #tpu.memory_space<hbm>>
    tpu.enqueue_indirect_dma source(%dma_start3A_12 : memref<262144x128xf32, #tpu.memory_space<hbm>>) target(%arg9 : memref<512x128xf32, #tpu.memory_space<vmem>>) offsets(%arg7 : memref<512xi32, #tpu.memory_space<vmem>>) semaphore(%arg12 : memref<!tpu.dma_semaphore, #tpu.memory_space<semaphore_mem>>)
    %dma_wait3A = arith.constant 0 : i32
    %dma_wait3A_13 = arith.constant 0 : i32
    %dma_wait3A_14 = tpu.memref_slice %arg2[%dma_wait3A, %dma_wait3A_13] : memref<262144x128xf32, #tpu.memory_space<hbm>> -> memref<262144x128xf32, #tpu.memory_space<hbm>>
    tpu.wait_indirect_dma semaphore(%arg12 : memref<!tpu.dma_semaphore, #tpu.memory_space<semaphore_mem>>) src(%dma_wait3A_14 : memref<262144x128xf32, #tpu.memory_space<hbm>>) dst(%arg9 : memref<512x128xf32, #tpu.memory_space<vmem>>)
    %dma_wait3A_15 = arith.constant 0 : i32
    %dma_wait3A_16 = tpu.memref_slice %arg4[%mul3A_2, %dma_wait3A_15] : memref<16384x32xf32, #tpu.memory_space<hbm>> -> memref<512x32xf32, #tpu.memory_space<hbm>>
    %dma_wait3A_17 = arith.constant 0 : i32
    %dma_wait3A_18 = tpu.memref_slice %arg4[%mul3A_2, %dma_wait3A_17] : memref<16384x32xf32, #tpu.memory_space<hbm>> -> memref<512x32xf32, #tpu.memory_space<hbm>>
    tpu.wait_dma2 semaphore(%arg13 : memref<!tpu.dma_semaphore, #tpu.memory_space<semaphore_mem>>) src(%dma_wait3A_18 : memref<512x32xf32, #tpu.memory_space<hbm>>) dst(%arg10 : memref<512x32xf32, #tpu.memory_space<vmem>>)
    %scan3A_19 = arith.constant 0 : i32
    %scan3A_20 = arith.constant 32 : i32
    %scan3A_21 = arith.addi %scan3A_19, %scan3A_20 : i32
    %scan3A_22 = arith.constant 1 : i32
    scf.for %scan3A_24 = %scan3A_19 to %scan3A_21 step %scan3A_22  : i32 {
      %mul3A_25 = arith.constant 16 : i32
      %mul3A_26 = arith.muli %scan3A_24, %mul3A_25 : i32
      %multiple_of3A = tpu.assume_multiple %mul3A_26, 16 : i32
      %get3A = arith.index_cast %multiple_of3A : i32 to index
      %get3A_27 = tpu.vector_load %arg8[%get3A] {strides = array<i32>} : memref<512xi32, #tpu.memory_space<vmem>>, vector<16xi32>,
      %get3A_28 = vector.shape_cast %get3A_27 : vector<16xi32> to vector<16xi32>
      %add3A_29 = arith.constant 0 : i32
      %add3A_30 = arith.addi %multiple_of3A, %add3A_29 : i32
      %slice3A = vector.extract_strided_slice %get3A_28 {offsets = [0], sizes = [1], strides = [1]} : vector<16xi32> to vector<1xi32>
      %squeeze3A = vector.extract %slice3A[0] : i32 from vector<1xi32>
      %get3A_31 = arith.index_cast %add3A_30 : i32 to index
      %get3A_32 = arith.index_cast %squeeze3A : i32 to index
      %get3A_33 = tpu.vector_load %arg9[%get3A_31, %get3A_32] {strides = array<i32>} : memref<512x128xf32, #tpu.memory_space<vmem>>, vector<1x16xf32>,
      %get3A_34 = vector.shape_cast %get3A_33 : vector<1x16xf32> to vector<16xf32>
      %get3A_35 = arith.index_cast %add3A_30 : i32 to index
      %get3A_36 = arith.constant 0 : index
      %get3A_37 = tpu.vector_load %arg10[%get3A_35, %get3A_36] {strides = array<i32>} : memref<512x32xf32, #tpu.memory_space<vmem>>, vector<1x16xf32>,
      %get3A_38 = vector.shape_cast %get3A_37 : vector<1x16xf32> to vector<16xf32>
      %add3A_39 = arith.addf %get3A_34, %get3A_38 : vector<16xf32>
      %add3A_40 = arith.constant 16 : i32
      %add3A_41 = arith.addi %squeeze3A, %add3A_40 : i32
      %get3A_42 = arith.index_cast %add3A_30 : i32 to index
      %get3A_43 = arith.index_cast %add3A_41 : i32 to index
      %get3A_44 = tpu.vector_load %arg9[%get3A_42, %get3A_43] {strides = array<i32>} : memref<512x128xf32, #tpu.memory_space<vmem>>, vector<1x16xf32>,
      %get3A_45 = vector.shape_cast %get3A_44 : vector<1x16xf32> to vector<16xf32>
      %get3A_46 = arith.index_cast %add3A_30 : i32 to index
      %get3A_47 = arith.constant 16 : index
      %get3A_48 = tpu.vector_load %arg10[%get3A_46, %get3A_47] {strides = array<i32>} : memref<512x32xf32, #tpu.memory_space<vmem>>, vector<1x16xf32>,
      %get3A_49 = vector.shape_cast %get3A_48 : vector<1x16xf32> to vector<16xf32>
      %add3A_50 = arith.addf %get3A_45, %get3A_49 : vector<16xf32>
      %mul3A_51 = arith.mulf %add3A_39, %add3A_39 : vector<16xf32>
      %mul3A_52 = arith.mulf %add3A_50, %add3A_50 : vector<16xf32>
      %add3A_53 = arith.addf %mul3A_51, %mul3A_52 : vector<16xf32>
      %iota3A = tpu.iota {dimensions = array<i32: 0>} : vector<16xi32>
      %xor3A = arith.constant 8 : i32
      %xor3A_54 = vector.broadcast %xor3A : i32 to vector<16xi32>
      %xor3A_55 = arith.xori %iota3A, %xor3A_54 : vector<16xi32>
      %broadcast_in_dim3A = vector.shape_cast %xor3A_55 : vector<16xi32> to vector<16x1xi32>
      %gather3A = vector.shape_cast %broadcast_in_dim3A : vector<16x1xi32> to vector<16xi32>
      %gather3A_56 = tpu.dynamic_gather %add3A_53[%gather3A] in [0] : vector<16xf32>, vector<16xi32> -> vector<16xf32>
      %add3A_57 = arith.addf %add3A_53, %gather3A_56 : vector<16xf32>
      %iota3A_58 = tpu.iota {dimensions = array<i32: 0>} : vector<16xi32>
      %xor3A_59 = arith.constant 4 : i32
      %xor3A_60 = vector.broadcast %xor3A_59 : i32 to vector<16xi32>
      %xor3A_61 = arith.xori %iota3A_58, %xor3A_60 : vector<16xi32>
      %broadcast_in_dim3A_62 = vector.shape_cast %xor3A_61 : vector<16xi32> to vector<16x1xi32>
      %gather3A_63 = vector.shape_cast %broadcast_in_dim3A_62 : vector<16x1xi32> to vector<16xi32>
      %gather3A_64 = tpu.dynamic_gather %add3A_57[%gather3A_63] in [0] : vector<16xf32>, vector<16xi32> -> vector<16xf32>
      %add3A_65 = arith.addf %add3A_57, %gather3A_64 : vector<16xf32>
      %iota3A_66 = tpu.iota {dimensions = array<i32: 0>} : vector<16xi32>
      %xor3A_67 = arith.constant 2 : i32
      %xor3A_68 = vector.broadcast %xor3A_67 : i32 to vector<16xi32>
      %xor3A_69 = arith.xori %iota3A_66, %xor3A_68 : vector<16xi32>
      %broadcast_in_dim3A_70 = vector.shape_cast %xor3A_69 : vector<16xi32> to vector<16x1xi32>
      %gather3A_71 = vector.shape_cast %broadcast_in_dim3A_70 : vector<16x1xi32> to vector<16xi32>
      %gather3A_72 = tpu.dynamic_gather %add3A_65[%gather3A_71] in [0] : vector<16xf32>, vector<16xi32> -> vector<16xf32>
      %add3A_73 = arith.addf %add3A_65, %gather3A_72 : vector<16xf32>
      %iota3A_74 = tpu.iota {dimensions = array<i32: 0>} : vector<16xi32>
      %xor3A_75 = arith.constant 1 : i32
      %xor3A_76 = vector.broadcast %xor3A_75 : i32 to vector<16xi32>
      %xor3A_77 = arith.xori %iota3A_74, %xor3A_76 : vector<16xi32>
      %broadcast_in_dim3A_78 = vector.shape_cast %xor3A_77 : vector<16xi32> to vector<16x1xi32>
      %gather3A_79 = vector.shape_cast %broadcast_in_dim3A_78 : vector<16x1xi32> to vector<16xi32>
      %gather3A_80 = tpu.dynamic_gather %add3A_73[%gather3A_79] in [0] : vector<16xf32>, vector<16xi32> -> vector<16xf32>
      %add3A_81 = arith.addf %add3A_73, %gather3A_80 : vector<16xf32>
      %add3A_82 = arith.constant 1.000000e-30 : f32
      %add3A_83 = vector.broadcast %add3A_82 : f32 to vector<16xf32>
      %add3A_84 = arith.addf %add3A_81, %add3A_83 : vector<16xf32>
      %bitcast_convert_type3A = tpu.bitcast %add3A_84 : vector<16xf32> -> vector<16xi32>
      %shift_right_arithmetic3A = arith.constant 1 : i32
      %shift_right_arithmetic3A_85 = vector.broadcast %shift_right_arithmetic3A : i32 to vector<16xi32>
      %shift_right_arithmetic3A_86 = arith.shrsi %bitcast_convert_type3A, %shift_right_arithmetic3A_85 : vector<16xi32>
      %sub3A = arith.constant 1597463007 : i32
      %sub3A_87 = vector.broadcast %sub3A : i32 to vector<16xi32>
      %sub3A_88 = arith.subi %sub3A_87, %shift_right_arithmetic3A_86 : vector<16xi32>
      %bitcast_convert_type3A_89 = tpu.bitcast %sub3A_88 : vector<16xi32> -> vector<16xf32>
      %mul3A_90 = arith.constant 5.000000e-01 : f32
      %mul3A_91 = vector.broadcast %mul3A_90 : f32 to vector<16xf32>
      %mul3A_92 = arith.mulf %mul3A_91, %add3A_84 : vector<16xf32>
      %mul3A_93 = arith.mulf %mul3A_92, %bitcast_convert_type3A_89 : vector<16xf32>
      %mul3A_94 = arith.mulf %mul3A_93, %bitcast_convert_type3A_89 : vector<16xf32>
      %sub3A_95 = arith.constant 1.500000e+00 : f32
      %sub3A_96 = vector.broadcast %sub3A_95 : f32 to vector<16xf32>
      %sub3A_97 = arith.subf %sub3A_96, %mul3A_94 : vector<16xf32>
      %mul3A_98 = arith.mulf %bitcast_convert_type3A_89, %sub3A_97 : vector<16xf32>
      %mul3A_99 = arith.constant 5.000000e-01 : f32
      %mul3A_100 = vector.broadcast %mul3A_99 : f32 to vector<16xf32>
      %mul3A_101 = arith.mulf %mul3A_100, %add3A_84 : vector<16xf32>
      %mul3A_102 = arith.mulf %mul3A_101, %mul3A_98 : vector<16xf32>
      %mul3A_103 = arith.mulf %mul3A_102, %mul3A_98 : vector<16xf32>
      %sub3A_104 = arith.constant 1.500000e+00 : f32
      %sub3A_105 = vector.broadcast %sub3A_104 : f32 to vector<16xf32>
      %sub3A_106 = arith.subf %sub3A_105, %mul3A_103 : vector<16xf32>
      %mul3A_107 = arith.mulf %mul3A_98, %sub3A_106 : vector<16xf32>
      %mul3A_108 = arith.constant 5.000000e-01 : f32
      %mul3A_109 = vector.broadcast %mul3A_108 : f32 to vector<16xf32>
      %mul3A_110 = arith.mulf %mul3A_109, %add3A_84 : vector<16xf32>
      %mul3A_111 = arith.mulf %mul3A_110, %mul3A_107 : vector<16xf32>
      %mul3A_112 = arith.mulf %mul3A_111, %mul3A_107 : vector<16xf32>
      %sub3A_113 = arith.constant 1.500000e+00 : f32
      %sub3A_114 = vector.broadcast %sub3A_113 : f32 to vector<16xf32>
      %sub3A_115 = arith.subf %sub3A_114, %mul3A_112 : vector<16xf32>
      %mul3A_116 = arith.mulf %mul3A_107, %sub3A_115 : vector<16xf32>
      %mul3A_117 = arith.mulf %add3A_39, %mul3A_116 : vector<16xf32>
      %swap3A = arith.index_cast %add3A_30 : i32 to index
      %swap3A_118 = arith.constant 0 : index
      %swap3A_119 = tpu.vector_load %arg11[%swap3A, %swap3A_118] {strides = array<i32>} : memref<512x32xf32, #tpu.memory_space<vmem>>, vector<1x16xf32>,
      %swap3A_120 = vector.shape_cast %swap3A_119 : vector<1x16xf32> to vector<16xf32>
      %swap3A_121 = vector.shape_cast %mul3A_117 : vector<16xf32> to vector<1x16xf32>
      tpu.vector_store %arg11[%swap3A, %swap3A_118], %swap3A_121 {strides = array<i32>} : memref<512x32xf32, #tpu.memory_space<vmem>>, vector<1x16xf32>,
      %mul3A_122 = arith.mulf %add3A_50, %mul3A_116 : vector<16xf32>
      %swap3A_123 = arith.index_cast %add3A_30 : i32 to index
      %swap3A_124 = arith.constant 16 : index
      %swap3A_125 = tpu.vector_load %arg11[%swap3A_123, %swap3A_124] {strides = array<i32>} : memref<512x32xf32, #tpu.memory_space<vmem>>, vector<1x16xf32>,
      %swap3A_126 = vector.shape_cast %swap3A_125 : vector<1x16xf32> to vector<16xf32>
      %swap3A_127 = vector.shape_cast %mul3A_122 : vector<16xf32> to vector<1x16xf32>
      tpu.vector_store %arg11[%swap3A_123, %swap3A_124], %swap3A_127 {strides = array<i32>} : memref<512x32xf32, #tpu.memory_space<vmem>>, vector<1x16xf32>,
      %add3A_128 = arith.constant 1 : i32
      %add3A_129 = arith.addi %multiple_of3A, %add3A_128 : i32
      %slice3A_130 = vector.extract_strided_slice %get3A_28 {offsets = [1], sizes = [1], strides = [1]} : vector<16xi32> to vector<1xi32>
      %squeeze3A_131 = vector.extract %slice3A_130[0] : i32 from vector<1xi32>
      %get3A_132 = arith.index_cast %add3A_129 : i32 to index
      %get3A_133 = arith.index_cast %squeeze3A_131 : i32 to index
      %get3A_134 = tpu.vector_load %arg9[%get3A_132, %get3A_133] {strides = array<i32>} : memref<512x128xf32, #tpu.memory_space<vmem>>, vector<1x16xf32>,
      %get3A_135 = vector.shape_cast %get3A_134 : vector<1x16xf32> to vector<16xf32>
      %get3A_136 = arith.index_cast %add3A_129 : i32 to index
      %get3A_137 = arith.constant 0 : index
      %get3A_138 = tpu.vector_load %arg10[%get3A_136, %get3A_137] {strides = array<i32>} : memref<512x32xf32, #tpu.memory_space<vmem>>, vector<1x16xf32>,
      %get3A_139 = vector.shape_cast %get3A_138 : vector<1x16xf32> to vector<16xf32>
      %add3A_140 = arith.addf %get3A_135, %get3A_139 : vector<16xf32>
      %add3A_141 = arith.constant 16 : i32
      %add3A_142 = arith.addi %squeeze3A_131, %add3A_141 : i32
      %get3A_143 = arith.index_cast %add3A_129 : i32 to index
      %get3A_144 = arith.index_cast %add3A_142 : i32 to index
      %get3A_145 = tpu.vector_load %arg9[%get3A_143, %get3A_144] {strides = array<i32>} : memref<512x128xf32, #tpu.memory_space<vmem>>, vector<1x16xf32>,
      %get3A_146 = vector.shape_cast %get3A_145 : vector<1x16xf32> to vector<16xf32>
      %get3A_147 = arith.index_cast %add3A_129 : i32 to index
      %get3A_148 = arith.constant 16 : index
      %get3A_149 = tpu.vector_load %arg10[%get3A_147, %get3A_148] {strides = array<i32>} : memref<512x32xf32, #tpu.memory_space<vmem>>, vector<1x16xf32>,
      %get3A_150 = vector.shape_cast %get3A_149 : vector<1x16xf32> to vector<16xf32>
      %add3A_151 = arith.addf %get3A_146, %get3A_150 : vector<16xf32>
      %mul3A_152 = arith.mulf %add3A_140, %add3A_140 : vector<16xf32>
      %mul3A_153 = arith.mulf %add3A_151, %add3A_151 : vector<16xf32>
      %add3A_154 = arith.addf %mul3A_152, %mul3A_153 : vector<16xf32>
      %iota3A_155 = tpu.iota {dimensions = array<i32: 0>} : vector<16xi32>
      %xor3A_156 = arith.constant 8 : i32
      %xor3A_157 = vector.broadcast %xor3A_156 : i32 to vector<16xi32>
      %xor3A_158 = arith.xori %iota3A_155, %xor3A_157 : vector<16xi32>
      %broadcast_in_dim3A_159 = vector.shape_cast %xor3A_158 : vector<16xi32> to vector<16x1xi32>
      %gather3A_160 = vector.shape_cast %broadcast_in_dim3A_159 : vector<16x1xi32> to vector<16xi32>
      %gather3A_161 = tpu.dynamic_gather %add3A_154[%gather3A_160] in [0] : vector<16xf32>, vector<16xi32> -> vector<16xf32>
      %add3A_162 = arith.addf %add3A_154, %gather3A_161 : vector<16xf32>
      %iota3A_163 = tpu.iota {dimensions = array<i32: 0>} : vector<16xi32>
      %xor3A_164 = arith.constant 4 : i32
      %xor3A_165 = vector.broadcast %xor3A_164 : i32 to vector<16xi32>
      %xor3A_166 = arith.xori %iota3A_163, %xor3A_165 : vector<16xi32>
      %broadcast_in_dim3A_167 = vector.shape_cast %xor3A_166 : vector<16xi32> to vector<16x1xi32>
      %gather3A_168 = vector.shape_cast %broadcast_in_dim3A_167 : vector<16x1xi32> to vector<16xi32>
      %gather3A_169 = tpu.dynamic_gather %add3A_162[%gather3A_168] in [0] : vector<16xf32>, vector<16xi32> -> vector<16xf32>
      %add3A_170 = arith.addf %add3A_162, %gather3A_169 : vector<16xf32>
      %iota3A_171 = tpu.iota {dimensions = array<i32: 0>} : vector<16xi32>
      %xor3A_172 = arith.constant 2 : i32
      %xor3A_173 = vector.broadcast %xor3A_172 : i32 to vector<16xi32>
      %xor3A_174 = arith.xori %iota3A_171, %xor3A_173 : vector<16xi32>
      %broadcast_in_dim3A_175 = vector.shape_cast %xor3A_174 : vector<16xi32> to vector<16x1xi32>
      %gather3A_176 = vector.shape_cast %broadcast_in_dim3A_175 : vector<16x1xi32> to vector<16xi32>
      %gather3A_177 = tpu.dynamic_gather %add3A_170[%gather3A_176] in [0] : vector<16xf32>, vector<16xi32> -> vector<16xf32>
      %add3A_178 = arith.addf %add3A_170, %gather3A_177 : vector<16xf32>
      %iota3A_179 = tpu.iota {dimensions = array<i32: 0>} : vector<16xi32>
      %xor3A_180 = arith.constant 1 : i32
      %xor3A_181 = vector.broadcast %xor3A_180 : i32 to vector<16xi32>
      %xor3A_182 = arith.xori %iota3A_179, %xor3A_181 : vector<16xi32>
      %broadcast_in_dim3A_183 = vector.shape_cast %xor3A_182 : vector<16xi32> to vector<16x1xi32>
      %gather3A_184 = vector.shape_cast %broadcast_in_dim3A_183 : vector<16x1xi32> to vector<16xi32>
      %gather3A_185 = tpu.dynamic_gather %add3A_178[%gather3A_184] in [0] : vector<16xf32>, vector<16xi32> -> vector<16xf32>
      %add3A_186 = arith.addf %add3A_178, %gather3A_185 : vector<16xf32>
      %add3A_187 = arith.constant 1.000000e-30 : f32
      %add3A_188 = vector.broadcast %add3A_187 : f32 to vector<16xf32>
      %add3A_189 = arith.addf %add3A_186, %add3A_188 : vector<16xf32>
      %bitcast_convert_type3A_190 = tpu.bitcast %add3A_189 : vector<16xf32> -> vector<16xi32>
      %shift_right_arithmetic3A_191 = arith.constant 1 : i32
      %shift_right_arithmetic3A_192 = vector.broadcast %shift_right_arithmetic3A_191 : i32 to vector<16xi32>
      %shift_right_arithmetic3A_193 = arith.shrsi %bitcast_convert_type3A_190, %shift_right_arithmetic3A_192 : vector<16xi32>
      %sub3A_194 = arith.constant 1597463007 : i32
      %sub3A_195 = vector.broadcast %sub3A_194 : i32 to vector<16xi32>
      %sub3A_196 = arith.subi %sub3A_195, %shift_right_arithmetic3A_193 : vector<16xi32>
      %bitcast_convert_type3A_197 = tpu.bitcast %sub3A_196 : vector<16xi32> -> vector<16xf32>
      %mul3A_198 = arith.constant 5.000000e-01 : f32
      %mul3A_199 = vector.broadcast %mul3A_198 : f32 to vector<16xf32>
      %mul3A_200 = arith.mulf %mul3A_199, %add3A_189 : vector<16xf32>
      %mul3A_201 = arith.mulf %mul3A_200, %bitcast_convert_type3A_197 : vector<16xf32>
      %mul3A_202 = arith.mulf %mul3A_201, %bitcast_convert_type3A_197 : vector<16xf32>
      %sub3A_203 = arith.constant 1.500000e+00 : f32
      %sub3A_204 = vector.broadcast %sub3A_203 : f32 to vector<16xf32>
      %sub3A_205 = arith.subf %sub3A_204, %mul3A_202 : vector<16xf32>
      %mul3A_206 = arith.mulf %bitcast_convert_type3A_197, %sub3A_205 : vector<16xf32>
      %mul3A_207 = arith.constant 5.000000e-01 : f32
      %mul3A_208 = vector.broadcast %mul3A_207 : f32 to vector<16xf32>
      %mul3A_209 = arith.mulf %mul3A_208, %add3A_189 : vector<16xf32>
      %mul3A_210 = arith.mulf %mul3A_209, %mul3A_206 : vector<16xf32>
      %mul3A_211 = arith.mulf %mul3A_210, %mul3A_206 : vector<16xf32>
      %sub3A_212 = arith.constant 1.500000e+00 : f32
      %sub3A_213 = vector.broadcast %sub3A_212 : f32 to vector<16xf32>
      %sub3A_214 = arith.subf %sub3A_213, %mul3A_211 : vector<16xf32>
      %mul3A_215 = arith.mulf %mul3A_206, %sub3A_214 : vector<16xf32>
      %mul3A_216 = arith.constant 5.000000e-01 : f32
      %mul3A_217 = vector.broadcast %mul3A_216 : f32 to vector<16xf32>
      %mul3A_218 = arith.mulf %mul3A_217, %add3A_189 : vector<16xf32>
      %mul3A_219 = arith.mulf %mul3A_218, %mul3A_215 : vector<16xf32>
      %mul3A_220 = arith.mulf %mul3A_219, %mul3A_215 : vector<16xf32>
      %sub3A_221 = arith.constant 1.500000e+00 : f32
      %sub3A_222 = vector.broadcast %sub3A_221 : f32 to vector<16xf32>
      %sub3A_223 = arith.subf %sub3A_222, %mul3A_220 : vector<16xf32>
      %mul3A_224 = arith.mulf %mul3A_215, %sub3A_223 : vector<16xf32>
      %mul3A_225 = arith.mulf %add3A_140, %mul3A_224 : vector<16xf32>
      %swap3A_226 = arith.index_cast %add3A_129 : i32 to index
      %swap3A_227 = arith.constant 0 : index
      %swap3A_228 = tpu.vector_load %arg11[%swap3A_226, %swap3A_227] {strides = array<i32>} : memref<512x32xf32, #tpu.memory_space<vmem>>, vector<1x16xf32>,
      %swap3A_229 = vector.shape_cast %swap3A_228 : vector<1x16xf32> to vector<16xf32>
      %swap3A_230 = vector.shape_cast %mul3A_225 : vector<16xf32> to vector<1x16xf32>
      tpu.vector_store %arg11[%swap3A_226, %swap3A_227], %swap3A_230 {strides = array<i32>} : memref<512x32xf32, #tpu.memory_space<vmem>>, vector<1x16xf32>,
      %mul3A_231 = arith.mulf %add3A_151, %mul3A_224 : vector<16xf32>
      %swap3A_232 = arith.index_cast %add3A_129 : i32 to index
      %swap3A_233 = arith.constant 16 : index
      %swap3A_234 = tpu.vector_load %arg11[%swap3A_232, %swap3A_233] {strides = array<i32>} : memref<512x32xf32, #tpu.memory_space<vmem>>, vector<1x16xf32>,
      %swap3A_235 = vector.shape_cast %swap3A_234 : vector<1x16xf32> to vector<16xf32>
      %swap3A_236 = vector.shape_cast %mul3A_231 : vector<16xf32> to vector<1x16xf32>
      tpu.vector_store %arg11[%swap3A_232, %swap3A_233], %swap3A_236 {strides = array<i32>} : memref<512x32xf32, #tpu.memory_space<vmem>>, vector<1x16xf32>,
      %add3A_237 = arith.constant 2 : i32
      %add3A_238 = arith.addi %multiple_of3A, %add3A_237 : i32
      %slice3A_239 = vector.extract_strided_slice %get3A_28 {offsets = [2], sizes = [1], strides = [1]} : vector<16xi32> to vector<1xi32>
      %squeeze3A_240 = vector.extract %slice3A_239[0] : i32 from vector<1xi32>
      %get3A_241 = arith.index_cast %add3A_238 : i32 to index
      %get3A_242 = arith.index_cast %squeeze3A_240 : i32 to index
      %get3A_243 = tpu.vector_load %arg9[%get3A_241, %get3A_242] {strides = array<i32>} : memref<512x128xf32, #tpu.memory_space<vmem>>, vector<1x16xf32>,
      %get3A_244 = vector.shape_cast %get3A_243 : vector<1x16xf32> to vector<16xf32>
      %get3A_245 = arith.index_cast %add3A_238 : i32 to index
      %get3A_246 = arith.constant 0 : index
      %get3A_247 = tpu.vector_load %arg10[%get3A_245, %get3A_246] {strides = array<i32>} : memref<512x32xf32, #tpu.memory_space<vmem>>, vector<1x16xf32>,
      %get3A_248 = vector.shape_cast %get3A_247 : vector<1x16xf32> to vector<16xf32>
      %add3A_249 = arith.addf %get3A_244, %get3A_248 : vector<16xf32>
      %add3A_250 = arith.constant 16 : i32
      %add3A_251 = arith.addi %squeeze3A_240, %add3A_250 : i32
      %get3A_252 = arith.index_cast %add3A_238 : i32 to index
      %get3A_253 = arith.index_cast %add3A_251 : i32 to index
      %get3A_254 = tpu.vector_load %arg9[%get3A_252, %get3A_253] {strides = array<i32>} : memref<512x128xf32, #tpu.memory_space<vmem>>, vector<1x16xf32>,
      %get3A_255 = vector.shape_cast %get3A_254 : vector<1x16xf32> to vector<16xf32>
      %get3A_256 = arith.index_cast %add3A_238 : i32 to index
      %get3A_257 = arith.constant 16 : index
      %get3A_258 = tpu.vector_load %arg10[%get3A_256, %get3A_257] {strides = array<i32>} : memref<512x32xf32, #tpu.memory_space<vmem>>, vector<1x16xf32>,
      %get3A_259 = vector.shape_cast %get3A_258 : vector<1x16xf32> to vector<16xf32>
      %add3A_260 = arith.addf %get3A_255, %get3A_259 : vector<16xf32>
      %mul3A_261 = arith.mulf %add3A_249, %add3A_249 : vector<16xf32>
      %mul3A_262 = arith.mulf %add3A_260, %add3A_260 : vector<16xf32>
      %add3A_263 = arith.addf %mul3A_261, %mul3A_262 : vector<16xf32>
      %iota3A_264 = tpu.iota {dimensions = array<i32: 0>} : vector<16xi32>
      %xor3A_265 = arith.constant 8 : i32
      %xor3A_266 = vector.broadcast %xor3A_265 : i32 to vector<16xi32>
      %xor3A_267 = arith.xori %iota3A_264, %xor3A_266 : vector<16xi32>
      %broadcast_in_dim3A_268 = vector.shape_cast %xor3A_267 : vector<16xi32> to vector<16x1xi32>
      %gather3A_269 = vector.shape_cast %broadcast_in_dim3A_268 : vector<16x1xi32> to vector<16xi32>
      %gather3A_270 = tpu.dynamic_gather %add3A_263[%gather3A_269] in [0] : vector<16xf32>, vector<16xi32> -> vector<16xf32>
      %add3A_271 = arith.addf %add3A_263, %gather3A_270 : vector<16xf32>
      %iota3A_272 = tpu.iota {dimensions = array<i32: 0>} : vector<16xi32>
      %xor3A_273 = arith.constant 4 : i32
      %xor3A_274 = vector.broadcast %xor3A_273 : i32 to vector<16xi32>
      %xor3A_275 = arith.xori %iota3A_272, %xor3A_274 : vector<16xi32>
      %broadcast_in_dim3A_276 = vector.shape_cast %xor3A_275 : vector<16xi32> to vector<16x1xi32>
      %gather3A_277 = vector.shape_cast %broadcast_in_dim3A_276 : vector<16x1xi32> to vector<16xi32>
      %gather3A_278 = tpu.dynamic_gather %add3A_271[%gather3A_277] in [0] : vector<16xf32>, vector<16xi32> -> vector<16xf32>
      %add3A_279 = arith.addf %add3A_271, %gather3A_278 : vector<16xf32>
      %iota3A_280 = tpu.iota {dimensions = array<i32: 0>} : vector<16xi32>
      %xor3A_281 = arith.constant 2 : i32
      %xor3A_282 = vector.broadcast %xor3A_281 : i32 to vector<16xi32>
      %xor3A_283 = arith.xori %iota3A_280, %xor3A_282 : vector<16xi32>
      %broadcast_in_dim3A_284 = vector.shape_cast %xor3A_283 : vector<16xi32> to vector<16x1xi32>
      %gather3A_285 = vector.shape_cast %broadcast_in_dim3A_284 : vector<16x1xi32> to vector<16xi32>
      %gather3A_286 = tpu.dynamic_gather %add3A_279[%gather3A_285] in [0] : vector<16xf32>, vector<16xi32> -> vector<16xf32>
      %add3A_287 = arith.addf %add3A_279, %gather3A_286 : vector<16xf32>
      %iota3A_288 = tpu.iota {dimensions = array<i32: 0>} : vector<16xi32>
      %xor3A_289 = arith.constant 1 : i32
      %xor3A_290 = vector.broadcast %xor3A_289 : i32 to vector<16xi32>
      %xor3A_291 = arith.xori %iota3A_288, %xor3A_290 : vector<16xi32>
      %broadcast_in_dim3A_292 = vector.shape_cast %xor3A_291 : vector<16xi32> to vector<16x1xi32>
      %gather3A_293 = vector.shape_cast %broadcast_in_dim3A_292 : vector<16x1xi32> to vector<16xi32>
      %gather3A_294 = tpu.dynamic_gather %add3A_287[%gather3A_293] in [0] : vector<16xf32>, vector<16xi32> -> vector<16xf32>
      %add3A_295 = arith.addf %add3A_287, %gather3A_294 : vector<16xf32>
      %add3A_296 = arith.constant 1.000000e-30 : f32
      %add3A_297 = vector.broadcast %add3A_296 : f32 to vector<16xf32>
      %add3A_298 = arith.addf %add3A_295, %add3A_297 : vector<16xf32>
      %bitcast_convert_type3A_299 = tpu.bitcast %add3A_298 : vector<16xf32> -> vector<16xi32>
      %shift_right_arithmetic3A_300 = arith.constant 1 : i32
      %shift_right_arithmetic3A_301 = vector.broadcast %shift_right_arithmetic3A_300 : i32 to vector<16xi32>
      %shift_right_arithmetic3A_302 = arith.shrsi %bitcast_convert_type3A_299, %shift_right_arithmetic3A_301 : vector<16xi32>
      %sub3A_303 = arith.constant 1597463007 : i32
      %sub3A_304 = vector.broadcast %sub3A_303 : i32 to vector<16xi32>
      %sub3A_305 = arith.subi %sub3A_304, %shift_right_arithmetic3A_302 : vector<16xi32>
      %bitcast_convert_type3A_306 = tpu.bitcast %sub3A_305 : vector<16xi32> -> vector<16xf32>
      %mul3A_307 = arith.constant 5.000000e-01 : f32
      %mul3A_308 = vector.broadcast %mul3A_307 : f32 to vector<16xf32>
      %mul3A_309 = arith.mulf %mul3A_308, %add3A_298 : vector<16xf32>
      %mul3A_310 = arith.mulf %mul3A_309, %bitcast_convert_type3A_306 : vector<16xf32>
      %mul3A_311 = arith.mulf %mul3A_310, %bitcast_convert_type3A_306 : vector<16xf32>
      %sub3A_312 = arith.constant 1.500000e+00 : f32
      %sub3A_313 = vector.broadcast %sub3A_312 : f32 to vector<16xf32>
      %sub3A_314 = arith.subf %sub3A_313, %mul3A_311 : vector<16xf32>
      %mul3A_315 = arith.mulf %bitcast_convert_type3A_306, %sub3A_314 : vector<16xf32>
      %mul3A_316 = arith.constant 5.000000e-01 : f32
      %mul3A_317 = vector.broadcast %mul3A_316 : f32 to vector<16xf32>
      %mul3A_318 = arith.mulf %mul3A_317, %add3A_298 : vector<16xf32>
      %mul3A_319 = arith.mulf %mul3A_318, %mul3A_315 : vector<16xf32>
      %mul3A_320 = arith.mulf %mul3A_319, %mul3A_315 : vector<16xf32>
      %sub3A_321 = arith.constant 1.500000e+00 : f32
      %sub3A_322 = vector.broadcast %sub3A_321 : f32 to vector<16xf32>
      %sub3A_323 = arith.subf %sub3A_322, %mul3A_320 : vector<16xf32>
      %mul3A_324 = arith.mulf %mul3A_315, %sub3A_323 : vector<16xf32>
      %mul3A_325 = arith.constant 5.000000e-01 : f32
      %mul3A_326 = vector.broadcast %mul3A_325 : f32 to vector<16xf32>
      %mul3A_327 = arith.mulf %mul3A_326, %add3A_298 : vector<16xf32>
      %mul3A_328 = arith.mulf %mul3A_327, %mul3A_324 : vector<16xf32>
      %mul3A_329 = arith.mulf %mul3A_328, %mul3A_324 : vector<16xf32>
      %sub3A_330 = arith.constant 1.500000e+00 : f32
      %sub3A_331 = vector.broadcast %sub3A_330 : f32 to vector<16xf32>
      %sub3A_332 = arith.subf %sub3A_331, %mul3A_329 : vector<16xf32>
      %mul3A_333 = arith.mulf %mul3A_324, %sub3A_332 : vector<16xf32>
      %mul3A_334 = arith.mulf %add3A_249, %mul3A_333 : vector<16xf32>
      %swap3A_335 = arith.index_cast %add3A_238 : i32 to index
      %swap3A_336 = arith.constant 0 : index
      %swap3A_337 = tpu.vector_load %arg11[%swap3A_335, %swap3A_336] {strides = array<i32>} : memref<512x32xf32, #tpu.memory_space<vmem>>, vector<1x16xf32>,
      %swap3A_338 = vector.shape_cast %swap3A_337 : vector<1x16xf32> to vector<16xf32>
      %swap3A_339 = vector.shape_cast %mul3A_334 : vector<16xf32> to vector<1x16xf32>
      tpu.vector_store %arg11[%swap3A_335, %swap3A_336], %swap3A_339 {strides = array<i32>} : memref<512x32xf32, #tpu.memory_space<vmem>>, vector<1x16xf32>,
      %mul3A_340 = arith.mulf %add3A_260, %mul3A_333 : vector<16xf32>
      %swap3A_341 = arith.index_cast %add3A_238 : i32 to index
      %swap3A_342 = arith.constant 16 : index
      %swap3A_343 = tpu.vector_load %arg11[%swap3A_341, %swap3A_342] {strides = array<i32>} : memref<512x32xf32, #tpu.memory_space<vmem>>, vector<1x16xf32>,
      %swap3A_344 = vector.shape_cast %swap3A_343 : vector<1x16xf32> to vector<16xf32>
      %swap3A_345 = vector.shape_cast %mul3A_340 : vector<16xf32> to vector<1x16xf32>
      tpu.vector_store %arg11[%swap3A_341, %swap3A_342], %swap3A_345 {strides = array<i32>} : memref<512x32xf32, #tpu.memory_space<vmem>>, vector<1x16xf32>,
      %add3A_346 = arith.constant 3 : i32
      %add3A_347 = arith.addi %multiple_of3A, %add3A_346 : i32
      %slice3A_348 = vector.extract_strided_slice %get3A_28 {offsets = [3], sizes = [1], strides = [1]} : vector<16xi32> to vector<1xi32>
      %squeeze3A_349 = vector.extract %slice3A_348[0] : i32 from vector<1xi32>
      %get3A_350 = arith.index_cast %add3A_347 : i32 to index
      %get3A_351 = arith.index_cast %squeeze3A_349 : i32 to index
      %get3A_352 = tpu.vector_load %arg9[%get3A_350, %get3A_351] {strides = array<i32>} : memref<512x128xf32, #tpu.memory_space<vmem>>, vector<1x16xf32>,
      %get3A_353 = vector.shape_cast %get3A_352 : vector<1x16xf32> to vector<16xf32>
      %get3A_354 = arith.index_cast %add3A_347 : i32 to index
      %get3A_355 = arith.constant 0 : index
      %get3A_356 = tpu.vector_load %arg10[%get3A_354, %get3A_355] {strides = array<i32>} : memref<512x32xf32, #tpu.memory_space<vmem>>, vector<1x16xf32>,
      %get3A_357 = vector.shape_cast %get3A_356 : vector<1x16xf32> to vector<16xf32>
      %add3A_358 = arith.addf %get3A_353, %get3A_357 : vector<16xf32>
      %add3A_359 = arith.constant 16 : i32
      %add3A_360 = arith.addi %squeeze3A_349, %add3A_359 : i32
      %get3A_361 = arith.index_cast %add3A_347 : i32 to index
      %get3A_362 = arith.index_cast %add3A_360 : i32 to index
      %get3A_363 = tpu.vector_load %arg9[%get3A_361, %get3A_362] {strides = array<i32>} : memref<512x128xf32, #tpu.memory_space<vmem>>, vector<1x16xf32>,
      %get3A_364 = vector.shape_cast %get3A_363 : vector<1x16xf32> to vector<16xf32>
      %get3A_365 = arith.index_cast %add3A_347 : i32 to index
      %get3A_366 = arith.constant 16 : index
      %get3A_367 = tpu.vector_load %arg10[%get3A_365, %get3A_366] {strides = array<i32>} : memref<512x32xf32, #tpu.memory_space<vmem>>, vector<1x16xf32>,
      %get3A_368 = vector.shape_cast %get3A_367 : vector<1x16xf32> to vector<16xf32>
      %add3A_369 = arith.addf %get3A_364, %get3A_368 : vector<16xf32>
      %mul3A_370 = arith.mulf %add3A_358, %add3A_358 : vector<16xf32>
      %mul3A_371 = arith.mulf %add3A_369, %add3A_369 : vector<16xf32>
      %add3A_372 = arith.addf %mul3A_370, %mul3A_371 : vector<16xf32>
      %iota3A_373 = tpu.iota {dimensions = array<i32: 0>} : vector<16xi32>
      %xor3A_374 = arith.constant 8 : i32
      %xor3A_375 = vector.broadcast %xor3A_374 : i32 to vector<16xi32>
      %xor3A_376 = arith.xori %iota3A_373, %xor3A_375 : vector<16xi32>
      %broadcast_in_dim3A_377 = vector.shape_cast %xor3A_376 : vector<16xi32> to vector<16x1xi32>
      %gather3A_378 = vector.shape_cast %broadcast_in_dim3A_377 : vector<16x1xi32> to vector<16xi32>
      %gather3A_379 = tpu.dynamic_gather %add3A_372[%gather3A_378] in [0] : vector<16xf32>, vector<16xi32> -> vector<16xf32>
      %add3A_380 = arith.addf %add3A_372, %gather3A_379 : vector<16xf32>
      %iota3A_381 = tpu.iota {dimensions = array<i32: 0>} : vector<16xi32>
      %xor3A_382 = arith.constant 4 : i32
      %xor3A_383 = vector.broadcast %xor3A_382 : i32 to vector<16xi32>
      %xor3A_384 = arith.xori %iota3A_381, %xor3A_383 : vector<16xi32>
      %broadcast_in_dim3A_385 = vector.shape_cast %xor3A_384 : vector<16xi32> to vector<16x1xi32>
      %gather3A_386 = vector.shape_cast %broadcast_in_dim3A_385 : vector<16x1xi32> to vector<16xi32>
      %gather3A_387 = tpu.dynamic_gather %add3A_380[%gather3A_386] in [0] : vector<16xf32>, vector<16xi32> -> vector<16xf32>
      %add3A_388 = arith.addf %add3A_380, %gather3A_387 : vector<16xf32>
      %iota3A_389 = tpu.iota {dimensions = array<i32: 0>} : vector<16xi32>
      %xor3A_390 = arith.constant 2 : i32
      %xor3A_391 = vector.broadcast %xor3A_390 : i32 to vector<16xi32>
      %xor3A_392 = arith.xori %iota3A_389, %xor3A_391 : vector<16xi32>
      %broadcast_in_dim3A_393 = vector.shape_cast %xor3A_392 : vector<16xi32> to vector<16x1xi32>
      %gather3A_394 = vector.shape_cast %broadcast_in_dim3A_393 : vector<16x1xi32> to vector<16xi32>
      %gather3A_395 = tpu.dynamic_gather %add3A_388[%gather3A_394] in [0] : vector<16xf32>, vector<16xi32> -> vector<16xf32>
      %add3A_396 = arith.addf %add3A_388, %gather3A_395 : vector<16xf32>
      %iota3A_397 = tpu.iota {dimensions = array<i32: 0>} : vector<16xi32>
      %xor3A_398 = arith.constant 1 : i32
      %xor3A_399 = vector.broadcast %xor3A_398 : i32 to vector<16xi32>
      %xor3A_400 = arith.xori %iota3A_397, %xor3A_399 : vector<16xi32>
      %broadcast_in_dim3A_401 = vector.shape_cast %xor3A_400 : vector<16xi32> to vector<16x1xi32>
      %gather3A_402 = vector.shape_cast %broadcast_in_dim3A_401 : vector<16x1xi32> to vector<16xi32>
      %gather3A_403 = tpu.dynamic_gather %add3A_396[%gather3A_402] in [0] : vector<16xf32>, vector<16xi32> -> vector<16xf32>
      %add3A_404 = arith.addf %add3A_396, %gather3A_403 : vector<16xf32>
      %add3A_405 = arith.constant 1.000000e-30 : f32
      %add3A_406 = vector.broadcast %add3A_405 : f32 to vector<16xf32>
      %add3A_407 = arith.addf %add3A_404, %add3A_406 : vector<16xf32>
      %bitcast_convert_type3A_408 = tpu.bitcast %add3A_407 : vector<16xf32> -> vector<16xi32>
      %shift_right_arithmetic3A_409 = arith.constant 1 : i32
      %shift_right_arithmetic3A_410 = vector.broadcast %shift_right_arithmetic3A_409 : i32 to vector<16xi32>
      %shift_right_arithmetic3A_411 = arith.shrsi %bitcast_convert_type3A_408, %shift_right_arithmetic3A_410 : vector<16xi32>
      %sub3A_412 = arith.constant 1597463007 : i32
      %sub3A_413 = vector.broadcast %sub3A_412 : i32 to vector<16xi32>
      %sub3A_414 = arith.subi %sub3A_413, %shift_right_arithmetic3A_411 : vector<16xi32>
      %bitcast_convert_type3A_415 = tpu.bitcast %sub3A_414 : vector<16xi32> -> vector<16xf32>
      %mul3A_416 = arith.constant 5.000000e-01 : f32
      %mul3A_417 = vector.broadcast %mul3A_416 : f32 to vector<16xf32>
      %mul3A_418 = arith.mulf %mul3A_417, %add3A_407 : vector<16xf32>
      %mul3A_419 = arith.mulf %mul3A_418, %bitcast_convert_type3A_415 : vector<16xf32>
      %mul3A_420 = arith.mulf %mul3A_419, %bitcast_convert_type3A_415 : vector<16xf32>
      %sub3A_421 = arith.constant 1.500000e+00 : f32
      %sub3A_422 = vector.broadcast %sub3A_421 : f32 to vector<16xf32>
      %sub3A_423 = arith.subf %sub3A_422, %mul3A_420 : vector<16xf32>
      %mul3A_424 = arith.mulf %bitcast_convert_type3A_415, %sub3A_423 : vector<16xf32>
      %mul3A_425 = arith.constant 5.000000e-01 : f32
      %mul3A_426 = vector.broadcast %mul3A_425 : f32 to vector<16xf32>
      %mul3A_427 = arith.mulf %mul3A_426, %add3A_407 : vector<16xf32>
      %mul3A_428 = arith.mulf %mul3A_427, %mul3A_424 : vector<16xf32>
      %mul3A_429 = arith.mulf %mul3A_428, %mul3A_424 : vector<16xf32>
      %sub3A_430 = arith.constant 1.500000e+00 : f32
      %sub3A_431 = vector.broadcast %sub3A_430 : f32 to vector<16xf32>
      %sub3A_432 = arith.subf %sub3A_431, %mul3A_429 : vector<16xf32>
      %mul3A_433 = arith.mulf %mul3A_424, %sub3A_432 : vector<16xf32>
      %mul3A_434 = arith.constant 5.000000e-01 : f32
      %mul3A_435 = vector.broadcast %mul3A_434 : f32 to vector<16xf32>
      %mul3A_436 = arith.mulf %mul3A_435, %add3A_407 : vector<16xf32>
      %mul3A_437 = arith.mulf %mul3A_436, %mul3A_433 : vector<16xf32>
      %mul3A_438 = arith.mulf %mul3A_437, %mul3A_433 : vector<16xf32>
      %sub3A_439 = arith.constant 1.500000e+00 : f32
      %sub3A_440 = vector.broadcast %sub3A_439 : f32 to vector<16xf32>
      %sub3A_441 = arith.subf %sub3A_440, %mul3A_438 : vector<16xf32>
      %mul3A_442 = arith.mulf %mul3A_433, %sub3A_441 : vector<16xf32>
      %mul3A_443 = arith.mulf %add3A_358, %mul3A_442 : vector<16xf32>
      %swap3A_444 = arith.index_cast %add3A_347 : i32 to index
      %swap3A_445 = arith.constant 0 : index
      %swap3A_446 = tpu.vector_load %arg11[%swap3A_444, %swap3A_445] {strides = array<i32>} : memref<512x32xf32, #tpu.memory_space<vmem>>, vector<1x16xf32>,
      %swap3A_447 = vector.shape_cast %swap3A_446 : vector<1x16xf32> to vector<16xf32>
      %swap3A_448 = vector.shape_cast %mul3A_443 : vector<16xf32> to vector<1x16xf32>
      tpu.vector_store %arg11[%swap3A_444, %swap3A_445], %swap3A_448 {strides = array<i32>} : memref<512x32xf32, #tpu.memory_space<vmem>>, vector<1x16xf32>,
      %mul3A_449 = arith.mulf %add3A_369, %mul3A_442 : vector<16xf32>
      %swap3A_450 = arith.index_cast %add3A_347 : i32 to index
      %swap3A_451 = arith.constant 16 : index
      %swap3A_452 = tpu.vector_load %arg11[%swap3A_450, %swap3A_451] {strides = array<i32>} : memref<512x32xf32, #tpu.memory_space<vmem>>, vector<1x16xf32>,
      %swap3A_453 = vector.shape_cast %swap3A_452 : vector<1x16xf32> to vector<16xf32>
      %swap3A_454 = vector.shape_cast %mul3A_449 : vector<16xf32> to vector<1x16xf32>
      tpu.vector_store %arg11[%swap3A_450, %swap3A_451], %swap3A_454 {strides = array<i32>} : memref<512x32xf32, #tpu.memory_space<vmem>>, vector<1x16xf32>,
      %add3A_455 = arith.constant 4 : i32
      %add3A_456 = arith.addi %multiple_of3A, %add3A_455 : i32
      %slice3A_457 = vector.extract_strided_slice %get3A_28 {offsets = [4], sizes = [1], strides = [1]} : vector<16xi32> to vector<1xi32>
      %squeeze3A_458 = vector.extract %slice3A_457[0] : i32 from vector<1xi32>
      %get3A_459 = arith.index_cast %add3A_456 : i32 to index
      %get3A_460 = arith.index_cast %squeeze3A_458 : i32 to index
      %get3A_461 = tpu.vector_load %arg9[%get3A_459, %get3A_460] {strides = array<i32>} : memref<512x128xf32, #tpu.memory_space<vmem>>, vector<1x16xf32>,
      %get3A_462 = vector.shape_cast %get3A_461 : vector<1x16xf32> to vector<16xf32>
      %get3A_463 = arith.index_cast %add3A_456 : i32 to index
      %get3A_464 = arith.constant 0 : index
      %get3A_465 = tpu.vector_load %arg10[%get3A_463, %get3A_464] {strides = array<i32>} : memref<512x32xf32, #tpu.memory_space<vmem>>, vector<1x16xf32>,
      %get3A_466 = vector.shape_cast %get3A_465 : vector<1x16xf32> to vector<16xf32>
      %add3A_467 = arith.addf %get3A_462, %get3A_466 : vector<16xf32>
      %add3A_468 = arith.constant 16 : i32
      %add3A_469 = arith.addi %squeeze3A_458, %add3A_468 : i32
      %get3A_470 = arith.index_cast %add3A_456 : i32 to index
      %get3A_471 = arith.index_cast %add3A_469 : i32 to index
      %get3A_472 = tpu.vector_load %arg9[%get3A_470, %get3A_471] {strides = array<i32>} : memref<512x128xf32, #tpu.memory_space<vmem>>, vector<1x16xf32>,
      %get3A_473 = vector.shape_cast %get3A_472 : vector<1x16xf32> to vector<16xf32>
      %get3A_474 = arith.index_cast %add3A_456 : i32 to index
      %get3A_475 = arith.constant 16 : index
      %get3A_476 = tpu.vector_load %arg10[%get3A_474, %get3A_475] {strides = array<i32>} : memref<512x32xf32, #tpu.memory_space<vmem>>, vector<1x16xf32>,
      %get3A_477 = vector.shape_cast %get3A_476 : vector<1x16xf32> to vector<16xf32>
      %add3A_478 = arith.addf %get3A_473, %get3A_477 : vector<16xf32>
      %mul3A_479 = arith.mulf %add3A_467, %add3A_467 : vector<16xf32>
      %mul3A_480 = arith.mulf %add3A_478, %add3A_478 : vector<16xf32>
      %add3A_481 = arith.addf %mul3A_479, %mul3A_480 : vector<16xf32>
      %iota3A_482 = tpu.iota {dimensions = array<i32: 0>} : vector<16xi32>
      %xor3A_483 = arith.constant 8 : i32
      %xor3A_484 = vector.broadcast %xor3A_483 : i32 to vector<16xi32>
      %xor3A_485 = arith.xori %iota3A_482, %xor3A_484 : vector<16xi32>
      %broadcast_in_dim3A_486 = vector.shape_cast %xor3A_485 : vector<16xi32> to vector<16x1xi32>
      %gather3A_487 = vector.shape_cast %broadcast_in_dim3A_486 : vector<16x1xi32> to vector<16xi32>
      %gather3A_488 = tpu.dynamic_gather %add3A_481[%gather3A_487] in [0] : vector<16xf32>, vector<16xi32> -> vector<16xf32>
      %add3A_489 = arith.addf %add3A_481, %gather3A_488 : vector<16xf32>
      %iota3A_490 = tpu.iota {dimensions = array<i32: 0>} : vector<16xi32>
      %xor3A_491 = arith.constant 4 : i32
      %xor3A_492 = vector.broadcast %xor3A_491 : i32 to vector<16xi32>
      %xor3A_493 = arith.xori %iota3A_490, %xor3A_492 : vector<16xi32>
      %broadcast_in_dim3A_494 = vector.shape_cast %xor3A_493 : vector<16xi32> to vector<16x1xi32>
      %gather3A_495 = vector.shape_cast %broadcast_in_dim3A_494 : vector<16x1xi32> to vector<16xi32>
      %gather3A_496 = tpu.dynamic_gather %add3A_489[%gather3A_495] in [0] : vector<16xf32>, vector<16xi32> -> vector<16xf32>
      %add3A_497 = arith.addf %add3A_489, %gather3A_496 : vector<16xf32>
      %iota3A_498 = tpu.iota {dimensions = array<i32: 0>} : vector<16xi32>
      %xor3A_499 = arith.constant 2 : i32
      %xor3A_500 = vector.broadcast %xor3A_499 : i32 to vector<16xi32>
      %xor3A_501 = arith.xori %iota3A_498, %xor3A_500 : vector<16xi32>
      %broadcast_in_dim3A_502 = vector.shape_cast %xor3A_501 : vector<16xi32> to vector<16x1xi32>
      %gather3A_503 = vector.shape_cast %broadcast_in_dim3A_502 : vector<16x1xi32> to vector<16xi32>
      %gather3A_504 = tpu.dynamic_gather %add3A_497[%gather3A_503] in [0] : vector<16xf32>, vector<16xi32> -> vector<16xf32>
      %add3A_505 = arith.addf %add3A_497, %gather3A_504 : vector<16xf32>
      %iota3A_506 = tpu.iota {dimensions = array<i32: 0>} : vector<16xi32>
      %xor3A_507 = arith.constant 1 : i32
      %xor3A_508 = vector.broadcast %xor3A_507 : i32 to vector<16xi32>
      %xor3A_509 = arith.xori %iota3A_506, %xor3A_508 : vector<16xi32>
      %broadcast_in_dim3A_510 = vector.shape_cast %xor3A_509 : vector<16xi32> to vector<16x1xi32>
      %gather3A_511 = vector.shape_cast %broadcast_in_dim3A_510 : vector<16x1xi32> to vector<16xi32>
      %gather3A_512 = tpu.dynamic_gather %add3A_505[%gather3A_511] in [0] : vector<16xf32>, vector<16xi32> -> vector<16xf32>
      %add3A_513 = arith.addf %add3A_505, %gather3A_512 : vector<16xf32>
      %add3A_514 = arith.constant 1.000000e-30 : f32
      %add3A_515 = vector.broadcast %add3A_514 : f32 to vector<16xf32>
      %add3A_516 = arith.addf %add3A_513, %add3A_515 : vector<16xf32>
      %bitcast_convert_type3A_517 = tpu.bitcast %add3A_516 : vector<16xf32> -> vector<16xi32>
      %shift_right_arithmetic3A_518 = arith.constant 1 : i32
      %shift_right_arithmetic3A_519 = vector.broadcast %shift_right_arithmetic3A_518 : i32 to vector<16xi32>
      %shift_right_arithmetic3A_520 = arith.shrsi %bitcast_convert_type3A_517, %shift_right_arithmetic3A_519 : vector<16xi32>
      %sub3A_521 = arith.constant 1597463007 : i32
      %sub3A_522 = vector.broadcast %sub3A_521 : i32 to vector<16xi32>
      %sub3A_523 = arith.subi %sub3A_522, %shift_right_arithmetic3A_520 : vector<16xi32>
      %bitcast_convert_type3A_524 = tpu.bitcast %sub3A_523 : vector<16xi32> -> vector<16xf32>
      %mul3A_525 = arith.constant 5.000000e-01 : f32
      %mul3A_526 = vector.broadcast %mul3A_525 : f32 to vector<16xf32>
      %mul3A_527 = arith.mulf %mul3A_526, %add3A_516 : vector<16xf32>
      %mul3A_528 = arith.mulf %mul3A_527, %bitcast_convert_type3A_524 : vector<16xf32>
      %mul3A_529 = arith.mulf %mul3A_528, %bitcast_convert_type3A_524 : vector<16xf32>
      %sub3A_530 = arith.constant 1.500000e+00 : f32
      %sub3A_531 = vector.broadcast %sub3A_530 : f32 to vector<16xf32>
      %sub3A_532 = arith.subf %sub3A_531, %mul3A_529 : vector<16xf32>
      %mul3A_533 = arith.mulf %bitcast_convert_type3A_524, %sub3A_532 : vector<16xf32>
      %mul3A_534 = arith.constant 5.000000e-01 : f32
      %mul3A_535 = vector.broadcast %mul3A_534 : f32 to vector<16xf32>
      %mul3A_536 = arith.mulf %mul3A_535, %add3A_516 : vector<16xf32>
      %mul3A_537 = arith.mulf %mul3A_536, %mul3A_533 : vector<16xf32>
      %mul3A_538 = arith.mulf %mul3A_537, %mul3A_533 : vector<16xf32>
      %sub3A_539 = arith.constant 1.500000e+00 : f32
      %sub3A_540 = vector.broadcast %sub3A_539 : f32 to vector<16xf32>
      %sub3A_541 = arith.subf %sub3A_540, %mul3A_538 : vector<16xf32>
      %mul3A_542 = arith.mulf %mul3A_533, %sub3A_541 : vector<16xf32>
      %mul3A_543 = arith.constant 5.000000e-01 : f32
      %mul3A_544 = vector.broadcast %mul3A_543 : f32 to vector<16xf32>
      %mul3A_545 = arith.mulf %mul3A_544, %add3A_516 : vector<16xf32>
      %mul3A_546 = arith.mulf %mul3A_545, %mul3A_542 : vector<16xf32>
      %mul3A_547 = arith.mulf %mul3A_546, %mul3A_542 : vector<16xf32>
      %sub3A_548 = arith.constant 1.500000e+00 : f32
      %sub3A_549 = vector.broadcast %sub3A_548 : f32 to vector<16xf32>
      %sub3A_550 = arith.subf %sub3A_549, %mul3A_547 : vector<16xf32>
      %mul3A_551 = arith.mulf %mul3A_542, %sub3A_550 : vector<16xf32>
      %mul3A_552 = arith.mulf %add3A_467, %mul3A_551 : vector<16xf32>
      %swap3A_553 = arith.index_cast %add3A_456 : i32 to index
      %swap3A_554 = arith.constant 0 : index
      %swap3A_555 = tpu.vector_load %arg11[%swap3A_553, %swap3A_554] {strides = array<i32>} : memref<512x32xf32, #tpu.memory_space<vmem>>, vector<1x16xf32>,
      %swap3A_556 = vector.shape_cast %swap3A_555 : vector<1x16xf32> to vector<16xf32>
      %swap3A_557 = vector.shape_cast %mul3A_552 : vector<16xf32> to vector<1x16xf32>
      tpu.vector_store %arg11[%swap3A_553, %swap3A_554], %swap3A_557 {strides = array<i32>} : memref<512x32xf32, #tpu.memory_space<vmem>>, vector<1x16xf32>,
      %mul3A_558 = arith.mulf %add3A_478, %mul3A_551 : vector<16xf32>
      %swap3A_559 = arith.index_cast %add3A_456 : i32 to index
      %swap3A_560 = arith.constant 16 : index
      %swap3A_561 = tpu.vector_load %arg11[%swap3A_559, %swap3A_560] {strides = array<i32>} : memref<512x32xf32, #tpu.memory_space<vmem>>, vector<1x16xf32>,
      %swap3A_562 = vector.shape_cast %swap3A_561 : vector<1x16xf32> to vector<16xf32>
      %swap3A_563 = vector.shape_cast %mul3A_558 : vector<16xf32> to vector<1x16xf32>
      tpu.vector_store %arg11[%swap3A_559, %swap3A_560], %swap3A_563 {strides = array<i32>} : memref<512x32xf32, #tpu.memory_space<vmem>>, vector<1x16xf32>,
      %add3A_564 = arith.constant 5 : i32
      %add3A_565 = arith.addi %multiple_of3A, %add3A_564 : i32
      %slice3A_566 = vector.extract_strided_slice %get3A_28 {offsets = [5], sizes = [1], strides = [1]} : vector<16xi32> to vector<1xi32>
      %squeeze3A_567 = vector.extract %slice3A_566[0] : i32 from vector<1xi32>
      %get3A_568 = arith.index_cast %add3A_565 : i32 to index
      %get3A_569 = arith.index_cast %squeeze3A_567 : i32 to index
      %get3A_570 = tpu.vector_load %arg9[%get3A_568, %get3A_569] {strides = array<i32>} : memref<512x128xf32, #tpu.memory_space<vmem>>, vector<1x16xf32>,
      %get3A_571 = vector.shape_cast %get3A_570 : vector<1x16xf32> to vector<16xf32>
      %get3A_572 = arith.index_cast %add3A_565 : i32 to index
      %get3A_573 = arith.constant 0 : index
      %get3A_574 = tpu.vector_load %arg10[%get3A_572, %get3A_573] {strides = array<i32>} : memref<512x32xf32, #tpu.memory_space<vmem>>, vector<1x16xf32>,
      %get3A_575 = vector.shape_cast %get3A_574 : vector<1x16xf32> to vector<16xf32>
      %add3A_576 = arith.addf %get3A_571, %get3A_575 : vector<16xf32>
      %add3A_577 = arith.constant 16 : i32
      %add3A_578 = arith.addi %squeeze3A_567, %add3A_577 : i32
      %get3A_579 = arith.index_cast %add3A_565 : i32 to index
      %get3A_580 = arith.index_cast %add3A_578 : i32 to index
      %get3A_581 = tpu.vector_load %arg9[%get3A_579, %get3A_580] {strides = array<i32>} : memref<512x128xf32, #tpu.memory_space<vmem>>, vector<1x16xf32>,
      %get3A_582 = vector.shape_cast %get3A_581 : vector<1x16xf32> to vector<16xf32>
      %get3A_583 = arith.index_cast %add3A_565 : i32 to index
      %get3A_584 = arith.constant 16 : index
      %get3A_585 = tpu.vector_load %arg10[%get3A_583, %get3A_584] {strides = array<i32>} : memref<512x32xf32, #tpu.memory_space<vmem>>, vector<1x16xf32>,
      %get3A_586 = vector.shape_cast %get3A_585 : vector<1x16xf32> to vector<16xf32>
      %add3A_587 = arith.addf %get3A_582, %get3A_586 : vector<16xf32>
      %mul3A_588 = arith.mulf %add3A_576, %add3A_576 : vector<16xf32>
      %mul3A_589 = arith.mulf %add3A_587, %add3A_587 : vector<16xf32>
      %add3A_590 = arith.addf %mul3A_588, %mul3A_589 : vector<16xf32>
      %iota3A_591 = tpu.iota {dimensions = array<i32: 0>} : vector<16xi32>
      %xor3A_592 = arith.constant 8 : i32
      %xor3A_593 = vector.broadcast %xor3A_592 : i32 to vector<16xi32>
      %xor3A_594 = arith.xori %iota3A_591, %xor3A_593 : vector<16xi32>
      %broadcast_in_dim3A_595 = vector.shape_cast %xor3A_594 : vector<16xi32> to vector<16x1xi32>
      %gather3A_596 = vector.shape_cast %broadcast_in_dim3A_595 : vector<16x1xi32> to vector<16xi32>
      %gather3A_597 = tpu.dynamic_gather %add3A_590[%gather3A_596] in [0] : vector<16xf32>, vector<16xi32> -> vector<16xf32>
      %add3A_598 = arith.addf %add3A_590, %gather3A_597 : vector<16xf32>
      %iota3A_599 = tpu.iota {dimensions = array<i32: 0>} : vector<16xi32>
      %xor3A_600 = arith.constant 4 : i32
      %xor3A_601 = vector.broadcast %xor3A_600 : i32 to vector<16xi32>
      %xor3A_602 = arith.xori %iota3A_599, %xor3A_601 : vector<16xi32>
      %broadcast_in_dim3A_603 = vector.shape_cast %xor3A_602 : vector<16xi32> to vector<16x1xi32>
      %gather3A_604 = vector.shape_cast %broadcast_in_dim3A_603 : vector<16x1xi32> to vector<16xi32>
      %gather3A_605 = tpu.dynamic_gather %add3A_598[%gather3A_604] in [0] : vector<16xf32>, vector<16xi32> -> vector<16xf32>
      %add3A_606 = arith.addf %add3A_598, %gather3A_605 : vector<16xf32>
      %iota3A_607 = tpu.iota {dimensions = array<i32: 0>} : vector<16xi32>
      %xor3A_608 = arith.constant 2 : i32
      %xor3A_609 = vector.broadcast %xor3A_608 : i32 to vector<16xi32>
      %xor3A_610 = arith.xori %iota3A_607, %xor3A_609 : vector<16xi32>
      %broadcast_in_dim3A_611 = vector.shape_cast %xor3A_610 : vector<16xi32> to vector<16x1xi32>
      %gather3A_612 = vector.shape_cast %broadcast_in_dim3A_611 : vector<16x1xi32> to vector<16xi32>
      %gather3A_613 = tpu.dynamic_gather %add3A_606[%gather3A_612] in [0] : vector<16xf32>, vector<16xi32> -> vector<16xf32>
      %add3A_614 = arith.addf %add3A_606, %gather3A_613 : vector<16xf32>
      %iota3A_615 = tpu.iota {dimensions = array<i32: 0>} : vector<16xi32>
      %xor3A_616 = arith.constant 1 : i32
      %xor3A_617 = vector.broadcast %xor3A_616 : i32 to vector<16xi32>
      %xor3A_618 = arith.xori %iota3A_615, %xor3A_617 : vector<16xi32>
      %broadcast_in_dim3A_619 = vector.shape_cast %xor3A_618 : vector<16xi32> to vector<16x1xi32>
      %gather3A_620 = vector.shape_cast %broadcast_in_dim3A_619 : vector<16x1xi32> to vector<16xi32>
      %gather3A_621 = tpu.dynamic_gather %add3A_614[%gather3A_620] in [0] : vector<16xf32>, vector<16xi32> -> vector<16xf32>
      %add3A_622 = arith.addf %add3A_614, %gather3A_621 : vector<16xf32>
      %add3A_623 = arith.constant 1.000000e-30 : f32
      %add3A_624 = vector.broadcast %add3A_623 : f32 to vector<16xf32>
      %add3A_625 = arith.addf %add3A_622, %add3A_624 : vector<16xf32>
      %bitcast_convert_type3A_626 = tpu.bitcast %add3A_625 : vector<16xf32> -> vector<16xi32>
      %shift_right_arithmetic3A_627 = arith.constant 1 : i32
      %shift_right_arithmetic3A_628 = vector.broadcast %shift_right_arithmetic3A_627 : i32 to vector<16xi32>
      %shift_right_arithmetic3A_629 = arith.shrsi %bitcast_convert_type3A_626, %shift_right_arithmetic3A_628 : vector<16xi32>
      %sub3A_630 = arith.constant 1597463007 : i32
      %sub3A_631 = vector.broadcast %sub3A_630 : i32 to vector<16xi32>
      %sub3A_632 = arith.subi %sub3A_631, %shift_right_arithmetic3A_629 : vector<16xi32>
      %bitcast_convert_type3A_633 = tpu.bitcast %sub3A_632 : vector<16xi32> -> vector<16xf32>
      %mul3A_634 = arith.constant 5.000000e-01 : f32
      %mul3A_635 = vector.broadcast %mul3A_634 : f32 to vector<16xf32>
      %mul3A_636 = arith.mulf %mul3A_635, %add3A_625 : vector<16xf32>
      %mul3A_637 = arith.mulf %mul3A_636, %bitcast_convert_type3A_633 : vector<16xf32>
      %mul3A_638 = arith.mulf %mul3A_637, %bitcast_convert_type3A_633 : vector<16xf32>
      %sub3A_639 = arith.constant 1.500000e+00 : f32
      %sub3A_640 = vector.broadcast %sub3A_639 : f32 to vector<16xf32>
      %sub3A_641 = arith.subf %sub3A_640, %mul3A_638 : vector<16xf32>
      %mul3A_642 = arith.mulf %bitcast_convert_type3A_633, %sub3A_641 : vector<16xf32>
      %mul3A_643 = arith.constant 5.000000e-01 : f32
      %mul3A_644 = vector.broadcast %mul3A_643 : f32 to vector<16xf32>
      %mul3A_645 = arith.mulf %mul3A_644, %add3A_625 : vector<16xf32>
      %mul3A_646 = arith.mulf %mul3A_645, %mul3A_642 : vector<16xf32>
      %mul3A_647 = arith.mulf %mul3A_646, %mul3A_642 : vector<16xf32>
      %sub3A_648 = arith.constant 1.500000e+00 : f32
      %sub3A_649 = vector.broadcast %sub3A_648 : f32 to vector<16xf32>
      %sub3A_650 = arith.subf %sub3A_649, %mul3A_647 : vector<16xf32>
      %mul3A_651 = arith.mulf %mul3A_642, %sub3A_650 : vector<16xf32>
      %mul3A_652 = arith.constant 5.000000e-01 : f32
      %mul3A_653 = vector.broadcast %mul3A_652 : f32 to vector<16xf32>
      %mul3A_654 = arith.mulf %mul3A_653, %add3A_625 : vector<16xf32>
      %mul3A_655 = arith.mulf %mul3A_654, %mul3A_651 : vector<16xf32>
      %mul3A_656 = arith.mulf %mul3A_655, %mul3A_651 : vector<16xf32>
      %sub3A_657 = arith.constant 1.500000e+00 : f32
      %sub3A_658 = vector.broadcast %sub3A_657 : f32 to vector<16xf32>
      %sub3A_659 = arith.subf %sub3A_658, %mul3A_656 : vector<16xf32>
      %mul3A_660 = arith.mulf %mul3A_651, %sub3A_659 : vector<16xf32>
      %mul3A_661 = arith.mulf %add3A_576, %mul3A_660 : vector<16xf32>
      %swap3A_662 = arith.index_cast %add3A_565 : i32 to index
      %swap3A_663 = arith.constant 0 : index
      %swap3A_664 = tpu.vector_load %arg11[%swap3A_662, %swap3A_663] {strides = array<i32>} : memref<512x32xf32, #tpu.memory_space<vmem>>, vector<1x16xf32>,
      %swap3A_665 = vector.shape_cast %swap3A_664 : vector<1x16xf32> to vector<16xf32>
      %swap3A_666 = vector.shape_cast %mul3A_661 : vector<16xf32> to vector<1x16xf32>
      tpu.vector_store %arg11[%swap3A_662, %swap3A_663], %swap3A_666 {strides = array<i32>} : memref<512x32xf32, #tpu.memory_space<vmem>>, vector<1x16xf32>,
      %mul3A_667 = arith.mulf %add3A_587, %mul3A_660 : vector<16xf32>
      %swap3A_668 = arith.index_cast %add3A_565 : i32 to index
      %swap3A_669 = arith.constant 16 : index
      %swap3A_670 = tpu.vector_load %arg11[%swap3A_668, %swap3A_669] {strides = array<i32>} : memref<512x32xf32, #tpu.memory_space<vmem>>, vector<1x16xf32>,
      %swap3A_671 = vector.shape_cast %swap3A_670 : vector<1x16xf32> to vector<16xf32>
      %swap3A_672 = vector.shape_cast %mul3A_667 : vector<16xf32> to vector<1x16xf32>
      tpu.vector_store %arg11[%swap3A_668, %swap3A_669], %swap3A_672 {strides = array<i32>} : memref<512x32xf32, #tpu.memory_space<vmem>>, vector<1x16xf32>,
      %add3A_673 = arith.constant 6 : i32
      %add3A_674 = arith.addi %multiple_of3A, %add3A_673 : i32
      %slice3A_675 = vector.extract_strided_slice %get3A_28 {offsets = [6], sizes = [1], strides = [1]} : vector<16xi32> to vector<1xi32>
      %squeeze3A_676 = vector.extract %slice3A_675[0] : i32 from vector<1xi32>
      %get3A_677 = arith.index_cast %add3A_674 : i32 to index
      %get3A_678 = arith.index_cast %squeeze3A_676 : i32 to index
      %get3A_679 = tpu.vector_load %arg9[%get3A_677, %get3A_678] {strides = array<i32>} : memref<512x128xf32, #tpu.memory_space<vmem>>, vector<1x16xf32>,
      %get3A_680 = vector.shape_cast %get3A_679 : vector<1x16xf32> to vector<16xf32>
      %get3A_681 = arith.index_cast %add3A_674 : i32 to index
      %get3A_682 = arith.constant 0 : index
      %get3A_683 = tpu.vector_load %arg10[%get3A_681, %get3A_682] {strides = array<i32>} : memref<512x32xf32, #tpu.memory_space<vmem>>, vector<1x16xf32>,
      %get3A_684 = vector.shape_cast %get3A_683 : vector<1x16xf32> to vector<16xf32>
      %add3A_685 = arith.addf %get3A_680, %get3A_684 : vector<16xf32>
      %add3A_686 = arith.constant 16 : i32
      %add3A_687 = arith.addi %squeeze3A_676, %add3A_686 : i32
      %get3A_688 = arith.index_cast %add3A_674 : i32 to index
      %get3A_689 = arith.index_cast %add3A_687 : i32 to index
      %get3A_690 = tpu.vector_load %arg9[%get3A_688, %get3A_689] {strides = array<i32>} : memref<512x128xf32, #tpu.memory_space<vmem>>, vector<1x16xf32>,
      %get3A_691 = vector.shape_cast %get3A_690 : vector<1x16xf32> to vector<16xf32>
      %get3A_692 = arith.index_cast %add3A_674 : i32 to index
      %get3A_693 = arith.constant 16 : index
      %get3A_694 = tpu.vector_load %arg10[%get3A_692, %get3A_693] {strides = array<i32>} : memref<512x32xf32, #tpu.memory_space<vmem>>, vector<1x16xf32>,
      %get3A_695 = vector.shape_cast %get3A_694 : vector<1x16xf32> to vector<16xf32>
      %add3A_696 = arith.addf %get3A_691, %get3A_695 : vector<16xf32>
      %mul3A_697 = arith.mulf %add3A_685, %add3A_685 : vector<16xf32>
      %mul3A_698 = arith.mulf %add3A_696, %add3A_696 : vector<16xf32>
      %add3A_699 = arith.addf %mul3A_697, %mul3A_698 : vector<16xf32>
      %iota3A_700 = tpu.iota {dimensions = array<i32: 0>} : vector<16xi32>
      %xor3A_701 = arith.constant 8 : i32
      %xor3A_702 = vector.broadcast %xor3A_701 : i32 to vector<16xi32>
      %xor3A_703 = arith.xori %iota3A_700, %xor3A_702 : vector<16xi32>
      %broadcast_in_dim3A_704 = vector.shape_cast %xor3A_703 : vector<16xi32> to vector<16x1xi32>
      %gather3A_705 = vector.shape_cast %broadcast_in_dim3A_704 : vector<16x1xi32> to vector<16xi32>
      %gather3A_706 = tpu.dynamic_gather %add3A_699[%gather3A_705] in [0] : vector<16xf32>, vector<16xi32> -> vector<16xf32>
      %add3A_707 = arith.addf %add3A_699, %gather3A_706 : vector<16xf32>
      %iota3A_708 = tpu.iota {dimensions = array<i32: 0>} : vector<16xi32>
      %xor3A_709 = arith.constant 4 : i32
      %xor3A_710 = vector.broadcast %xor3A_709 : i32 to vector<16xi32>
      %xor3A_711 = arith.xori %iota3A_708, %xor3A_710 : vector<16xi32>
      %broadcast_in_dim3A_712 = vector.shape_cast %xor3A_711 : vector<16xi32> to vector<16x1xi32>
      %gather3A_713 = vector.shape_cast %broadcast_in_dim3A_712 : vector<16x1xi32> to vector<16xi32>
      %gather3A_714 = tpu.dynamic_gather %add3A_707[%gather3A_713] in [0] : vector<16xf32>, vector<16xi32> -> vector<16xf32>
      %add3A_715 = arith.addf %add3A_707, %gather3A_714 : vector<16xf32>
      %iota3A_716 = tpu.iota {dimensions = array<i32: 0>} : vector<16xi32>
      %xor3A_717 = arith.constant 2 : i32
      %xor3A_718 = vector.broadcast %xor3A_717 : i32 to vector<16xi32>
      %xor3A_719 = arith.xori %iota3A_716, %xor3A_718 : vector<16xi32>
      %broadcast_in_dim3A_720 = vector.shape_cast %xor3A_719 : vector<16xi32> to vector<16x1xi32>
      %gather3A_721 = vector.shape_cast %broadcast_in_dim3A_720 : vector<16x1xi32> to vector<16xi32>
      %gather3A_722 = tpu.dynamic_gather %add3A_715[%gather3A_721] in [0] : vector<16xf32>, vector<16xi32> -> vector<16xf32>
      %add3A_723 = arith.addf %add3A_715, %gather3A_722 : vector<16xf32>
      %iota3A_724 = tpu.iota {dimensions = array<i32: 0>} : vector<16xi32>
      %xor3A_725 = arith.constant 1 : i32
      %xor3A_726 = vector.broadcast %xor3A_725 : i32 to vector<16xi32>
      %xor3A_727 = arith.xori %iota3A_724, %xor3A_726 : vector<16xi32>
      %broadcast_in_dim3A_728 = vector.shape_cast %xor3A_727 : vector<16xi32> to vector<16x1xi32>
      %gather3A_729 = vector.shape_cast %broadcast_in_dim3A_728 : vector<16x1xi32> to vector<16xi32>
      %gather3A_730 = tpu.dynamic_gather %add3A_723[%gather3A_729] in [0] : vector<16xf32>, vector<16xi32> -> vector<16xf32>
      %add3A_731 = arith.addf %add3A_723, %gather3A_730 : vector<16xf32>
      %add3A_732 = arith.constant 1.000000e-30 : f32
      %add3A_733 = vector.broadcast %add3A_732 : f32 to vector<16xf32>
      %add3A_734 = arith.addf %add3A_731, %add3A_733 : vector<16xf32>
      %bitcast_convert_type3A_735 = tpu.bitcast %add3A_734 : vector<16xf32> -> vector<16xi32>
      %shift_right_arithmetic3A_736 = arith.constant 1 : i32
      %shift_right_arithmetic3A_737 = vector.broadcast %shift_right_arithmetic3A_736 : i32 to vector<16xi32>
      %shift_right_arithmetic3A_738 = arith.shrsi %bitcast_convert_type3A_735, %shift_right_arithmetic3A_737 : vector<16xi32>
      %sub3A_739 = arith.constant 1597463007 : i32
      %sub3A_740 = vector.broadcast %sub3A_739 : i32 to vector<16xi32>
      %sub3A_741 = arith.subi %sub3A_740, %shift_right_arithmetic3A_738 : vector<16xi32>
      %bitcast_convert_type3A_742 = tpu.bitcast %sub3A_741 : vector<16xi32> -> vector<16xf32>
      %mul3A_743 = arith.constant 5.000000e-01 : f32
      %mul3A_744 = vector.broadcast %mul3A_743 : f32 to vector<16xf32>
      %mul3A_745 = arith.mulf %mul3A_744, %add3A_734 : vector<16xf32>
      %mul3A_746 = arith.mulf %mul3A_745, %bitcast_convert_type3A_742 : vector<16xf32>
      %mul3A_747 = arith.mulf %mul3A_746, %bitcast_convert_type3A_742 : vector<16xf32>
      %sub3A_748 = arith.constant 1.500000e+00 : f32
      %sub3A_749 = vector.broadcast %sub3A_748 : f32 to vector<16xf32>
      %sub3A_750 = arith.subf %sub3A_749, %mul3A_747 : vector<16xf32>
      %mul3A_751 = arith.mulf %bitcast_convert_type3A_742, %sub3A_750 : vector<16xf32>
      %mul3A_752 = arith.constant 5.000000e-01 : f32
      %mul3A_753 = vector.broadcast %mul3A_752 : f32 to vector<16xf32>
      %mul3A_754 = arith.mulf %mul3A_753, %add3A_734 : vector<16xf32>
      %mul3A_755 = arith.mulf %mul3A_754, %mul3A_751 : vector<16xf32>
      %mul3A_756 = arith.mulf %mul3A_755, %mul3A_751 : vector<16xf32>
      %sub3A_757 = arith.constant 1.500000e+00 : f32
      %sub3A_758 = vector.broadcast %sub3A_757 : f32 to vector<16xf32>
      %sub3A_759 = arith.subf %sub3A_758, %mul3A_756 : vector<16xf32>
      %mul3A_760 = arith.mulf %mul3A_751, %sub3A_759 : vector<16xf32>
      %mul3A_761 = arith.constant 5.000000e-01 : f32
      %mul3A_762 = vector.broadcast %mul3A_761 : f32 to vector<16xf32>
      %mul3A_763 = arith.mulf %mul3A_762, %add3A_734 : vector<16xf32>
      %mul3A_764 = arith.mulf %mul3A_763, %mul3A_760 : vector<16xf32>
      %mul3A_765 = arith.mulf %mul3A_764, %mul3A_760 : vector<16xf32>
      %sub3A_766 = arith.constant 1.500000e+00 : f32
      %sub3A_767 = vector.broadcast %sub3A_766 : f32 to vector<16xf32>
      %sub3A_768 = arith.subf %sub3A_767, %mul3A_765 : vector<16xf32>
      %mul3A_769 = arith.mulf %mul3A_760, %sub3A_768 : vector<16xf32>
      %mul3A_770 = arith.mulf %add3A_685, %mul3A_769 : vector<16xf32>
      %swap3A_771 = arith.index_cast %add3A_674 : i32 to index
      %swap3A_772 = arith.constant 0 : index
      %swap3A_773 = tpu.vector_load %arg11[%swap3A_771, %swap3A_772] {strides = array<i32>} : memref<512x32xf32, #tpu.memory_space<vmem>>, vector<1x16xf32>,
      %swap3A_774 = vector.shape_cast %swap3A_773 : vector<1x16xf32> to vector<16xf32>
      %swap3A_775 = vector.shape_cast %mul3A_770 : vector<16xf32> to vector<1x16xf32>
      tpu.vector_store %arg11[%swap3A_771, %swap3A_772], %swap3A_775 {strides = array<i32>} : memref<512x32xf32, #tpu.memory_space<vmem>>, vector<1x16xf32>,
      %mul3A_776 = arith.mulf %add3A_696, %mul3A_769 : vector<16xf32>
      %swap3A_777 = arith.index_cast %add3A_674 : i32 to index
      %swap3A_778 = arith.constant 16 : index
      %swap3A_779 = tpu.vector_load %arg11[%swap3A_777, %swap3A_778] {strides = array<i32>} : memref<512x32xf32, #tpu.memory_space<vmem>>, vector<1x16xf32>,
      %swap3A_780 = vector.shape_cast %swap3A_779 : vector<1x16xf32> to vector<16xf32>
      %swap3A_781 = vector.shape_cast %mul3A_776 : vector<16xf32> to vector<1x16xf32>
      tpu.vector_store %arg11[%swap3A_777, %swap3A_778], %swap3A_781 {strides = array<i32>} : memref<512x32xf32, #tpu.memory_space<vmem>>, vector<1x16xf32>,
      %add3A_782 = arith.constant 7 : i32
      %add3A_783 = arith.addi %multiple_of3A, %add3A_782 : i32
      %slice3A_784 = vector.extract_strided_slice %get3A_28 {offsets = [7], sizes = [1], strides = [1]} : vector<16xi32> to vector<1xi32>
      %squeeze3A_785 = vector.extract %slice3A_784[0] : i32 from vector<1xi32>
      %get3A_786 = arith.index_cast %add3A_783 : i32 to index
      %get3A_787 = arith.index_cast %squeeze3A_785 : i32 to index
      %get3A_788 = tpu.vector_load %arg9[%get3A_786, %get3A_787] {strides = array<i32>} : memref<512x128xf32, #tpu.memory_space<vmem>>, vector<1x16xf32>,
      %get3A_789 = vector.shape_cast %get3A_788 : vector<1x16xf32> to vector<16xf32>
      %get3A_790 = arith.index_cast %add3A_783 : i32 to index
      %get3A_791 = arith.constant 0 : index
      %get3A_792 = tpu.vector_load %arg10[%get3A_790, %get3A_791] {strides = array<i32>} : memref<512x32xf32, #tpu.memory_space<vmem>>, vector<1x16xf32>,
      %get3A_793 = vector.shape_cast %get3A_792 : vector<1x16xf32> to vector<16xf32>
      %add3A_794 = arith.addf %get3A_789, %get3A_793 : vector<16xf32>
      %add3A_795 = arith.constant 16 : i32
      %add3A_796 = arith.addi %squeeze3A_785, %add3A_795 : i32
      %get3A_797 = arith.index_cast %add3A_783 : i32 to index
      %get3A_798 = arith.index_cast %add3A_796 : i32 to index
      %get3A_799 = tpu.vector_load %arg9[%get3A_797, %get3A_798] {strides = array<i32>} : memref<512x128xf32, #tpu.memory_space<vmem>>, vector<1x16xf32>,
      %get3A_800 = vector.shape_cast %get3A_799 : vector<1x16xf32> to vector<16xf32>
      %get3A_801 = arith.index_cast %add3A_783 : i32 to index
      %get3A_802 = arith.constant 16 : index
      %get3A_803 = tpu.vector_load %arg10[%get3A_801, %get3A_802] {strides = array<i32>} : memref<512x32xf32, #tpu.memory_space<vmem>>, vector<1x16xf32>,
      %get3A_804 = vector.shape_cast %get3A_803 : vector<1x16xf32> to vector<16xf32>
      %add3A_805 = arith.addf %get3A_800, %get3A_804 : vector<16xf32>
      %mul3A_806 = arith.mulf %add3A_794, %add3A_794 : vector<16xf32>
      %mul3A_807 = arith.mulf %add3A_805, %add3A_805 : vector<16xf32>
      %add3A_808 = arith.addf %mul3A_806, %mul3A_807 : vector<16xf32>
      %iota3A_809 = tpu.iota {dimensions = array<i32: 0>} : vector<16xi32>
      %xor3A_810 = arith.constant 8 : i32
      %xor3A_811 = vector.broadcast %xor3A_810 : i32 to vector<16xi32>
      %xor3A_812 = arith.xori %iota3A_809, %xor3A_811 : vector<16xi32>
      %broadcast_in_dim3A_813 = vector.shape_cast %xor3A_812 : vector<16xi32> to vector<16x1xi32>
      %gather3A_814 = vector.shape_cast %broadcast_in_dim3A_813 : vector<16x1xi32> to vector<16xi32>
      %gather3A_815 = tpu.dynamic_gather %add3A_808[%gather3A_814] in [0] : vector<16xf32>, vector<16xi32> -> vector<16xf32>
      %add3A_816 = arith.addf %add3A_808, %gather3A_815 : vector<16xf32>
      %iota3A_817 = tpu.iota {dimensions = array<i32: 0>} : vector<16xi32>
      %xor3A_818 = arith.constant 4 : i32
      %xor3A_819 = vector.broadcast %xor3A_818 : i32 to vector<16xi32>
      %xor3A_820 = arith.xori %iota3A_817, %xor3A_819 : vector<16xi32>
      %broadcast_in_dim3A_821 = vector.shape_cast %xor3A_820 : vector<16xi32> to vector<16x1xi32>
      %gather3A_822 = vector.shape_cast %broadcast_in_dim3A_821 : vector<16x1xi32> to vector<16xi32>
      %gather3A_823 = tpu.dynamic_gather %add3A_816[%gather3A_822] in [0] : vector<16xf32>, vector<16xi32> -> vector<16xf32>
      %add3A_824 = arith.addf %add3A_816, %gather3A_823 : vector<16xf32>
      %iota3A_825 = tpu.iota {dimensions = array<i32: 0>} : vector<16xi32>
      %xor3A_826 = arith.constant 2 : i32
      %xor3A_827 = vector.broadcast %xor3A_826 : i32 to vector<16xi32>
      %xor3A_828 = arith.xori %iota3A_825, %xor3A_827 : vector<16xi32>
      %broadcast_in_dim3A_829 = vector.shape_cast %xor3A_828 : vector<16xi32> to vector<16x1xi32>
      %gather3A_830 = vector.shape_cast %broadcast_in_dim3A_829 : vector<16x1xi32> to vector<16xi32>
      %gather3A_831 = tpu.dynamic_gather %add3A_824[%gather3A_830] in [0] : vector<16xf32>, vector<16xi32> -> vector<16xf32>
      %add3A_832 = arith.addf %add3A_824, %gather3A_831 : vector<16xf32>
      %iota3A_833 = tpu.iota {dimensions = array<i32: 0>} : vector<16xi32>
      %xor3A_834 = arith.constant 1 : i32
      %xor3A_835 = vector.broadcast %xor3A_834 : i32 to vector<16xi32>
      %xor3A_836 = arith.xori %iota3A_833, %xor3A_835 : vector<16xi32>
      %broadcast_in_dim3A_837 = vector.shape_cast %xor3A_836 : vector<16xi32> to vector<16x1xi32>
      %gather3A_838 = vector.shape_cast %broadcast_in_dim3A_837 : vector<16x1xi32> to vector<16xi32>
      %gather3A_839 = tpu.dynamic_gather %add3A_832[%gather3A_838] in [0] : vector<16xf32>, vector<16xi32> -> vector<16xf32>
      %add3A_840 = arith.addf %add3A_832, %gather3A_839 : vector<16xf32>
      %add3A_841 = arith.constant 1.000000e-30 : f32
      %add3A_842 = vector.broadcast %add3A_841 : f32 to vector<16xf32>
      %add3A_843 = arith.addf %add3A_840, %add3A_842 : vector<16xf32>
      %bitcast_convert_type3A_844 = tpu.bitcast %add3A_843 : vector<16xf32> -> vector<16xi32>
      %shift_right_arithmetic3A_845 = arith.constant 1 : i32
      %shift_right_arithmetic3A_846 = vector.broadcast %shift_right_arithmetic3A_845 : i32 to vector<16xi32>
      %shift_right_arithmetic3A_847 = arith.shrsi %bitcast_convert_type3A_844, %shift_right_arithmetic3A_846 : vector<16xi32>
      %sub3A_848 = arith.constant 1597463007 : i32
      %sub3A_849 = vector.broadcast %sub3A_848 : i32 to vector<16xi32>
      %sub3A_850 = arith.subi %sub3A_849, %shift_right_arithmetic3A_847 : vector<16xi32>
      %bitcast_convert_type3A_851 = tpu.bitcast %sub3A_850 : vector<16xi32> -> vector<16xf32>
      %mul3A_852 = arith.constant 5.000000e-01 : f32
      %mul3A_853 = vector.broadcast %mul3A_852 : f32 to vector<16xf32>
      %mul3A_854 = arith.mulf %mul3A_853, %add3A_843 : vector<16xf32>
      %mul3A_855 = arith.mulf %mul3A_854, %bitcast_convert_type3A_851 : vector<16xf32>
      %mul3A_856 = arith.mulf %mul3A_855, %bitcast_convert_type3A_851 : vector<16xf32>
      %sub3A_857 = arith.constant 1.500000e+00 : f32
      %sub3A_858 = vector.broadcast %sub3A_857 : f32 to vector<16xf32>
      %sub3A_859 = arith.subf %sub3A_858, %mul3A_856 : vector<16xf32>
      %mul3A_860 = arith.mulf %bitcast_convert_type3A_851, %sub3A_859 : vector<16xf32>
      %mul3A_861 = arith.constant 5.000000e-01 : f32
      %mul3A_862 = vector.broadcast %mul3A_861 : f32 to vector<16xf32>
      %mul3A_863 = arith.mulf %mul3A_862, %add3A_843 : vector<16xf32>
      %mul3A_864 = arith.mulf %mul3A_863, %mul3A_860 : vector<16xf32>
      %mul3A_865 = arith.mulf %mul3A_864, %mul3A_860 : vector<16xf32>
      %sub3A_866 = arith.constant 1.500000e+00 : f32
      %sub3A_867 = vector.broadcast %sub3A_866 : f32 to vector<16xf32>
      %sub3A_868 = arith.subf %sub3A_867, %mul3A_865 : vector<16xf32>
      %mul3A_869 = arith.mulf %mul3A_860, %sub3A_868 : vector<16xf32>
      %mul3A_870 = arith.constant 5.000000e-01 : f32
      %mul3A_871 = vector.broadcast %mul3A_870 : f32 to vector<16xf32>
      %mul3A_872 = arith.mulf %mul3A_871, %add3A_843 : vector<16xf32>
      %mul3A_873 = arith.mulf %mul3A_872, %mul3A_869 : vector<16xf32>
      %mul3A_874 = arith.mulf %mul3A_873, %mul3A_869 : vector<16xf32>
      %sub3A_875 = arith.constant 1.500000e+00 : f32
      %sub3A_876 = vector.broadcast %sub3A_875 : f32 to vector<16xf32>
      %sub3A_877 = arith.subf %sub3A_876, %mul3A_874 : vector<16xf32>
      %mul3A_878 = arith.mulf %mul3A_869, %sub3A_877 : vector<16xf32>
      %mul3A_879 = arith.mulf %add3A_794, %mul3A_878 : vector<16xf32>
      %swap3A_880 = arith.index_cast %add3A_783 : i32 to index
      %swap3A_881 = arith.constant 0 : index
      %swap3A_882 = tpu.vector_load %arg11[%swap3A_880, %swap3A_881] {strides = array<i32>} : memref<512x32xf32, #tpu.memory_space<vmem>>, vector<1x16xf32>,
      %swap3A_883 = vector.shape_cast %swap3A_882 : vector<1x16xf32> to vector<16xf32>
      %swap3A_884 = vector.shape_cast %mul3A_879 : vector<16xf32> to vector<1x16xf32>
      tpu.vector_store %arg11[%swap3A_880, %swap3A_881], %swap3A_884 {strides = array<i32>} : memref<512x32xf32, #tpu.memory_space<vmem>>, vector<1x16xf32>,
      %mul3A_885 = arith.mulf %add3A_805, %mul3A_878 : vector<16xf32>
      %swap3A_886 = arith.index_cast %add3A_783 : i32 to index
      %swap3A_887 = arith.constant 16 : index
      %swap3A_888 = tpu.vector_load %arg11[%swap3A_886, %swap3A_887] {strides = array<i32>} : memref<512x32xf32, #tpu.memory_space<vmem>>, vector<1x16xf32>,
      %swap3A_889 = vector.shape_cast %swap3A_888 : vector<1x16xf32> to vector<16xf32>
      %swap3A_890 = vector.shape_cast %mul3A_885 : vector<16xf32> to vector<1x16xf32>
      tpu.vector_store %arg11[%swap3A_886, %swap3A_887], %swap3A_890 {strides = array<i32>} : memref<512x32xf32, #tpu.memory_space<vmem>>, vector<1x16xf32>,
      %add3A_891 = arith.constant 8 : i32
      %add3A_892 = arith.addi %multiple_of3A, %add3A_891 : i32
      %slice3A_893 = vector.extract_strided_slice %get3A_28 {offsets = [8], sizes = [1], strides = [1]} : vector<16xi32> to vector<1xi32>
      %squeeze3A_894 = vector.extract %slice3A_893[0] : i32 from vector<1xi32>
      %get3A_895 = arith.index_cast %add3A_892 : i32 to index
      %get3A_896 = arith.index_cast %squeeze3A_894 : i32 to index
      %get3A_897 = tpu.vector_load %arg9[%get3A_895, %get3A_896] {strides = array<i32>} : memref<512x128xf32, #tpu.memory_space<vmem>>, vector<1x16xf32>,
      %get3A_898 = vector.shape_cast %get3A_897 : vector<1x16xf32> to vector<16xf32>
      %get3A_899 = arith.index_cast %add3A_892 : i32 to index
      %get3A_900 = arith.constant 0 : index
      %get3A_901 = tpu.vector_load %arg10[%get3A_899, %get3A_900] {strides = array<i32>} : memref<512x32xf32, #tpu.memory_space<vmem>>, vector<1x16xf32>,
      %get3A_902 = vector.shape_cast %get3A_901 : vector<1x16xf32> to vector<16xf32>
      %add3A_903 = arith.addf %get3A_898, %get3A_902 : vector<16xf32>
      %add3A_904 = arith.constant 16 : i32
      %add3A_905 = arith.addi %squeeze3A_894, %add3A_904 : i32
      %get3A_906 = arith.index_cast %add3A_892 : i32 to index
      %get3A_907 = arith.index_cast %add3A_905 : i32 to index
      %get3A_908 = tpu.vector_load %arg9[%get3A_906, %get3A_907] {strides = array<i32>} : memref<512x128xf32, #tpu.memory_space<vmem>>, vector<1x16xf32>,
      %get3A_909 = vector.shape_cast %get3A_908 : vector<1x16xf32> to vector<16xf32>
      %get3A_910 = arith.index_cast %add3A_892 : i32 to index
      %get3A_911 = arith.constant 16 : index
      %get3A_912 = tpu.vector_load %arg10[%get3A_910, %get3A_911] {strides = array<i32>} : memref<512x32xf32, #tpu.memory_space<vmem>>, vector<1x16xf32>,
      %get3A_913 = vector.shape_cast %get3A_912 : vector<1x16xf32> to vector<16xf32>
      %add3A_914 = arith.addf %get3A_909, %get3A_913 : vector<16xf32>
      %mul3A_915 = arith.mulf %add3A_903, %add3A_903 : vector<16xf32>
      %mul3A_916 = arith.mulf %add3A_914, %add3A_914 : vector<16xf32>
      %add3A_917 = arith.addf %mul3A_915, %mul3A_916 : vector<16xf32>
      %iota3A_918 = tpu.iota {dimensions = array<i32: 0>} : vector<16xi32>
      %xor3A_919 = arith.constant 8 : i32
      %xor3A_920 = vector.broadcast %xor3A_919 : i32 to vector<16xi32>
      %xor3A_921 = arith.xori %iota3A_918, %xor3A_920 : vector<16xi32>
      %broadcast_in_dim3A_922 = vector.shape_cast %xor3A_921 : vector<16xi32> to vector<16x1xi32>
      %gather3A_923 = vector.shape_cast %broadcast_in_dim3A_922 : vector<16x1xi32> to vector<16xi32>
      %gather3A_924 = tpu.dynamic_gather %add3A_917[%gather3A_923] in [0] : vector<16xf32>, vector<16xi32> -> vector<16xf32>
      %add3A_925 = arith.addf %add3A_917, %gather3A_924 : vector<16xf32>
      %iota3A_926 = tpu.iota {dimensions = array<i32: 0>} : vector<16xi32>
      %xor3A_927 = arith.constant 4 : i32
      %xor3A_928 = vector.broadcast %xor3A_927 : i32 to vector<16xi32>
      %xor3A_929 = arith.xori %iota3A_926, %xor3A_928 : vector<16xi32>
      %broadcast_in_dim3A_930 = vector.shape_cast %xor3A_929 : vector<16xi32> to vector<16x1xi32>
      %gather3A_931 = vector.shape_cast %broadcast_in_dim3A_930 : vector<16x1xi32> to vector<16xi32>
      %gather3A_932 = tpu.dynamic_gather %add3A_925[%gather3A_931] in [0] : vector<16xf32>, vector<16xi32> -> vector<16xf32>
      %add3A_933 = arith.addf %add3A_925, %gather3A_932 : vector<16xf32>
      %iota3A_934 = tpu.iota {dimensions = array<i32: 0>} : vector<16xi32>
      %xor3A_935 = arith.constant 2 : i32
      %xor3A_936 = vector.broadcast %xor3A_935 : i32 to vector<16xi32>
      %xor3A_937 = arith.xori %iota3A_934, %xor3A_936 : vector<16xi32>
      %broadcast_in_dim3A_938 = vector.shape_cast %xor3A_937 : vector<16xi32> to vector<16x1xi32>
      %gather3A_939 = vector.shape_cast %broadcast_in_dim3A_938 : vector<16x1xi32> to vector<16xi32>
      %gather3A_940 = tpu.dynamic_gather %add3A_933[%gather3A_939] in [0] : vector<16xf32>, vector<16xi32> -> vector<16xf32>
      %add3A_941 = arith.addf %add3A_933, %gather3A_940 : vector<16xf32>
      %iota3A_942 = tpu.iota {dimensions = array<i32: 0>} : vector<16xi32>
      %xor3A_943 = arith.constant 1 : i32
      %xor3A_944 = vector.broadcast %xor3A_943 : i32 to vector<16xi32>
      %xor3A_945 = arith.xori %iota3A_942, %xor3A_944 : vector<16xi32>
      %broadcast_in_dim3A_946 = vector.shape_cast %xor3A_945 : vector<16xi32> to vector<16x1xi32>
      %gather3A_947 = vector.shape_cast %broadcast_in_dim3A_946 : vector<16x1xi32> to vector<16xi32>
      %gather3A_948 = tpu.dynamic_gather %add3A_941[%gather3A_947] in [0] : vector<16xf32>, vector<16xi32> -> vector<16xf32>
      %add3A_949 = arith.addf %add3A_941, %gather3A_948 : vector<16xf32>
      %add3A_950 = arith.constant 1.000000e-30 : f32
      %add3A_951 = vector.broadcast %add3A_950 : f32 to vector<16xf32>
      %add3A_952 = arith.addf %add3A_949, %add3A_951 : vector<16xf32>
      %bitcast_convert_type3A_953 = tpu.bitcast %add3A_952 : vector<16xf32> -> vector<16xi32>
      %shift_right_arithmetic3A_954 = arith.constant 1 : i32
      %shift_right_arithmetic3A_955 = vector.broadcast %shift_right_arithmetic3A_954 : i32 to vector<16xi32>
      %shift_right_arithmetic3A_956 = arith.shrsi %bitcast_convert_type3A_953, %shift_right_arithmetic3A_955 : vector<16xi32>
      %sub3A_957 = arith.constant 1597463007 : i32
      %sub3A_958 = vector.broadcast %sub3A_957 : i32 to vector<16xi32>
      %sub3A_959 = arith.subi %sub3A_958, %shift_right_arithmetic3A_956 : vector<16xi32>
      %bitcast_convert_type3A_960 = tpu.bitcast %sub3A_959 : vector<16xi32> -> vector<16xf32>
      %mul3A_961 = arith.constant 5.000000e-01 : f32
      %mul3A_962 = vector.broadcast %mul3A_961 : f32 to vector<16xf32>
      %mul3A_963 = arith.mulf %mul3A_962, %add3A_952 : vector<16xf32>
      %mul3A_964 = arith.mulf %mul3A_963, %bitcast_convert_type3A_960 : vector<16xf32>
      %mul3A_965 = arith.mulf %mul3A_964, %bitcast_convert_type3A_960 : vector<16xf32>
      %sub3A_966 = arith.constant 1.500000e+00 : f32
      %sub3A_967 = vector.broadcast %sub3A_966 : f32 to vector<16xf32>
      %sub3A_968 = arith.subf %sub3A_967, %mul3A_965 : vector<16xf32>
      %mul3A_969 = arith.mulf %bitcast_convert_type3A_960, %sub3A_968 : vector<16xf32>
      %mul3A_970 = arith.constant 5.000000e-01 : f32
      %mul3A_971 = vector.broadcast %mul3A_970 : f32 to vector<16xf32>
      %mul3A_972 = arith.mulf %mul3A_971, %add3A_952 : vector<16xf32>
      %mul3A_973 = arith.mulf %mul3A_972, %mul3A_969 : vector<16xf32>
      %mul3A_974 = arith.mulf %mul3A_973, %mul3A_969 : vector<16xf32>
      %sub3A_975 = arith.constant 1.500000e+00 : f32
      %sub3A_976 = vector.broadcast %sub3A_975 : f32 to vector<16xf32>
      %sub3A_977 = arith.subf %sub3A_976, %mul3A_974 : vector<16xf32>
      %mul3A_978 = arith.mulf %mul3A_969, %sub3A_977 : vector<16xf32>
      %mul3A_979 = arith.constant 5.000000e-01 : f32
      %mul3A_980 = vector.broadcast %mul3A_979 : f32 to vector<16xf32>
      %mul3A_981 = arith.mulf %mul3A_980, %add3A_952 : vector<16xf32>
      %mul3A_982 = arith.mulf %mul3A_981, %mul3A_978 : vector<16xf32>
      %mul3A_983 = arith.mulf %mul3A_982, %mul3A_978 : vector<16xf32>
      %sub3A_984 = arith.constant 1.500000e+00 : f32
      %sub3A_985 = vector.broadcast %sub3A_984 : f32 to vector<16xf32>
      %sub3A_986 = arith.subf %sub3A_985, %mul3A_983 : vector<16xf32>
      %mul3A_987 = arith.mulf %mul3A_978, %sub3A_986 : vector<16xf32>
      %mul3A_988 = arith.mulf %add3A_903, %mul3A_987 : vector<16xf32>
      %swap3A_989 = arith.index_cast %add3A_892 : i32 to index
      %swap3A_990 = arith.constant 0 : index
      %swap3A_991 = tpu.vector_load %arg11[%swap3A_989, %swap3A_990] {strides = array<i32>} : memref<512x32xf32, #tpu.memory_space<vmem>>, vector<1x16xf32>,
      %swap3A_992 = vector.shape_cast %swap3A_991 : vector<1x16xf32> to vector<16xf32>
      %swap3A_993 = vector.shape_cast %mul3A_988 : vector<16xf32> to vector<1x16xf32>
      tpu.vector_store %arg11[%swap3A_989, %swap3A_990], %swap3A_993 {strides = array<i32>} : memref<512x32xf32, #tpu.memory_space<vmem>>, vector<1x16xf32>,
      %mul3A_994 = arith.mulf %add3A_914, %mul3A_987 : vector<16xf32>
      %swap3A_995 = arith.index_cast %add3A_892 : i32 to index
      %swap3A_996 = arith.constant 16 : index
      %swap3A_997 = tpu.vector_load %arg11[%swap3A_995, %swap3A_996] {strides = array<i32>} : memref<512x32xf32, #tpu.memory_space<vmem>>, vector<1x16xf32>,
      %swap3A_998 = vector.shape_cast %swap3A_997 : vector<1x16xf32> to vector<16xf32>
      %swap3A_999 = vector.shape_cast %mul3A_994 : vector<16xf32> to vector<1x16xf32>
      tpu.vector_store %arg11[%swap3A_995, %swap3A_996], %swap3A_999 {strides = array<i32>} : memref<512x32xf32, #tpu.memory_space<vmem>>, vector<1x16xf32>,
      %add3A_1000 = arith.constant 9 : i32
      %add3A_1001 = arith.addi %multiple_of3A, %add3A_1000 : i32
      %slice3A_1002 = vector.extract_strided_slice %get3A_28 {offsets = [9], sizes = [1], strides = [1]} : vector<16xi32> to vector<1xi32>
      %squeeze3A_1003 = vector.extract %slice3A_1002[0] : i32 from vector<1xi32>
      %get3A_1004 = arith.index_cast %add3A_1001 : i32 to index
      %get3A_1005 = arith.index_cast %squeeze3A_1003 : i32 to index
      %get3A_1006 = tpu.vector_load %arg9[%get3A_1004, %get3A_1005] {strides = array<i32>} : memref<512x128xf32, #tpu.memory_space<vmem>>, vector<1x16xf32>,
      %get3A_1007 = vector.shape_cast %get3A_1006 : vector<1x16xf32> to vector<16xf32>
      %get3A_1008 = arith.index_cast %add3A_1001 : i32 to index
      %get3A_1009 = arith.constant 0 : index
      %get3A_1010 = tpu.vector_load %arg10[%get3A_1008, %get3A_1009] {strides = array<i32>} : memref<512x32xf32, #tpu.memory_space<vmem>>, vector<1x16xf32>,
      %get3A_1011 = vector.shape_cast %get3A_1010 : vector<1x16xf32> to vector<16xf32>
      %add3A_1012 = arith.addf %get3A_1007, %get3A_1011 : vector<16xf32>
      %add3A_1013 = arith.constant 16 : i32
      %add3A_1014 = arith.addi %squeeze3A_1003, %add3A_1013 : i32
      %get3A_1015 = arith.index_cast %add3A_1001 : i32 to index
      %get3A_1016 = arith.index_cast %add3A_1014 : i32 to index
      %get3A_1017 = tpu.vector_load %arg9[%get3A_1015, %get3A_1016] {strides = array<i32>} : memref<512x128xf32, #tpu.memory_space<vmem>>, vector<1x16xf32>,
      %get3A_1018 = vector.shape_cast %get3A_1017 : vector<1x16xf32> to vector<16xf32>
      %get3A_1019 = arith.index_cast %add3A_1001 : i32 to index
      %get3A_1020 = arith.constant 16 : index
      %get3A_1021 = tpu.vector_load %arg10[%get3A_1019, %get3A_1020] {strides = array<i32>} : memref<512x32xf32, #tpu.memory_space<vmem>>, vector<1x16xf32>,
      %get3A_1022 = vector.shape_cast %get3A_1021 : vector<1x16xf32> to vector<16xf32>
      %add3A_1023 = arith.addf %get3A_1018, %get3A_1022 : vector<16xf32>
      %mul3A_1024 = arith.mulf %add3A_1012, %add3A_1012 : vector<16xf32>
      %mul3A_1025 = arith.mulf %add3A_1023, %add3A_1023 : vector<16xf32>
      %add3A_1026 = arith.addf %mul3A_1024, %mul3A_1025 : vector<16xf32>
      %iota3A_1027 = tpu.iota {dimensions = array<i32: 0>} : vector<16xi32>
      %xor3A_1028 = arith.constant 8 : i32
      %xor3A_1029 = vector.broadcast %xor3A_1028 : i32 to vector<16xi32>
      %xor3A_1030 = arith.xori %iota3A_1027, %xor3A_1029 : vector<16xi32>
      %broadcast_in_dim3A_1031 = vector.shape_cast %xor3A_1030 : vector<16xi32> to vector<16x1xi32>
      %gather3A_1032 = vector.shape_cast %broadcast_in_dim3A_1031 : vector<16x1xi32> to vector<16xi32>
      %gather3A_1033 = tpu.dynamic_gather %add3A_1026[%gather3A_1032] in [0] : vector<16xf32>, vector<16xi32> -> vector<16xf32>
      %add3A_1034 = arith.addf %add3A_1026, %gather3A_1033 : vector<16xf32>
      %iota3A_1035 = tpu.iota {dimensions = array<i32: 0>} : vector<16xi32>
      %xor3A_1036 = arith.constant 4 : i32
      %xor3A_1037 = vector.broadcast %xor3A_1036 : i32 to vector<16xi32>
      %xor3A_1038 = arith.xori %iota3A_1035, %xor3A_1037 : vector<16xi32>
      %broadcast_in_dim3A_1039 = vector.shape_cast %xor3A_1038 : vector<16xi32> to vector<16x1xi32>
      %gather3A_1040 = vector.shape_cast %broadcast_in_dim3A_1039 : vector<16x1xi32> to vector<16xi32>
      %gather3A_1041 = tpu.dynamic_gather %add3A_1034[%gather3A_1040] in [0] : vector<16xf32>, vector<16xi32> -> vector<16xf32>
      %add3A_1042 = arith.addf %add3A_1034, %gather3A_1041 : vector<16xf32>
      %iota3A_1043 = tpu.iota {dimensions = array<i32: 0>} : vector<16xi32>
      %xor3A_1044 = arith.constant 2 : i32
      %xor3A_1045 = vector.broadcast %xor3A_1044 : i32 to vector<16xi32>
      %xor3A_1046 = arith.xori %iota3A_1043, %xor3A_1045 : vector<16xi32>
      %broadcast_in_dim3A_1047 = vector.shape_cast %xor3A_1046 : vector<16xi32> to vector<16x1xi32>
      %gather3A_1048 = vector.shape_cast %broadcast_in_dim3A_1047 : vector<16x1xi32> to vector<16xi32>
      %gather3A_1049 = tpu.dynamic_gather %add3A_1042[%gather3A_1048] in [0] : vector<16xf32>, vector<16xi32> -> vector<16xf32>
      %add3A_1050 = arith.addf %add3A_1042, %gather3A_1049 : vector<16xf32>
      %iota3A_1051 = tpu.iota {dimensions = array<i32: 0>} : vector<16xi32>
      %xor3A_1052 = arith.constant 1 : i32
      %xor3A_1053 = vector.broadcast %xor3A_1052 : i32 to vector<16xi32>
      %xor3A_1054 = arith.xori %iota3A_1051, %xor3A_1053 : vector<16xi32>
      %broadcast_in_dim3A_1055 = vector.shape_cast %xor3A_1054 : vector<16xi32> to vector<16x1xi32>
      %gather3A_1056 = vector.shape_cast %broadcast_in_dim3A_1055 : vector<16x1xi32> to vector<16xi32>
      %gather3A_1057 = tpu.dynamic_gather %add3A_1050[%gather3A_1056] in [0] : vector<16xf32>, vector<16xi32> -> vector<16xf32>
      %add3A_1058 = arith.addf %add3A_1050, %gather3A_1057 : vector<16xf32>
      %add3A_1059 = arith.constant 1.000000e-30 : f32
      %add3A_1060 = vector.broadcast %add3A_1059 : f32 to vector<16xf32>
      %add3A_1061 = arith.addf %add3A_1058, %add3A_1060 : vector<16xf32>
      %bitcast_convert_type3A_1062 = tpu.bitcast %add3A_1061 : vector<16xf32> -> vector<16xi32>
      %shift_right_arithmetic3A_1063 = arith.constant 1 : i32
      %shift_right_arithmetic3A_1064 = vector.broadcast %shift_right_arithmetic3A_1063 : i32 to vector<16xi32>
      %shift_right_arithmetic3A_1065 = arith.shrsi %bitcast_convert_type3A_1062, %shift_right_arithmetic3A_1064 : vector<16xi32>
      %sub3A_1066 = arith.constant 1597463007 : i32
      %sub3A_1067 = vector.broadcast %sub3A_1066 : i32 to vector<16xi32>
      %sub3A_1068 = arith.subi %sub3A_1067, %shift_right_arithmetic3A_1065 : vector<16xi32>
      %bitcast_convert_type3A_1069 = tpu.bitcast %sub3A_1068 : vector<16xi32> -> vector<16xf32>
      %mul3A_1070 = arith.constant 5.000000e-01 : f32
      %mul3A_1071 = vector.broadcast %mul3A_1070 : f32 to vector<16xf32>
      %mul3A_1072 = arith.mulf %mul3A_1071, %add3A_1061 : vector<16xf32>
      %mul3A_1073 = arith.mulf %mul3A_1072, %bitcast_convert_type3A_1069 : vector<16xf32>
      %mul3A_1074 = arith.mulf %mul3A_1073, %bitcast_convert_type3A_1069 : vector<16xf32>
      %sub3A_1075 = arith.constant 1.500000e+00 : f32
      %sub3A_1076 = vector.broadcast %sub3A_1075 : f32 to vector<16xf32>
      %sub3A_1077 = arith.subf %sub3A_1076, %mul3A_1074 : vector<16xf32>
      %mul3A_1078 = arith.mulf %bitcast_convert_type3A_1069, %sub3A_1077 : vector<16xf32>
      %mul3A_1079 = arith.constant 5.000000e-01 : f32
      %mul3A_1080 = vector.broadcast %mul3A_1079 : f32 to vector<16xf32>
      %mul3A_1081 = arith.mulf %mul3A_1080, %add3A_1061 : vector<16xf32>
      %mul3A_1082 = arith.mulf %mul3A_1081, %mul3A_1078 : vector<16xf32>
      %mul3A_1083 = arith.mulf %mul3A_1082, %mul3A_1078 : vector<16xf32>
      %sub3A_1084 = arith.constant 1.500000e+00 : f32
      %sub3A_1085 = vector.broadcast %sub3A_1084 : f32 to vector<16xf32>
      %sub3A_1086 = arith.subf %sub3A_1085, %mul3A_1083 : vector<16xf32>
      %mul3A_1087 = arith.mulf %mul3A_1078, %sub3A_1086 : vector<16xf32>
      %mul3A_1088 = arith.constant 5.000000e-01 : f32
      %mul3A_1089 = vector.broadcast %mul3A_1088 : f32 to vector<16xf32>
      %mul3A_1090 = arith.mulf %mul3A_1089, %add3A_1061 : vector<16xf32>
      %mul3A_1091 = arith.mulf %mul3A_1090, %mul3A_1087 : vector<16xf32>
      %mul3A_1092 = arith.mulf %mul3A_1091, %mul3A_1087 : vector<16xf32>
      %sub3A_1093 = arith.constant 1.500000e+00 : f32
      %sub3A_1094 = vector.broadcast %sub3A_1093 : f32 to vector<16xf32>
      %sub3A_1095 = arith.subf %sub3A_1094, %mul3A_1092 : vector<16xf32>
      %mul3A_1096 = arith.mulf %mul3A_1087, %sub3A_1095 : vector<16xf32>
      %mul3A_1097 = arith.mulf %add3A_1012, %mul3A_1096 : vector<16xf32>
      %swap3A_1098 = arith.index_cast %add3A_1001 : i32 to index
      %swap3A_1099 = arith.constant 0 : index
      %swap3A_1100 = tpu.vector_load %arg11[%swap3A_1098, %swap3A_1099] {strides = array<i32>} : memref<512x32xf32, #tpu.memory_space<vmem>>, vector<1x16xf32>,
      %swap3A_1101 = vector.shape_cast %swap3A_1100 : vector<1x16xf32> to vector<16xf32>
      %swap3A_1102 = vector.shape_cast %mul3A_1097 : vector<16xf32> to vector<1x16xf32>
      tpu.vector_store %arg11[%swap3A_1098, %swap3A_1099], %swap3A_1102 {strides = array<i32>} : memref<512x32xf32, #tpu.memory_space<vmem>>, vector<1x16xf32>,
      %mul3A_1103 = arith.mulf %add3A_1023, %mul3A_1096 : vector<16xf32>
      %swap3A_1104 = arith.index_cast %add3A_1001 : i32 to index
      %swap3A_1105 = arith.constant 16 : index
      %swap3A_1106 = tpu.vector_load %arg11[%swap3A_1104, %swap3A_1105] {strides = array<i32>} : memref<512x32xf32, #tpu.memory_space<vmem>>, vector<1x16xf32>,
      %swap3A_1107 = vector.shape_cast %swap3A_1106 : vector<1x16xf32> to vector<16xf32>
      %swap3A_1108 = vector.shape_cast %mul3A_1103 : vector<16xf32> to vector<1x16xf32>
      tpu.vector_store %arg11[%swap3A_1104, %swap3A_1105], %swap3A_1108 {strides = array<i32>} : memref<512x32xf32, #tpu.memory_space<vmem>>, vector<1x16xf32>,
      %add3A_1109 = arith.constant 10 : i32
      %add3A_1110 = arith.addi %multiple_of3A, %add3A_1109 : i32
      %slice3A_1111 = vector.extract_strided_slice %get3A_28 {offsets = [10], sizes = [1], strides = [1]} : vector<16xi32> to vector<1xi32>
      %squeeze3A_1112 = vector.extract %slice3A_1111[0] : i32 from vector<1xi32>
      %get3A_1113 = arith.index_cast %add3A_1110 : i32 to index
      %get3A_1114 = arith.index_cast %squeeze3A_1112 : i32 to index
      %get3A_1115 = tpu.vector_load %arg9[%get3A_1113, %get3A_1114] {strides = array<i32>} : memref<512x128xf32, #tpu.memory_space<vmem>>, vector<1x16xf32>,
      %get3A_1116 = vector.shape_cast %get3A_1115 : vector<1x16xf32> to vector<16xf32>
      %get3A_1117 = arith.index_cast %add3A_1110 : i32 to index
      %get3A_1118 = arith.constant 0 : index
      %get3A_1119 = tpu.vector_load %arg10[%get3A_1117, %get3A_1118] {strides = array<i32>} : memref<512x32xf32, #tpu.memory_space<vmem>>, vector<1x16xf32>,
      %get3A_1120 = vector.shape_cast %get3A_1119 : vector<1x16xf32> to vector<16xf32>
      %add3A_1121 = arith.addf %get3A_1116, %get3A_1120 : vector<16xf32>
      %add3A_1122 = arith.constant 16 : i32
      %add3A_1123 = arith.addi %squeeze3A_1112, %add3A_1122 : i32
      %get3A_1124 = arith.index_cast %add3A_1110 : i32 to index
      %get3A_1125 = arith.index_cast %add3A_1123 : i32 to index
      %get3A_1126 = tpu.vector_load %arg9[%get3A_1124, %get3A_1125] {strides = array<i32>} : memref<512x128xf32, #tpu.memory_space<vmem>>, vector<1x16xf32>,
      %get3A_1127 = vector.shape_cast %get3A_1126 : vector<1x16xf32> to vector<16xf32>
      %get3A_1128 = arith.index_cast %add3A_1110 : i32 to index
      %get3A_1129 = arith.constant 16 : index
      %get3A_1130 = tpu.vector_load %arg10[%get3A_1128, %get3A_1129] {strides = array<i32>} : memref<512x32xf32, #tpu.memory_space<vmem>>, vector<1x16xf32>,
      %get3A_1131 = vector.shape_cast %get3A_1130 : vector<1x16xf32> to vector<16xf32>
      %add3A_1132 = arith.addf %get3A_1127, %get3A_1131 : vector<16xf32>
      %mul3A_1133 = arith.mulf %add3A_1121, %add3A_1121 : vector<16xf32>
      %mul3A_1134 = arith.mulf %add3A_1132, %add3A_1132 : vector<16xf32>
      %add3A_1135 = arith.addf %mul3A_1133, %mul3A_1134 : vector<16xf32>
      %iota3A_1136 = tpu.iota {dimensions = array<i32: 0>} : vector<16xi32>
      %xor3A_1137 = arith.constant 8 : i32
      %xor3A_1138 = vector.broadcast %xor3A_1137 : i32 to vector<16xi32>
      %xor3A_1139 = arith.xori %iota3A_1136, %xor3A_1138 : vector<16xi32>
      %broadcast_in_dim3A_1140 = vector.shape_cast %xor3A_1139 : vector<16xi32> to vector<16x1xi32>
      %gather3A_1141 = vector.shape_cast %broadcast_in_dim3A_1140 : vector<16x1xi32> to vector<16xi32>
      %gather3A_1142 = tpu.dynamic_gather %add3A_1135[%gather3A_1141] in [0] : vector<16xf32>, vector<16xi32> -> vector<16xf32>
      %add3A_1143 = arith.addf %add3A_1135, %gather3A_1142 : vector<16xf32>
      %iota3A_1144 = tpu.iota {dimensions = array<i32: 0>} : vector<16xi32>
      %xor3A_1145 = arith.constant 4 : i32
      %xor3A_1146 = vector.broadcast %xor3A_1145 : i32 to vector<16xi32>
      %xor3A_1147 = arith.xori %iota3A_1144, %xor3A_1146 : vector<16xi32>
      %broadcast_in_dim3A_1148 = vector.shape_cast %xor3A_1147 : vector<16xi32> to vector<16x1xi32>
      %gather3A_1149 = vector.shape_cast %broadcast_in_dim3A_1148 : vector<16x1xi32> to vector<16xi32>
      %gather3A_1150 = tpu.dynamic_gather %add3A_1143[%gather3A_1149] in [0] : vector<16xf32>, vector<16xi32> -> vector<16xf32>
      %add3A_1151 = arith.addf %add3A_1143, %gather3A_1150 : vector<16xf32>
      %iota3A_1152 = tpu.iota {dimensions = array<i32: 0>} : vector<16xi32>
      %xor3A_1153 = arith.constant 2 : i32
      %xor3A_1154 = vector.broadcast %xor3A_1153 : i32 to vector<16xi32>
      %xor3A_1155 = arith.xori %iota3A_1152, %xor3A_1154 : vector<16xi32>
      %broadcast_in_dim3A_1156 = vector.shape_cast %xor3A_1155 : vector<16xi32> to vector<16x1xi32>
      %gather3A_1157 = vector.shape_cast %broadcast_in_dim3A_1156 : vector<16x1xi32> to vector<16xi32>
      %gather3A_1158 = tpu.dynamic_gather %add3A_1151[%gather3A_1157] in [0] : vector<16xf32>, vector<16xi32> -> vector<16xf32>
      %add3A_1159 = arith.addf %add3A_1151, %gather3A_1158 : vector<16xf32>
      %iota3A_1160 = tpu.iota {dimensions = array<i32: 0>} : vector<16xi32>
      %xor3A_1161 = arith.constant 1 : i32
      %xor3A_1162 = vector.broadcast %xor3A_1161 : i32 to vector<16xi32>
      %xor3A_1163 = arith.xori %iota3A_1160, %xor3A_1162 : vector<16xi32>
      %broadcast_in_dim3A_1164 = vector.shape_cast %xor3A_1163 : vector<16xi32> to vector<16x1xi32>
      %gather3A_1165 = vector.shape_cast %broadcast_in_dim3A_1164 : vector<16x1xi32> to vector<16xi32>
      %gather3A_1166 = tpu.dynamic_gather %add3A_1159[%gather3A_1165] in [0] : vector<16xf32>, vector<16xi32> -> vector<16xf32>
      %add3A_1167 = arith.addf %add3A_1159, %gather3A_1166 : vector<16xf32>
      %add3A_1168 = arith.constant 1.000000e-30 : f32
      %add3A_1169 = vector.broadcast %add3A_1168 : f32 to vector<16xf32>
      %add3A_1170 = arith.addf %add3A_1167, %add3A_1169 : vector<16xf32>
      %bitcast_convert_type3A_1171 = tpu.bitcast %add3A_1170 : vector<16xf32> -> vector<16xi32>
      %shift_right_arithmetic3A_1172 = arith.constant 1 : i32
      %shift_right_arithmetic3A_1173 = vector.broadcast %shift_right_arithmetic3A_1172 : i32 to vector<16xi32>
      %shift_right_arithmetic3A_1174 = arith.shrsi %bitcast_convert_type3A_1171, %shift_right_arithmetic3A_1173 : vector<16xi32>
      %sub3A_1175 = arith.constant 1597463007 : i32
      %sub3A_1176 = vector.broadcast %sub3A_1175 : i32 to vector<16xi32>
      %sub3A_1177 = arith.subi %sub3A_1176, %shift_right_arithmetic3A_1174 : vector<16xi32>
      %bitcast_convert_type3A_1178 = tpu.bitcast %sub3A_1177 : vector<16xi32> -> vector<16xf32>
      %mul3A_1179 = arith.constant 5.000000e-01 : f32
      %mul3A_1180 = vector.broadcast %mul3A_1179 : f32 to vector<16xf32>
      %mul3A_1181 = arith.mulf %mul3A_1180, %add3A_1170 : vector<16xf32>
      %mul3A_1182 = arith.mulf %mul3A_1181, %bitcast_convert_type3A_1178 : vector<16xf32>
      %mul3A_1183 = arith.mulf %mul3A_1182, %bitcast_convert_type3A_1178 : vector<16xf32>
      %sub3A_1184 = arith.constant 1.500000e+00 : f32
      %sub3A_1185 = vector.broadcast %sub3A_1184 : f32 to vector<16xf32>
      %sub3A_1186 = arith.subf %sub3A_1185, %mul3A_1183 : vector<16xf32>
      %mul3A_1187 = arith.mulf %bitcast_convert_type3A_1178, %sub3A_1186 : vector<16xf32>
      %mul3A_1188 = arith.constant 5.000000e-01 : f32
      %mul3A_1189 = vector.broadcast %mul3A_1188 : f32 to vector<16xf32>
      %mul3A_1190 = arith.mulf %mul3A_1189, %add3A_1170 : vector<16xf32>
      %mul3A_1191 = arith.mulf %mul3A_1190, %mul3A_1187 : vector<16xf32>
      %mul3A_1192 = arith.mulf %mul3A_1191, %mul3A_1187 : vector<16xf32>
      %sub3A_1193 = arith.constant 1.500000e+00 : f32
      %sub3A_1194 = vector.broadcast %sub3A_1193 : f32 to vector<16xf32>
      %sub3A_1195 = arith.subf %sub3A_1194, %mul3A_1192 : vector<16xf32>
      %mul3A_1196 = arith.mulf %mul3A_1187, %sub3A_1195 : vector<16xf32>
      %mul3A_1197 = arith.constant 5.000000e-01 : f32
      %mul3A_1198 = vector.broadcast %mul3A_1197 : f32 to vector<16xf32>
      %mul3A_1199 = arith.mulf %mul3A_1198, %add3A_1170 : vector<16xf32>
      %mul3A_1200 = arith.mulf %mul3A_1199, %mul3A_1196 : vector<16xf32>
      %mul3A_1201 = arith.mulf %mul3A_1200, %mul3A_1196 : vector<16xf32>
      %sub3A_1202 = arith.constant 1.500000e+00 : f32
      %sub3A_1203 = vector.broadcast %sub3A_1202 : f32 to vector<16xf32>
      %sub3A_1204 = arith.subf %sub3A_1203, %mul3A_1201 : vector<16xf32>
      %mul3A_1205 = arith.mulf %mul3A_1196, %sub3A_1204 : vector<16xf32>
      %mul3A_1206 = arith.mulf %add3A_1121, %mul3A_1205 : vector<16xf32>
      %swap3A_1207 = arith.index_cast %add3A_1110 : i32 to index
      %swap3A_1208 = arith.constant 0 : index
      %swap3A_1209 = tpu.vector_load %arg11[%swap3A_1207, %swap3A_1208] {strides = array<i32>} : memref<512x32xf32, #tpu.memory_space<vmem>>, vector<1x16xf32>,
      %swap3A_1210 = vector.shape_cast %swap3A_1209 : vector<1x16xf32> to vector<16xf32>
      %swap3A_1211 = vector.shape_cast %mul3A_1206 : vector<16xf32> to vector<1x16xf32>
      tpu.vector_store %arg11[%swap3A_1207, %swap3A_1208], %swap3A_1211 {strides = array<i32>} : memref<512x32xf32, #tpu.memory_space<vmem>>, vector<1x16xf32>,
      %mul3A_1212 = arith.mulf %add3A_1132, %mul3A_1205 : vector<16xf32>
      %swap3A_1213 = arith.index_cast %add3A_1110 : i32 to index
      %swap3A_1214 = arith.constant 16 : index
      %swap3A_1215 = tpu.vector_load %arg11[%swap3A_1213, %swap3A_1214] {strides = array<i32>} : memref<512x32xf32, #tpu.memory_space<vmem>>, vector<1x16xf32>,
      %swap3A_1216 = vector.shape_cast %swap3A_1215 : vector<1x16xf32> to vector<16xf32>
      %swap3A_1217 = vector.shape_cast %mul3A_1212 : vector<16xf32> to vector<1x16xf32>
      tpu.vector_store %arg11[%swap3A_1213, %swap3A_1214], %swap3A_1217 {strides = array<i32>} : memref<512x32xf32, #tpu.memory_space<vmem>>, vector<1x16xf32>,
      %add3A_1218 = arith.constant 11 : i32
      %add3A_1219 = arith.addi %multiple_of3A, %add3A_1218 : i32
      %slice3A_1220 = vector.extract_strided_slice %get3A_28 {offsets = [11], sizes = [1], strides = [1]} : vector<16xi32> to vector<1xi32>
      %squeeze3A_1221 = vector.extract %slice3A_1220[0] : i32 from vector<1xi32>
      %get3A_1222 = arith.index_cast %add3A_1219 : i32 to index
      %get3A_1223 = arith.index_cast %squeeze3A_1221 : i32 to index
      %get3A_1224 = tpu.vector_load %arg9[%get3A_1222, %get3A_1223] {strides = array<i32>} : memref<512x128xf32, #tpu.memory_space<vmem>>, vector<1x16xf32>,
      %get3A_1225 = vector.shape_cast %get3A_1224 : vector<1x16xf32> to vector<16xf32>
      %get3A_1226 = arith.index_cast %add3A_1219 : i32 to index
      %get3A_1227 = arith.constant 0 : index
      %get3A_1228 = tpu.vector_load %arg10[%get3A_1226, %get3A_1227] {strides = array<i32>} : memref<512x32xf32, #tpu.memory_space<vmem>>, vector<1x16xf32>,
      %get3A_1229 = vector.shape_cast %get3A_1228 : vector<1x16xf32> to vector<16xf32>
      %add3A_1230 = arith.addf %get3A_1225, %get3A_1229 : vector<16xf32>
      %add3A_1231 = arith.constant 16 : i32
      %add3A_1232 = arith.addi %squeeze3A_1221, %add3A_1231 : i32
      %get3A_1233 = arith.index_cast %add3A_1219 : i32 to index
      %get3A_1234 = arith.index_cast %add3A_1232 : i32 to index
      %get3A_1235 = tpu.vector_load %arg9[%get3A_1233, %get3A_1234] {strides = array<i32>} : memref<512x128xf32, #tpu.memory_space<vmem>>, vector<1x16xf32>,
      %get3A_1236 = vector.shape_cast %get3A_1235 : vector<1x16xf32> to vector<16xf32>
      %get3A_1237 = arith.index_cast %add3A_1219 : i32 to index
      %get3A_1238 = arith.constant 16 : index
      %get3A_1239 = tpu.vector_load %arg10[%get3A_1237, %get3A_1238] {strides = array<i32>} : memref<512x32xf32, #tpu.memory_space<vmem>>, vector<1x16xf32>,
      %get3A_1240 = vector.shape_cast %get3A_1239 : vector<1x16xf32> to vector<16xf32>
      %add3A_1241 = arith.addf %get3A_1236, %get3A_1240 : vector<16xf32>
      %mul3A_1242 = arith.mulf %add3A_1230, %add3A_1230 : vector<16xf32>
      %mul3A_1243 = arith.mulf %add3A_1241, %add3A_1241 : vector<16xf32>
      %add3A_1244 = arith.addf %mul3A_1242, %mul3A_1243 : vector<16xf32>
      %iota3A_1245 = tpu.iota {dimensions = array<i32: 0>} : vector<16xi32>
      %xor3A_1246 = arith.constant 8 : i32
      %xor3A_1247 = vector.broadcast %xor3A_1246 : i32 to vector<16xi32>
      %xor3A_1248 = arith.xori %iota3A_1245, %xor3A_1247 : vector<16xi32>
      %broadcast_in_dim3A_1249 = vector.shape_cast %xor3A_1248 : vector<16xi32> to vector<16x1xi32>
      %gather3A_1250 = vector.shape_cast %broadcast_in_dim3A_1249 : vector<16x1xi32> to vector<16xi32>
      %gather3A_1251 = tpu.dynamic_gather %add3A_1244[%gather3A_1250] in [0] : vector<16xf32>, vector<16xi32> -> vector<16xf32>
      %add3A_1252 = arith.addf %add3A_1244, %gather3A_1251 : vector<16xf32>
      %iota3A_1253 = tpu.iota {dimensions = array<i32: 0>} : vector<16xi32>
      %xor3A_1254 = arith.constant 4 : i32
      %xor3A_1255 = vector.broadcast %xor3A_1254 : i32 to vector<16xi32>
      %xor3A_1256 = arith.xori %iota3A_1253, %xor3A_1255 : vector<16xi32>
      %broadcast_in_dim3A_1257 = vector.shape_cast %xor3A_1256 : vector<16xi32> to vector<16x1xi32>
      %gather3A_1258 = vector.shape_cast %broadcast_in_dim3A_1257 : vector<16x1xi32> to vector<16xi32>
      %gather3A_1259 = tpu.dynamic_gather %add3A_1252[%gather3A_1258] in [0] : vector<16xf32>, vector<16xi32> -> vector<16xf32>
      %add3A_1260 = arith.addf %add3A_1252, %gather3A_1259 : vector<16xf32>
      %iota3A_1261 = tpu.iota {dimensions = array<i32: 0>} : vector<16xi32>
      %xor3A_1262 = arith.constant 2 : i32
      %xor3A_1263 = vector.broadcast %xor3A_1262 : i32 to vector<16xi32>
      %xor3A_1264 = arith.xori %iota3A_1261, %xor3A_1263 : vector<16xi32>
      %broadcast_in_dim3A_1265 = vector.shape_cast %xor3A_1264 : vector<16xi32> to vector<16x1xi32>
      %gather3A_1266 = vector.shape_cast %broadcast_in_dim3A_1265 : vector<16x1xi32> to vector<16xi32>
      %gather3A_1267 = tpu.dynamic_gather %add3A_1260[%gather3A_1266] in [0] : vector<16xf32>, vector<16xi32> -> vector<16xf32>
      %add3A_1268 = arith.addf %add3A_1260, %gather3A_1267 : vector<16xf32>
      %iota3A_1269 = tpu.iota {dimensions = array<i32: 0>} : vector<16xi32>
      %xor3A_1270 = arith.constant 1 : i32
      %xor3A_1271 = vector.broadcast %xor3A_1270 : i32 to vector<16xi32>
      %xor3A_1272 = arith.xori %iota3A_1269, %xor3A_1271 : vector<16xi32>
      %broadcast_in_dim3A_1273 = vector.shape_cast %xor3A_1272 : vector<16xi32> to vector<16x1xi32>
      %gather3A_1274 = vector.shape_cast %broadcast_in_dim3A_1273 : vector<16x1xi32> to vector<16xi32>
      %gather3A_1275 = tpu.dynamic_gather %add3A_1268[%gather3A_1274] in [0] : vector<16xf32>, vector<16xi32> -> vector<16xf32>
      %add3A_1276 = arith.addf %add3A_1268, %gather3A_1275 : vector<16xf32>
      %add3A_1277 = arith.constant 1.000000e-30 : f32
      %add3A_1278 = vector.broadcast %add3A_1277 : f32 to vector<16xf32>
      %add3A_1279 = arith.addf %add3A_1276, %add3A_1278 : vector<16xf32>
      %bitcast_convert_type3A_1280 = tpu.bitcast %add3A_1279 : vector<16xf32> -> vector<16xi32>
      %shift_right_arithmetic3A_1281 = arith.constant 1 : i32
      %shift_right_arithmetic3A_1282 = vector.broadcast %shift_right_arithmetic3A_1281 : i32 to vector<16xi32>
      %shift_right_arithmetic3A_1283 = arith.shrsi %bitcast_convert_type3A_1280, %shift_right_arithmetic3A_1282 : vector<16xi32>
      %sub3A_1284 = arith.constant 1597463007 : i32
      %sub3A_1285 = vector.broadcast %sub3A_1284 : i32 to vector<16xi32>
      %sub3A_1286 = arith.subi %sub3A_1285, %shift_right_arithmetic3A_1283 : vector<16xi32>
      %bitcast_convert_type3A_1287 = tpu.bitcast %sub3A_1286 : vector<16xi32> -> vector<16xf32>
      %mul3A_1288 = arith.constant 5.000000e-01 : f32
      %mul3A_1289 = vector.broadcast %mul3A_1288 : f32 to vector<16xf32>
      %mul3A_1290 = arith.mulf %mul3A_1289, %add3A_1279 : vector<16xf32>
      %mul3A_1291 = arith.mulf %mul3A_1290, %bitcast_convert_type3A_1287 : vector<16xf32>
      %mul3A_1292 = arith.mulf %mul3A_1291, %bitcast_convert_type3A_1287 : vector<16xf32>
      %sub3A_1293 = arith.constant 1.500000e+00 : f32
      %sub3A_1294 = vector.broadcast %sub3A_1293 : f32 to vector<16xf32>
      %sub3A_1295 = arith.subf %sub3A_1294, %mul3A_1292 : vector<16xf32>
      %mul3A_1296 = arith.mulf %bitcast_convert_type3A_1287, %sub3A_1295 : vector<16xf32>
      %mul3A_1297 = arith.constant 5.000000e-01 : f32
      %mul3A_1298 = vector.broadcast %mul3A_1297 : f32 to vector<16xf32>
      %mul3A_1299 = arith.mulf %mul3A_1298, %add3A_1279 : vector<16xf32>
      %mul3A_1300 = arith.mulf %mul3A_1299, %mul3A_1296 : vector<16xf32>
      %mul3A_1301 = arith.mulf %mul3A_1300, %mul3A_1296 : vector<16xf32>
      %sub3A_1302 = arith.constant 1.500000e+00 : f32
      %sub3A_1303 = vector.broadcast %sub3A_1302 : f32 to vector<16xf32>
      %sub3A_1304 = arith.subf %sub3A_1303, %mul3A_1301 : vector<16xf32>
      %mul3A_1305 = arith.mulf %mul3A_1296, %sub3A_1304 : vector<16xf32>
      %mul3A_1306 = arith.constant 5.000000e-01 : f32
      %mul3A_1307 = vector.broadcast %mul3A_1306 : f32 to vector<16xf32>
      %mul3A_1308 = arith.mulf %mul3A_1307, %add3A_1279 : vector<16xf32>
      %mul3A_1309 = arith.mulf %mul3A_1308, %mul3A_1305 : vector<16xf32>
      %mul3A_1310 = arith.mulf %mul3A_1309, %mul3A_1305 : vector<16xf32>
      %sub3A_1311 = arith.constant 1.500000e+00 : f32
      %sub3A_1312 = vector.broadcast %sub3A_1311 : f32 to vector<16xf32>
      %sub3A_1313 = arith.subf %sub3A_1312, %mul3A_1310 : vector<16xf32>
      %mul3A_1314 = arith.mulf %mul3A_1305, %sub3A_1313 : vector<16xf32>
      %mul3A_1315 = arith.mulf %add3A_1230, %mul3A_1314 : vector<16xf32>
      %swap3A_1316 = arith.index_cast %add3A_1219 : i32 to index
      %swap3A_1317 = arith.constant 0 : index
      %swap3A_1318 = tpu.vector_load %arg11[%swap3A_1316, %swap3A_1317] {strides = array<i32>} : memref<512x32xf32, #tpu.memory_space<vmem>>, vector<1x16xf32>,
      %swap3A_1319 = vector.shape_cast %swap3A_1318 : vector<1x16xf32> to vector<16xf32>
      %swap3A_1320 = vector.shape_cast %mul3A_1315 : vector<16xf32> to vector<1x16xf32>
      tpu.vector_store %arg11[%swap3A_1316, %swap3A_1317], %swap3A_1320 {strides = array<i32>} : memref<512x32xf32, #tpu.memory_space<vmem>>, vector<1x16xf32>,
      %mul3A_1321 = arith.mulf %add3A_1241, %mul3A_1314 : vector<16xf32>
      %swap3A_1322 = arith.index_cast %add3A_1219 : i32 to index
      %swap3A_1323 = arith.constant 16 : index
      %swap3A_1324 = tpu.vector_load %arg11[%swap3A_1322, %swap3A_1323] {strides = array<i32>} : memref<512x32xf32, #tpu.memory_space<vmem>>, vector<1x16xf32>,
      %swap3A_1325 = vector.shape_cast %swap3A_1324 : vector<1x16xf32> to vector<16xf32>
      %swap3A_1326 = vector.shape_cast %mul3A_1321 : vector<16xf32> to vector<1x16xf32>
      tpu.vector_store %arg11[%swap3A_1322, %swap3A_1323], %swap3A_1326 {strides = array<i32>} : memref<512x32xf32, #tpu.memory_space<vmem>>, vector<1x16xf32>,
      %add3A_1327 = arith.constant 12 : i32
      %add3A_1328 = arith.addi %multiple_of3A, %add3A_1327 : i32
      %slice3A_1329 = vector.extract_strided_slice %get3A_28 {offsets = [12], sizes = [1], strides = [1]} : vector<16xi32> to vector<1xi32>
      %squeeze3A_1330 = vector.extract %slice3A_1329[0] : i32 from vector<1xi32>
      %get3A_1331 = arith.index_cast %add3A_1328 : i32 to index
      %get3A_1332 = arith.index_cast %squeeze3A_1330 : i32 to index
      %get3A_1333 = tpu.vector_load %arg9[%get3A_1331, %get3A_1332] {strides = array<i32>} : memref<512x128xf32, #tpu.memory_space<vmem>>, vector<1x16xf32>,
      %get3A_1334 = vector.shape_cast %get3A_1333 : vector<1x16xf32> to vector<16xf32>
      %get3A_1335 = arith.index_cast %add3A_1328 : i32 to index
      %get3A_1336 = arith.constant 0 : index
      %get3A_1337 = tpu.vector_load %arg10[%get3A_1335, %get3A_1336] {strides = array<i32>} : memref<512x32xf32, #tpu.memory_space<vmem>>, vector<1x16xf32>,
      %get3A_1338 = vector.shape_cast %get3A_1337 : vector<1x16xf32> to vector<16xf32>
      %add3A_1339 = arith.addf %get3A_1334, %get3A_1338 : vector<16xf32>
      %add3A_1340 = arith.constant 16 : i32
      %add3A_1341 = arith.addi %squeeze3A_1330, %add3A_1340 : i32
      %get3A_1342 = arith.index_cast %add3A_1328 : i32 to index
      %get3A_1343 = arith.index_cast %add3A_1341 : i32 to index
      %get3A_1344 = tpu.vector_load %arg9[%get3A_1342, %get3A_1343] {strides = array<i32>} : memref<512x128xf32, #tpu.memory_space<vmem>>, vector<1x16xf32>,
      %get3A_1345 = vector.shape_cast %get3A_1344 : vector<1x16xf32> to vector<16xf32>
      %get3A_1346 = arith.index_cast %add3A_1328 : i32 to index
      %get3A_1347 = arith.constant 16 : index
      %get3A_1348 = tpu.vector_load %arg10[%get3A_1346, %get3A_1347] {strides = array<i32>} : memref<512x32xf32, #tpu.memory_space<vmem>>, vector<1x16xf32>,
      %get3A_1349 = vector.shape_cast %get3A_1348 : vector<1x16xf32> to vector<16xf32>
      %add3A_1350 = arith.addf %get3A_1345, %get3A_1349 : vector<16xf32>
      %mul3A_1351 = arith.mulf %add3A_1339, %add3A_1339 : vector<16xf32>
      %mul3A_1352 = arith.mulf %add3A_1350, %add3A_1350 : vector<16xf32>
      %add3A_1353 = arith.addf %mul3A_1351, %mul3A_1352 : vector<16xf32>
      %iota3A_1354 = tpu.iota {dimensions = array<i32: 0>} : vector<16xi32>
      %xor3A_1355 = arith.constant 8 : i32
      %xor3A_1356 = vector.broadcast %xor3A_1355 : i32 to vector<16xi32>
      %xor3A_1357 = arith.xori %iota3A_1354, %xor3A_1356 : vector<16xi32>
      %broadcast_in_dim3A_1358 = vector.shape_cast %xor3A_1357 : vector<16xi32> to vector<16x1xi32>
      %gather3A_1359 = vector.shape_cast %broadcast_in_dim3A_1358 : vector<16x1xi32> to vector<16xi32>
      %gather3A_1360 = tpu.dynamic_gather %add3A_1353[%gather3A_1359] in [0] : vector<16xf32>, vector<16xi32> -> vector<16xf32>
      %add3A_1361 = arith.addf %add3A_1353, %gather3A_1360 : vector<16xf32>
      %iota3A_1362 = tpu.iota {dimensions = array<i32: 0>} : vector<16xi32>
      %xor3A_1363 = arith.constant 4 : i32
      %xor3A_1364 = vector.broadcast %xor3A_1363 : i32 to vector<16xi32>
      %xor3A_1365 = arith.xori %iota3A_1362, %xor3A_1364 : vector<16xi32>
      %broadcast_in_dim3A_1366 = vector.shape_cast %xor3A_1365 : vector<16xi32> to vector<16x1xi32>
      %gather3A_1367 = vector.shape_cast %broadcast_in_dim3A_1366 : vector<16x1xi32> to vector<16xi32>
      %gather3A_1368 = tpu.dynamic_gather %add3A_1361[%gather3A_1367] in [0] : vector<16xf32>, vector<16xi32> -> vector<16xf32>
      %add3A_1369 = arith.addf %add3A_1361, %gather3A_1368 : vector<16xf32>
      %iota3A_1370 = tpu.iota {dimensions = array<i32: 0>} : vector<16xi32>
      %xor3A_1371 = arith.constant 2 : i32
      %xor3A_1372 = vector.broadcast %xor3A_1371 : i32 to vector<16xi32>
      %xor3A_1373 = arith.xori %iota3A_1370, %xor3A_1372 : vector<16xi32>
      %broadcast_in_dim3A_1374 = vector.shape_cast %xor3A_1373 : vector<16xi32> to vector<16x1xi32>
      %gather3A_1375 = vector.shape_cast %broadcast_in_dim3A_1374 : vector<16x1xi32> to vector<16xi32>
      %gather3A_1376 = tpu.dynamic_gather %add3A_1369[%gather3A_1375] in [0] : vector<16xf32>, vector<16xi32> -> vector<16xf32>
      %add3A_1377 = arith.addf %add3A_1369, %gather3A_1376 : vector<16xf32>
      %iota3A_1378 = tpu.iota {dimensions = array<i32: 0>} : vector<16xi32>
      %xor3A_1379 = arith.constant 1 : i32
      %xor3A_1380 = vector.broadcast %xor3A_1379 : i32 to vector<16xi32>
      %xor3A_1381 = arith.xori %iota3A_1378, %xor3A_1380 : vector<16xi32>
      %broadcast_in_dim3A_1382 = vector.shape_cast %xor3A_1381 : vector<16xi32> to vector<16x1xi32>
      %gather3A_1383 = vector.shape_cast %broadcast_in_dim3A_1382 : vector<16x1xi32> to vector<16xi32>
      %gather3A_1384 = tpu.dynamic_gather %add3A_1377[%gather3A_1383] in [0] : vector<16xf32>, vector<16xi32> -> vector<16xf32>
      %add3A_1385 = arith.addf %add3A_1377, %gather3A_1384 : vector<16xf32>
      %add3A_1386 = arith.constant 1.000000e-30 : f32
      %add3A_1387 = vector.broadcast %add3A_1386 : f32 to vector<16xf32>
      %add3A_1388 = arith.addf %add3A_1385, %add3A_1387 : vector<16xf32>
      %bitcast_convert_type3A_1389 = tpu.bitcast %add3A_1388 : vector<16xf32> -> vector<16xi32>
      %shift_right_arithmetic3A_1390 = arith.constant 1 : i32
      %shift_right_arithmetic3A_1391 = vector.broadcast %shift_right_arithmetic3A_1390 : i32 to vector<16xi32>
      %shift_right_arithmetic3A_1392 = arith.shrsi %bitcast_convert_type3A_1389, %shift_right_arithmetic3A_1391 : vector<16xi32>
      %sub3A_1393 = arith.constant 1597463007 : i32
      %sub3A_1394 = vector.broadcast %sub3A_1393 : i32 to vector<16xi32>
      %sub3A_1395 = arith.subi %sub3A_1394, %shift_right_arithmetic3A_1392 : vector<16xi32>
      %bitcast_convert_type3A_1396 = tpu.bitcast %sub3A_1395 : vector<16xi32> -> vector<16xf32>
      %mul3A_1397 = arith.constant 5.000000e-01 : f32
      %mul3A_1398 = vector.broadcast %mul3A_1397 : f32 to vector<16xf32>
      %mul3A_1399 = arith.mulf %mul3A_1398, %add3A_1388 : vector<16xf32>
      %mul3A_1400 = arith.mulf %mul3A_1399, %bitcast_convert_type3A_1396 : vector<16xf32>
      %mul3A_1401 = arith.mulf %mul3A_1400, %bitcast_convert_type3A_1396 : vector<16xf32>
      %sub3A_1402 = arith.constant 1.500000e+00 : f32
      %sub3A_1403 = vector.broadcast %sub3A_1402 : f32 to vector<16xf32>
      %sub3A_1404 = arith.subf %sub3A_1403, %mul3A_1401 : vector<16xf32>
      %mul3A_1405 = arith.mulf %bitcast_convert_type3A_1396, %sub3A_1404 : vector<16xf32>
      %mul3A_1406 = arith.constant 5.000000e-01 : f32
      %mul3A_1407 = vector.broadcast %mul3A_1406 : f32 to vector<16xf32>
      %mul3A_1408 = arith.mulf %mul3A_1407, %add3A_1388 : vector<16xf32>
      %mul3A_1409 = arith.mulf %mul3A_1408, %mul3A_1405 : vector<16xf32>
      %mul3A_1410 = arith.mulf %mul3A_1409, %mul3A_1405 : vector<16xf32>
      %sub3A_1411 = arith.constant 1.500000e+00 : f32
      %sub3A_1412 = vector.broadcast %sub3A_1411 : f32 to vector<16xf32>
      %sub3A_1413 = arith.subf %sub3A_1412, %mul3A_1410 : vector<16xf32>
      %mul3A_1414 = arith.mulf %mul3A_1405, %sub3A_1413 : vector<16xf32>
      %mul3A_1415 = arith.constant 5.000000e-01 : f32
      %mul3A_1416 = vector.broadcast %mul3A_1415 : f32 to vector<16xf32>
      %mul3A_1417 = arith.mulf %mul3A_1416, %add3A_1388 : vector<16xf32>
      %mul3A_1418 = arith.mulf %mul3A_1417, %mul3A_1414 : vector<16xf32>
      %mul3A_1419 = arith.mulf %mul3A_1418, %mul3A_1414 : vector<16xf32>
      %sub3A_1420 = arith.constant 1.500000e+00 : f32
      %sub3A_1421 = vector.broadcast %sub3A_1420 : f32 to vector<16xf32>
      %sub3A_1422 = arith.subf %sub3A_1421, %mul3A_1419 : vector<16xf32>
      %mul3A_1423 = arith.mulf %mul3A_1414, %sub3A_1422 : vector<16xf32>
      %mul3A_1424 = arith.mulf %add3A_1339, %mul3A_1423 : vector<16xf32>
      %swap3A_1425 = arith.index_cast %add3A_1328 : i32 to index
      %swap3A_1426 = arith.constant 0 : index
      %swap3A_1427 = tpu.vector_load %arg11[%swap3A_1425, %swap3A_1426] {strides = array<i32>} : memref<512x32xf32, #tpu.memory_space<vmem>>, vector<1x16xf32>,
      %swap3A_1428 = vector.shape_cast %swap3A_1427 : vector<1x16xf32> to vector<16xf32>
      %swap3A_1429 = vector.shape_cast %mul3A_1424 : vector<16xf32> to vector<1x16xf32>
      tpu.vector_store %arg11[%swap3A_1425, %swap3A_1426], %swap3A_1429 {strides = array<i32>} : memref<512x32xf32, #tpu.memory_space<vmem>>, vector<1x16xf32>,
      %mul3A_1430 = arith.mulf %add3A_1350, %mul3A_1423 : vector<16xf32>
      %swap3A_1431 = arith.index_cast %add3A_1328 : i32 to index
      %swap3A_1432 = arith.constant 16 : index
      %swap3A_1433 = tpu.vector_load %arg11[%swap3A_1431, %swap3A_1432] {strides = array<i32>} : memref<512x32xf32, #tpu.memory_space<vmem>>, vector<1x16xf32>,
      %swap3A_1434 = vector.shape_cast %swap3A_1433 : vector<1x16xf32> to vector<16xf32>
      %swap3A_1435 = vector.shape_cast %mul3A_1430 : vector<16xf32> to vector<1x16xf32>
      tpu.vector_store %arg11[%swap3A_1431, %swap3A_1432], %swap3A_1435 {strides = array<i32>} : memref<512x32xf32, #tpu.memory_space<vmem>>, vector<1x16xf32>,
      %add3A_1436 = arith.constant 13 : i32
      %add3A_1437 = arith.addi %multiple_of3A, %add3A_1436 : i32
      %slice3A_1438 = vector.extract_strided_slice %get3A_28 {offsets = [13], sizes = [1], strides = [1]} : vector<16xi32> to vector<1xi32>
      %squeeze3A_1439 = vector.extract %slice3A_1438[0] : i32 from vector<1xi32>
      %get3A_1440 = arith.index_cast %add3A_1437 : i32 to index
      %get3A_1441 = arith.index_cast %squeeze3A_1439 : i32 to index
      %get3A_1442 = tpu.vector_load %arg9[%get3A_1440, %get3A_1441] {strides = array<i32>} : memref<512x128xf32, #tpu.memory_space<vmem>>, vector<1x16xf32>,
      %get3A_1443 = vector.shape_cast %get3A_1442 : vector<1x16xf32> to vector<16xf32>
      %get3A_1444 = arith.index_cast %add3A_1437 : i32 to index
      %get3A_1445 = arith.constant 0 : index
      %get3A_1446 = tpu.vector_load %arg10[%get3A_1444, %get3A_1445] {strides = array<i32>} : memref<512x32xf32, #tpu.memory_space<vmem>>, vector<1x16xf32>,
      %get3A_1447 = vector.shape_cast %get3A_1446 : vector<1x16xf32> to vector<16xf32>
      %add3A_1448 = arith.addf %get3A_1443, %get3A_1447 : vector<16xf32>
      %add3A_1449 = arith.constant 16 : i32
      %add3A_1450 = arith.addi %squeeze3A_1439, %add3A_1449 : i32
      %get3A_1451 = arith.index_cast %add3A_1437 : i32 to index
      %get3A_1452 = arith.index_cast %add3A_1450 : i32 to index
      %get3A_1453 = tpu.vector_load %arg9[%get3A_1451, %get3A_1452] {strides = array<i32>} : memref<512x128xf32, #tpu.memory_space<vmem>>, vector<1x16xf32>,
      %get3A_1454 = vector.shape_cast %get3A_1453 : vector<1x16xf32> to vector<16xf32>
      %get3A_1455 = arith.index_cast %add3A_1437 : i32 to index
      %get3A_1456 = arith.constant 16 : index
      %get3A_1457 = tpu.vector_load %arg10[%get3A_1455, %get3A_1456] {strides = array<i32>} : memref<512x32xf32, #tpu.memory_space<vmem>>, vector<1x16xf32>,
      %get3A_1458 = vector.shape_cast %get3A_1457 : vector<1x16xf32> to vector<16xf32>
      %add3A_1459 = arith.addf %get3A_1454, %get3A_1458 : vector<16xf32>
      %mul3A_1460 = arith.mulf %add3A_1448, %add3A_1448 : vector<16xf32>
      %mul3A_1461 = arith.mulf %add3A_1459, %add3A_1459 : vector<16xf32>
      %add3A_1462 = arith.addf %mul3A_1460, %mul3A_1461 : vector<16xf32>
      %iota3A_1463 = tpu.iota {dimensions = array<i32: 0>} : vector<16xi32>
      %xor3A_1464 = arith.constant 8 : i32
      %xor3A_1465 = vector.broadcast %xor3A_1464 : i32 to vector<16xi32>
      %xor3A_1466 = arith.xori %iota3A_1463, %xor3A_1465 : vector<16xi32>
      %broadcast_in_dim3A_1467 = vector.shape_cast %xor3A_1466 : vector<16xi32> to vector<16x1xi32>
      %gather3A_1468 = vector.shape_cast %broadcast_in_dim3A_1467 : vector<16x1xi32> to vector<16xi32>
      %gather3A_1469 = tpu.dynamic_gather %add3A_1462[%gather3A_1468] in [0] : vector<16xf32>, vector<16xi32> -> vector<16xf32>
      %add3A_1470 = arith.addf %add3A_1462, %gather3A_1469 : vector<16xf32>
      %iota3A_1471 = tpu.iota {dimensions = array<i32: 0>} : vector<16xi32>
      %xor3A_1472 = arith.constant 4 : i32
      %xor3A_1473 = vector.broadcast %xor3A_1472 : i32 to vector<16xi32>
      %xor3A_1474 = arith.xori %iota3A_1471, %xor3A_1473 : vector<16xi32>
      %broadcast_in_dim3A_1475 = vector.shape_cast %xor3A_1474 : vector<16xi32> to vector<16x1xi32>
      %gather3A_1476 = vector.shape_cast %broadcast_in_dim3A_1475 : vector<16x1xi32> to vector<16xi32>
      %gather3A_1477 = tpu.dynamic_gather %add3A_1470[%gather3A_1476] in [0] : vector<16xf32>, vector<16xi32> -> vector<16xf32>
      %add3A_1478 = arith.addf %add3A_1470, %gather3A_1477 : vector<16xf32>
      %iota3A_1479 = tpu.iota {dimensions = array<i32: 0>} : vector<16xi32>
      %xor3A_1480 = arith.constant 2 : i32
      %xor3A_1481 = vector.broadcast %xor3A_1480 : i32 to vector<16xi32>
      %xor3A_1482 = arith.xori %iota3A_1479, %xor3A_1481 : vector<16xi32>
      %broadcast_in_dim3A_1483 = vector.shape_cast %xor3A_1482 : vector<16xi32> to vector<16x1xi32>
      %gather3A_1484 = vector.shape_cast %broadcast_in_dim3A_1483 : vector<16x1xi32> to vector<16xi32>
      %gather3A_1485 = tpu.dynamic_gather %add3A_1478[%gather3A_1484] in [0] : vector<16xf32>, vector<16xi32> -> vector<16xf32>
      %add3A_1486 = arith.addf %add3A_1478, %gather3A_1485 : vector<16xf32>
      %iota3A_1487 = tpu.iota {dimensions = array<i32: 0>} : vector<16xi32>
      %xor3A_1488 = arith.constant 1 : i32
      %xor3A_1489 = vector.broadcast %xor3A_1488 : i32 to vector<16xi32>
      %xor3A_1490 = arith.xori %iota3A_1487, %xor3A_1489 : vector<16xi32>
      %broadcast_in_dim3A_1491 = vector.shape_cast %xor3A_1490 : vector<16xi32> to vector<16x1xi32>
      %gather3A_1492 = vector.shape_cast %broadcast_in_dim3A_1491 : vector<16x1xi32> to vector<16xi32>
      %gather3A_1493 = tpu.dynamic_gather %add3A_1486[%gather3A_1492] in [0] : vector<16xf32>, vector<16xi32> -> vector<16xf32>
      %add3A_1494 = arith.addf %add3A_1486, %gather3A_1493 : vector<16xf32>
      %add3A_1495 = arith.constant 1.000000e-30 : f32
      %add3A_1496 = vector.broadcast %add3A_1495 : f32 to vector<16xf32>
      %add3A_1497 = arith.addf %add3A_1494, %add3A_1496 : vector<16xf32>
      %bitcast_convert_type3A_1498 = tpu.bitcast %add3A_1497 : vector<16xf32> -> vector<16xi32>
      %shift_right_arithmetic3A_1499 = arith.constant 1 : i32
      %shift_right_arithmetic3A_1500 = vector.broadcast %shift_right_arithmetic3A_1499 : i32 to vector<16xi32>
      %shift_right_arithmetic3A_1501 = arith.shrsi %bitcast_convert_type3A_1498, %shift_right_arithmetic3A_1500 : vector<16xi32>
      %sub3A_1502 = arith.constant 1597463007 : i32
      %sub3A_1503 = vector.broadcast %sub3A_1502 : i32 to vector<16xi32>
      %sub3A_1504 = arith.subi %sub3A_1503, %shift_right_arithmetic3A_1501 : vector<16xi32>
      %bitcast_convert_type3A_1505 = tpu.bitcast %sub3A_1504 : vector<16xi32> -> vector<16xf32>
      %mul3A_1506 = arith.constant 5.000000e-01 : f32
      %mul3A_1507 = vector.broadcast %mul3A_1506 : f32 to vector<16xf32>
      %mul3A_1508 = arith.mulf %mul3A_1507, %add3A_1497 : vector<16xf32>
      %mul3A_1509 = arith.mulf %mul3A_1508, %bitcast_convert_type3A_1505 : vector<16xf32>
      %mul3A_1510 = arith.mulf %mul3A_1509, %bitcast_convert_type3A_1505 : vector<16xf32>
      %sub3A_1511 = arith.constant 1.500000e+00 : f32
      %sub3A_1512 = vector.broadcast %sub3A_1511 : f32 to vector<16xf32>
      %sub3A_1513 = arith.subf %sub3A_1512, %mul3A_1510 : vector<16xf32>
      %mul3A_1514 = arith.mulf %bitcast_convert_type3A_1505, %sub3A_1513 : vector<16xf32>
      %mul3A_1515 = arith.constant 5.000000e-01 : f32
      %mul3A_1516 = vector.broadcast %mul3A_1515 : f32 to vector<16xf32>
      %mul3A_1517 = arith.mulf %mul3A_1516, %add3A_1497 : vector<16xf32>
      %mul3A_1518 = arith.mulf %mul3A_1517, %mul3A_1514 : vector<16xf32>
      %mul3A_1519 = arith.mulf %mul3A_1518, %mul3A_1514 : vector<16xf32>
      %sub3A_1520 = arith.constant 1.500000e+00 : f32
      %sub3A_1521 = vector.broadcast %sub3A_1520 : f32 to vector<16xf32>
      %sub3A_1522 = arith.subf %sub3A_1521, %mul3A_1519 : vector<16xf32>
      %mul3A_1523 = arith.mulf %mul3A_1514, %sub3A_1522 : vector<16xf32>
      %mul3A_1524 = arith.constant 5.000000e-01 : f32
      %mul3A_1525 = vector.broadcast %mul3A_1524 : f32 to vector<16xf32>
      %mul3A_1526 = arith.mulf %mul3A_1525, %add3A_1497 : vector<16xf32>
      %mul3A_1527 = arith.mulf %mul3A_1526, %mul3A_1523 : vector<16xf32>
      %mul3A_1528 = arith.mulf %mul3A_1527, %mul3A_1523 : vector<16xf32>
      %sub3A_1529 = arith.constant 1.500000e+00 : f32
      %sub3A_1530 = vector.broadcast %sub3A_1529 : f32 to vector<16xf32>
      %sub3A_1531 = arith.subf %sub3A_1530, %mul3A_1528 : vector<16xf32>
      %mul3A_1532 = arith.mulf %mul3A_1523, %sub3A_1531 : vector<16xf32>
      %mul3A_1533 = arith.mulf %add3A_1448, %mul3A_1532 : vector<16xf32>
      %swap3A_1534 = arith.index_cast %add3A_1437 : i32 to index
      %swap3A_1535 = arith.constant 0 : index
      %swap3A_1536 = tpu.vector_load %arg11[%swap3A_1534, %swap3A_1535] {strides = array<i32>} : memref<512x32xf32, #tpu.memory_space<vmem>>, vector<1x16xf32>,
      %swap3A_1537 = vector.shape_cast %swap3A_1536 : vector<1x16xf32> to vector<16xf32>
      %swap3A_1538 = vector.shape_cast %mul3A_1533 : vector<16xf32> to vector<1x16xf32>
      tpu.vector_store %arg11[%swap3A_1534, %swap3A_1535], %swap3A_1538 {strides = array<i32>} : memref<512x32xf32, #tpu.memory_space<vmem>>, vector<1x16xf32>,
      %mul3A_1539 = arith.mulf %add3A_1459, %mul3A_1532 : vector<16xf32>
      %swap3A_1540 = arith.index_cast %add3A_1437 : i32 to index
      %swap3A_1541 = arith.constant 16 : index
      %swap3A_1542 = tpu.vector_load %arg11[%swap3A_1540, %swap3A_1541] {strides = array<i32>} : memref<512x32xf32, #tpu.memory_space<vmem>>, vector<1x16xf32>,
      %swap3A_1543 = vector.shape_cast %swap3A_1542 : vector<1x16xf32> to vector<16xf32>
      %swap3A_1544 = vector.shape_cast %mul3A_1539 : vector<16xf32> to vector<1x16xf32>
      tpu.vector_store %arg11[%swap3A_1540, %swap3A_1541], %swap3A_1544 {strides = array<i32>} : memref<512x32xf32, #tpu.memory_space<vmem>>, vector<1x16xf32>,
      %add3A_1545 = arith.constant 14 : i32
      %add3A_1546 = arith.addi %multiple_of3A, %add3A_1545 : i32
      %slice3A_1547 = vector.extract_strided_slice %get3A_28 {offsets = [14], sizes = [1], strides = [1]} : vector<16xi32> to vector<1xi32>
      %squeeze3A_1548 = vector.extract %slice3A_1547[0] : i32 from vector<1xi32>
      %get3A_1549 = arith.index_cast %add3A_1546 : i32 to index
      %get3A_1550 = arith.index_cast %squeeze3A_1548 : i32 to index
      %get3A_1551 = tpu.vector_load %arg9[%get3A_1549, %get3A_1550] {strides = array<i32>} : memref<512x128xf32, #tpu.memory_space<vmem>>, vector<1x16xf32>,
      %get3A_1552 = vector.shape_cast %get3A_1551 : vector<1x16xf32> to vector<16xf32>
      %get3A_1553 = arith.index_cast %add3A_1546 : i32 to index
      %get3A_1554 = arith.constant 0 : index
      %get3A_1555 = tpu.vector_load %arg10[%get3A_1553, %get3A_1554] {strides = array<i32>} : memref<512x32xf32, #tpu.memory_space<vmem>>, vector<1x16xf32>,
      %get3A_1556 = vector.shape_cast %get3A_1555 : vector<1x16xf32> to vector<16xf32>
      %add3A_1557 = arith.addf %get3A_1552, %get3A_1556 : vector<16xf32>
      %add3A_1558 = arith.constant 16 : i32
      %add3A_1559 = arith.addi %squeeze3A_1548, %add3A_1558 : i32
      %get3A_1560 = arith.index_cast %add3A_1546 : i32 to index
      %get3A_1561 = arith.index_cast %add3A_1559 : i32 to index
      %get3A_1562 = tpu.vector_load %arg9[%get3A_1560, %get3A_1561] {strides = array<i32>} : memref<512x128xf32, #tpu.memory_space<vmem>>, vector<1x16xf32>,
      %get3A_1563 = vector.shape_cast %get3A_1562 : vector<1x16xf32> to vector<16xf32>
      %get3A_1564 = arith.index_cast %add3A_1546 : i32 to index
      %get3A_1565 = arith.constant 16 : index
      %get3A_1566 = tpu.vector_load %arg10[%get3A_1564, %get3A_1565] {strides = array<i32>} : memref<512x32xf32, #tpu.memory_space<vmem>>, vector<1x16xf32>,
      %get3A_1567 = vector.shape_cast %get3A_1566 : vector<1x16xf32> to vector<16xf32>
      %add3A_1568 = arith.addf %get3A_1563, %get3A_1567 : vector<16xf32>
      %mul3A_1569 = arith.mulf %add3A_1557, %add3A_1557 : vector<16xf32>
      %mul3A_1570 = arith.mulf %add3A_1568, %add3A_1568 : vector<16xf32>
      %add3A_1571 = arith.addf %mul3A_1569, %mul3A_1570 : vector<16xf32>
      %iota3A_1572 = tpu.iota {dimensions = array<i32: 0>} : vector<16xi32>
      %xor3A_1573 = arith.constant 8 : i32
      %xor3A_1574 = vector.broadcast %xor3A_1573 : i32 to vector<16xi32>
      %xor3A_1575 = arith.xori %iota3A_1572, %xor3A_1574 : vector<16xi32>
      %broadcast_in_dim3A_1576 = vector.shape_cast %xor3A_1575 : vector<16xi32> to vector<16x1xi32>
      %gather3A_1577 = vector.shape_cast %broadcast_in_dim3A_1576 : vector<16x1xi32> to vector<16xi32>
      %gather3A_1578 = tpu.dynamic_gather %add3A_1571[%gather3A_1577] in [0] : vector<16xf32>, vector<16xi32> -> vector<16xf32>
      %add3A_1579 = arith.addf %add3A_1571, %gather3A_1578 : vector<16xf32>
      %iota3A_1580 = tpu.iota {dimensions = array<i32: 0>} : vector<16xi32>
      %xor3A_1581 = arith.constant 4 : i32
      %xor3A_1582 = vector.broadcast %xor3A_1581 : i32 to vector<16xi32>
      %xor3A_1583 = arith.xori %iota3A_1580, %xor3A_1582 : vector<16xi32>
      %broadcast_in_dim3A_1584 = vector.shape_cast %xor3A_1583 : vector<16xi32> to vector<16x1xi32>
      %gather3A_1585 = vector.shape_cast %broadcast_in_dim3A_1584 : vector<16x1xi32> to vector<16xi32>
      %gather3A_1586 = tpu.dynamic_gather %add3A_1579[%gather3A_1585] in [0] : vector<16xf32>, vector<16xi32> -> vector<16xf32>
      %add3A_1587 = arith.addf %add3A_1579, %gather3A_1586 : vector<16xf32>
      %iota3A_1588 = tpu.iota {dimensions = array<i32: 0>} : vector<16xi32>
      %xor3A_1589 = arith.constant 2 : i32
      %xor3A_1590 = vector.broadcast %xor3A_1589 : i32 to vector<16xi32>
      %xor3A_1591 = arith.xori %iota3A_1588, %xor3A_1590 : vector<16xi32>
      %broadcast_in_dim3A_1592 = vector.shape_cast %xor3A_1591 : vector<16xi32> to vector<16x1xi32>
      %gather3A_1593 = vector.shape_cast %broadcast_in_dim3A_1592 : vector<16x1xi32> to vector<16xi32>
      %gather3A_1594 = tpu.dynamic_gather %add3A_1587[%gather3A_1593] in [0] : vector<16xf32>, vector<16xi32> -> vector<16xf32>
      %add3A_1595 = arith.addf %add3A_1587, %gather3A_1594 : vector<16xf32>
      %iota3A_1596 = tpu.iota {dimensions = array<i32: 0>} : vector<16xi32>
      %xor3A_1597 = arith.constant 1 : i32
      %xor3A_1598 = vector.broadcast %xor3A_1597 : i32 to vector<16xi32>
      %xor3A_1599 = arith.xori %iota3A_1596, %xor3A_1598 : vector<16xi32>
      %broadcast_in_dim3A_1600 = vector.shape_cast %xor3A_1599 : vector<16xi32> to vector<16x1xi32>
      %gather3A_1601 = vector.shape_cast %broadcast_in_dim3A_1600 : vector<16x1xi32> to vector<16xi32>
      %gather3A_1602 = tpu.dynamic_gather %add3A_1595[%gather3A_1601] in [0] : vector<16xf32>, vector<16xi32> -> vector<16xf32>
      %add3A_1603 = arith.addf %add3A_1595, %gather3A_1602 : vector<16xf32>
      %add3A_1604 = arith.constant 1.000000e-30 : f32
      %add3A_1605 = vector.broadcast %add3A_1604 : f32 to vector<16xf32>
      %add3A_1606 = arith.addf %add3A_1603, %add3A_1605 : vector<16xf32>
      %bitcast_convert_type3A_1607 = tpu.bitcast %add3A_1606 : vector<16xf32> -> vector<16xi32>
      %shift_right_arithmetic3A_1608 = arith.constant 1 : i32
      %shift_right_arithmetic3A_1609 = vector.broadcast %shift_right_arithmetic3A_1608 : i32 to vector<16xi32>
      %shift_right_arithmetic3A_1610 = arith.shrsi %bitcast_convert_type3A_1607, %shift_right_arithmetic3A_1609 : vector<16xi32>
      %sub3A_1611 = arith.constant 1597463007 : i32
      %sub3A_1612 = vector.broadcast %sub3A_1611 : i32 to vector<16xi32>
      %sub3A_1613 = arith.subi %sub3A_1612, %shift_right_arithmetic3A_1610 : vector<16xi32>
      %bitcast_convert_type3A_1614 = tpu.bitcast %sub3A_1613 : vector<16xi32> -> vector<16xf32>
      %mul3A_1615 = arith.constant 5.000000e-01 : f32
      %mul3A_1616 = vector.broadcast %mul3A_1615 : f32 to vector<16xf32>
      %mul3A_1617 = arith.mulf %mul3A_1616, %add3A_1606 : vector<16xf32>
      %mul3A_1618 = arith.mulf %mul3A_1617, %bitcast_convert_type3A_1614 : vector<16xf32>
      %mul3A_1619 = arith.mulf %mul3A_1618, %bitcast_convert_type3A_1614 : vector<16xf32>
      %sub3A_1620 = arith.constant 1.500000e+00 : f32
      %sub3A_1621 = vector.broadcast %sub3A_1620 : f32 to vector<16xf32>
      %sub3A_1622 = arith.subf %sub3A_1621, %mul3A_1619 : vector<16xf32>
      %mul3A_1623 = arith.mulf %bitcast_convert_type3A_1614, %sub3A_1622 : vector<16xf32>
      %mul3A_1624 = arith.constant 5.000000e-01 : f32
      %mul3A_1625 = vector.broadcast %mul3A_1624 : f32 to vector<16xf32>
      %mul3A_1626 = arith.mulf %mul3A_1625, %add3A_1606 : vector<16xf32>
      %mul3A_1627 = arith.mulf %mul3A_1626, %mul3A_1623 : vector<16xf32>
      %mul3A_1628 = arith.mulf %mul3A_1627, %mul3A_1623 : vector<16xf32>
      %sub3A_1629 = arith.constant 1.500000e+00 : f32
      %sub3A_1630 = vector.broadcast %sub3A_1629 : f32 to vector<16xf32>
      %sub3A_1631 = arith.subf %sub3A_1630, %mul3A_1628 : vector<16xf32>
      %mul3A_1632 = arith.mulf %mul3A_1623, %sub3A_1631 : vector<16xf32>
      %mul3A_1633 = arith.constant 5.000000e-01 : f32
      %mul3A_1634 = vector.broadcast %mul3A_1633 : f32 to vector<16xf32>
      %mul3A_1635 = arith.mulf %mul3A_1634, %add3A_1606 : vector<16xf32>
      %mul3A_1636 = arith.mulf %mul3A_1635, %mul3A_1632 : vector<16xf32>
      %mul3A_1637 = arith.mulf %mul3A_1636, %mul3A_1632 : vector<16xf32>
      %sub3A_1638 = arith.constant 1.500000e+00 : f32
      %sub3A_1639 = vector.broadcast %sub3A_1638 : f32 to vector<16xf32>
      %sub3A_1640 = arith.subf %sub3A_1639, %mul3A_1637 : vector<16xf32>
      %mul3A_1641 = arith.mulf %mul3A_1632, %sub3A_1640 : vector<16xf32>
      %mul3A_1642 = arith.mulf %add3A_1557, %mul3A_1641 : vector<16xf32>
      %swap3A_1643 = arith.index_cast %add3A_1546 : i32 to index
      %swap3A_1644 = arith.constant 0 : index
      %swap3A_1645 = tpu.vector_load %arg11[%swap3A_1643, %swap3A_1644] {strides = array<i32>} : memref<512x32xf32, #tpu.memory_space<vmem>>, vector<1x16xf32>,
      %swap3A_1646 = vector.shape_cast %swap3A_1645 : vector<1x16xf32> to vector<16xf32>
      %swap3A_1647 = vector.shape_cast %mul3A_1642 : vector<16xf32> to vector<1x16xf32>
      tpu.vector_store %arg11[%swap3A_1643, %swap3A_1644], %swap3A_1647 {strides = array<i32>} : memref<512x32xf32, #tpu.memory_space<vmem>>, vector<1x16xf32>,
      %mul3A_1648 = arith.mulf %add3A_1568, %mul3A_1641 : vector<16xf32>
      %swap3A_1649 = arith.index_cast %add3A_1546 : i32 to index
      %swap3A_1650 = arith.constant 16 : index
      %swap3A_1651 = tpu.vector_load %arg11[%swap3A_1649, %swap3A_1650] {strides = array<i32>} : memref<512x32xf32, #tpu.memory_space<vmem>>, vector<1x16xf32>,
      %swap3A_1652 = vector.shape_cast %swap3A_1651 : vector<1x16xf32> to vector<16xf32>
      %swap3A_1653 = vector.shape_cast %mul3A_1648 : vector<16xf32> to vector<1x16xf32>
      tpu.vector_store %arg11[%swap3A_1649, %swap3A_1650], %swap3A_1653 {strides = array<i32>} : memref<512x32xf32, #tpu.memory_space<vmem>>, vector<1x16xf32>,
      %add3A_1654 = arith.constant 15 : i32
      %add3A_1655 = arith.addi %multiple_of3A, %add3A_1654 : i32
      %slice3A_1656 = vector.extract_strided_slice %get3A_28 {offsets = [15], sizes = [1], strides = [1]} : vector<16xi32> to vector<1xi32>
      %squeeze3A_1657 = vector.extract %slice3A_1656[0] : i32 from vector<1xi32>
      %get3A_1658 = arith.index_cast %add3A_1655 : i32 to index
      %get3A_1659 = arith.index_cast %squeeze3A_1657 : i32 to index
      %get3A_1660 = tpu.vector_load %arg9[%get3A_1658, %get3A_1659] {strides = array<i32>} : memref<512x128xf32, #tpu.memory_space<vmem>>, vector<1x16xf32>,
      %get3A_1661 = vector.shape_cast %get3A_1660 : vector<1x16xf32> to vector<16xf32>
      %get3A_1662 = arith.index_cast %add3A_1655 : i32 to index
      %get3A_1663 = arith.constant 0 : index
      %get3A_1664 = tpu.vector_load %arg10[%get3A_1662, %get3A_1663] {strides = array<i32>} : memref<512x32xf32, #tpu.memory_space<vmem>>, vector<1x16xf32>,
      %get3A_1665 = vector.shape_cast %get3A_1664 : vector<1x16xf32> to vector<16xf32>
      %add3A_1666 = arith.addf %get3A_1661, %get3A_1665 : vector<16xf32>
      %add3A_1667 = arith.constant 16 : i32
      %add3A_1668 = arith.addi %squeeze3A_1657, %add3A_1667 : i32
      %get3A_1669 = arith.index_cast %add3A_1655 : i32 to index
      %get3A_1670 = arith.index_cast %add3A_1668 : i32 to index
      %get3A_1671 = tpu.vector_load %arg9[%get3A_1669, %get3A_1670] {strides = array<i32>} : memref<512x128xf32, #tpu.memory_space<vmem>>, vector<1x16xf32>,
      %get3A_1672 = vector.shape_cast %get3A_1671 : vector<1x16xf32> to vector<16xf32>
      %get3A_1673 = arith.index_cast %add3A_1655 : i32 to index
      %get3A_1674 = arith.constant 16 : index
      %get3A_1675 = tpu.vector_load %arg10[%get3A_1673, %get3A_1674] {strides = array<i32>} : memref<512x32xf32, #tpu.memory_space<vmem>>, vector<1x16xf32>,
      %get3A_1676 = vector.shape_cast %get3A_1675 : vector<1x16xf32> to vector<16xf32>
      %add3A_1677 = arith.addf %get3A_1672, %get3A_1676 : vector<16xf32>
      %mul3A_1678 = arith.mulf %add3A_1666, %add3A_1666 : vector<16xf32>
      %mul3A_1679 = arith.mulf %add3A_1677, %add3A_1677 : vector<16xf32>
      %add3A_1680 = arith.addf %mul3A_1678, %mul3A_1679 : vector<16xf32>
      %iota3A_1681 = tpu.iota {dimensions = array<i32: 0>} : vector<16xi32>
      %xor3A_1682 = arith.constant 8 : i32
      %xor3A_1683 = vector.broadcast %xor3A_1682 : i32 to vector<16xi32>
      %xor3A_1684 = arith.xori %iota3A_1681, %xor3A_1683 : vector<16xi32>
      %broadcast_in_dim3A_1685 = vector.shape_cast %xor3A_1684 : vector<16xi32> to vector<16x1xi32>
      %gather3A_1686 = vector.shape_cast %broadcast_in_dim3A_1685 : vector<16x1xi32> to vector<16xi32>
      %gather3A_1687 = tpu.dynamic_gather %add3A_1680[%gather3A_1686] in [0] : vector<16xf32>, vector<16xi32> -> vector<16xf32>
      %add3A_1688 = arith.addf %add3A_1680, %gather3A_1687 : vector<16xf32>
      %iota3A_1689 = tpu.iota {dimensions = array<i32: 0>} : vector<16xi32>
      %xor3A_1690 = arith.constant 4 : i32
      %xor3A_1691 = vector.broadcast %xor3A_1690 : i32 to vector<16xi32>
      %xor3A_1692 = arith.xori %iota3A_1689, %xor3A_1691 : vector<16xi32>
      %broadcast_in_dim3A_1693 = vector.shape_cast %xor3A_1692 : vector<16xi32> to vector<16x1xi32>
      %gather3A_1694 = vector.shape_cast %broadcast_in_dim3A_1693 : vector<16x1xi32> to vector<16xi32>
      %gather3A_1695 = tpu.dynamic_gather %add3A_1688[%gather3A_1694] in [0] : vector<16xf32>, vector<16xi32> -> vector<16xf32>
      %add3A_1696 = arith.addf %add3A_1688, %gather3A_1695 : vector<16xf32>
      %iota3A_1697 = tpu.iota {dimensions = array<i32: 0>} : vector<16xi32>
      %xor3A_1698 = arith.constant 2 : i32
      %xor3A_1699 = vector.broadcast %xor3A_1698 : i32 to vector<16xi32>
      %xor3A_1700 = arith.xori %iota3A_1697, %xor3A_1699 : vector<16xi32>
      %broadcast_in_dim3A_1701 = vector.shape_cast %xor3A_1700 : vector<16xi32> to vector<16x1xi32>
      %gather3A_1702 = vector.shape_cast %broadcast_in_dim3A_1701 : vector<16x1xi32> to vector<16xi32>
      %gather3A_1703 = tpu.dynamic_gather %add3A_1696[%gather3A_1702] in [0] : vector<16xf32>, vector<16xi32> -> vector<16xf32>
      %add3A_1704 = arith.addf %add3A_1696, %gather3A_1703 : vector<16xf32>
      %iota3A_1705 = tpu.iota {dimensions = array<i32: 0>} : vector<16xi32>
      %xor3A_1706 = arith.constant 1 : i32
      %xor3A_1707 = vector.broadcast %xor3A_1706 : i32 to vector<16xi32>
      %xor3A_1708 = arith.xori %iota3A_1705, %xor3A_1707 : vector<16xi32>
      %broadcast_in_dim3A_1709 = vector.shape_cast %xor3A_1708 : vector<16xi32> to vector<16x1xi32>
      %gather3A_1710 = vector.shape_cast %broadcast_in_dim3A_1709 : vector<16x1xi32> to vector<16xi32>
      %gather3A_1711 = tpu.dynamic_gather %add3A_1704[%gather3A_1710] in [0] : vector<16xf32>, vector<16xi32> -> vector<16xf32>
      %add3A_1712 = arith.addf %add3A_1704, %gather3A_1711 : vector<16xf32>
      %add3A_1713 = arith.constant 1.000000e-30 : f32
      %add3A_1714 = vector.broadcast %add3A_1713 : f32 to vector<16xf32>
      %add3A_1715 = arith.addf %add3A_1712, %add3A_1714 : vector<16xf32>
      %bitcast_convert_type3A_1716 = tpu.bitcast %add3A_1715 : vector<16xf32> -> vector<16xi32>
      %shift_right_arithmetic3A_1717 = arith.constant 1 : i32
      %shift_right_arithmetic3A_1718 = vector.broadcast %shift_right_arithmetic3A_1717 : i32 to vector<16xi32>
      %shift_right_arithmetic3A_1719 = arith.shrsi %bitcast_convert_type3A_1716, %shift_right_arithmetic3A_1718 : vector<16xi32>
      %sub3A_1720 = arith.constant 1597463007 : i32
      %sub3A_1721 = vector.broadcast %sub3A_1720 : i32 to vector<16xi32>
      %sub3A_1722 = arith.subi %sub3A_1721, %shift_right_arithmetic3A_1719 : vector<16xi32>
      %bitcast_convert_type3A_1723 = tpu.bitcast %sub3A_1722 : vector<16xi32> -> vector<16xf32>
      %mul3A_1724 = arith.constant 5.000000e-01 : f32
      %mul3A_1725 = vector.broadcast %mul3A_1724 : f32 to vector<16xf32>
      %mul3A_1726 = arith.mulf %mul3A_1725, %add3A_1715 : vector<16xf32>
      %mul3A_1727 = arith.mulf %mul3A_1726, %bitcast_convert_type3A_1723 : vector<16xf32>
      %mul3A_1728 = arith.mulf %mul3A_1727, %bitcast_convert_type3A_1723 : vector<16xf32>
      %sub3A_1729 = arith.constant 1.500000e+00 : f32
      %sub3A_1730 = vector.broadcast %sub3A_1729 : f32 to vector<16xf32>
      %sub3A_1731 = arith.subf %sub3A_1730, %mul3A_1728 : vector<16xf32>
      %mul3A_1732 = arith.mulf %bitcast_convert_type3A_1723, %sub3A_1731 : vector<16xf32>
      %mul3A_1733 = arith.constant 5.000000e-01 : f32
      %mul3A_1734 = vector.broadcast %mul3A_1733 : f32 to vector<16xf32>
      %mul3A_1735 = arith.mulf %mul3A_1734, %add3A_1715 : vector<16xf32>
      %mul3A_1736 = arith.mulf %mul3A_1735, %mul3A_1732 : vector<16xf32>
      %mul3A_1737 = arith.mulf %mul3A_1736, %mul3A_1732 : vector<16xf32>
      %sub3A_1738 = arith.constant 1.500000e+00 : f32
      %sub3A_1739 = vector.broadcast %sub3A_1738 : f32 to vector<16xf32>
      %sub3A_1740 = arith.subf %sub3A_1739, %mul3A_1737 : vector<16xf32>
      %mul3A_1741 = arith.mulf %mul3A_1732, %sub3A_1740 : vector<16xf32>
      %mul3A_1742 = arith.constant 5.000000e-01 : f32
      %mul3A_1743 = vector.broadcast %mul3A_1742 : f32 to vector<16xf32>
      %mul3A_1744 = arith.mulf %mul3A_1743, %add3A_1715 : vector<16xf32>
      %mul3A_1745 = arith.mulf %mul3A_1744, %mul3A_1741 : vector<16xf32>
      %mul3A_1746 = arith.mulf %mul3A_1745, %mul3A_1741 : vector<16xf32>
      %sub3A_1747 = arith.constant 1.500000e+00 : f32
      %sub3A_1748 = vector.broadcast %sub3A_1747 : f32 to vector<16xf32>
      %sub3A_1749 = arith.subf %sub3A_1748, %mul3A_1746 : vector<16xf32>
      %mul3A_1750 = arith.mulf %mul3A_1741, %sub3A_1749 : vector<16xf32>
      %mul3A_1751 = arith.mulf %add3A_1666, %mul3A_1750 : vector<16xf32>
      %swap3A_1752 = arith.index_cast %add3A_1655 : i32 to index
      %swap3A_1753 = arith.constant 0 : index
      %swap3A_1754 = tpu.vector_load %arg11[%swap3A_1752, %swap3A_1753] {strides = array<i32>} : memref<512x32xf32, #tpu.memory_space<vmem>>, vector<1x16xf32>,
      %swap3A_1755 = vector.shape_cast %swap3A_1754 : vector<1x16xf32> to vector<16xf32>
      %swap3A_1756 = vector.shape_cast %mul3A_1751 : vector<16xf32> to vector<1x16xf32>
      tpu.vector_store %arg11[%swap3A_1752, %swap3A_1753], %swap3A_1756 {strides = array<i32>} : memref<512x32xf32, #tpu.memory_space<vmem>>, vector<1x16xf32>,
      %mul3A_1757 = arith.mulf %add3A_1677, %mul3A_1750 : vector<16xf32>
      %swap3A_1758 = arith.index_cast %add3A_1655 : i32 to index
      %swap3A_1759 = arith.constant 16 : index
      %swap3A_1760 = tpu.vector_load %arg11[%swap3A_1758, %swap3A_1759] {strides = array<i32>} : memref<512x32xf32, #tpu.memory_space<vmem>>, vector<1x16xf32>,
      %swap3A_1761 = vector.shape_cast %swap3A_1760 : vector<1x16xf32> to vector<16xf32>
      %swap3A_1762 = vector.shape_cast %mul3A_1757 : vector<16xf32> to vector<1x16xf32>
      tpu.vector_store %arg11[%swap3A_1758, %swap3A_1759], %swap3A_1762 {strides = array<i32>} : memref<512x32xf32, #tpu.memory_space<vmem>>, vector<1x16xf32>,
    }
    %scan3A_23 = arith.constant 32 : i32
    "tpu.region"() ({
      %run_scoped3A = tpu.sem_alloc : memref<!tpu.dma_semaphore, #tpu.memory_space<semaphore_mem>>
      %dma_start3A_24 = arith.constant 0 : i32
      %dma_start3A_25 = tpu.memref_slice %arg5[%mul3A_2, %dma_start3A_24] : memref<16384x32xf32, #tpu.memory_space<hbm>> -> memref<512x32xf32, #tpu.memory_space<hbm>>
      %dma_start3A_26 = arith.constant 0 : i32
      %dma_start3A_27 = tpu.memref_slice %arg5[%mul3A_2, %dma_start3A_26] : memref<16384x32xf32, #tpu.memory_space<hbm>> -> memref<512x32xf32, #tpu.memory_space<hbm>>
      tpu.enqueue_dma source(%arg11 : memref<512x32xf32, #tpu.memory_space<vmem>>) target(%dma_start3A_27 : memref<512x32xf32, #tpu.memory_space<hbm>>) target_semaphore(%run_scoped3A : memref<!tpu.dma_semaphore, #tpu.memory_space<semaphore_mem>>)
      %dma_wait3A_28 = arith.constant 0 : i32
      %dma_wait3A_29 = tpu.memref_slice %arg5[%mul3A_2, %dma_wait3A_28] : memref<16384x32xf32, #tpu.memory_space<hbm>> -> memref<512x32xf32, #tpu.memory_space<hbm>>
      %dma_wait3A_30 = arith.constant 0 : i32
      %dma_wait3A_31 = tpu.memref_slice %arg5[%mul3A_2, %dma_wait3A_30] : memref<16384x32xf32, #tpu.memory_space<hbm>> -> memref<512x32xf32, #tpu.memory_space<hbm>>
      tpu.wait_dma2 semaphore(%run_scoped3A : memref<!tpu.dma_semaphore, #tpu.memory_space<semaphore_mem>>) src(%arg11 : memref<512x32xf32, #tpu.memory_space<vmem>>) dst(%dma_wait3A_31 : memref<512x32xf32, #tpu.memory_space<hbm>>)
      tpu.yield
    }) : () -> ()
    return
  }
}

module attributes {stable_mosaic.version = 14 : i64} {
  func.func @_detile_body(%arg0: i32, %arg1: memref<32x16384xf32, #tpu.memory_space<vmem>>, %arg2: memref<32x16384xf32, #tpu.memory_space<vmem>>, %arg3: memref<32x16384xf32, #tpu.memory_space<vmem>>, %arg4: memref<32x16384xf32, #tpu.memory_space<vmem>>, %arg5: memref<16384x128xf32, #tpu.memory_space<vmem>>) attributes {dimension_semantics = [#tpu.dimension_semantics<arbitrary>], iteration_bounds = array<i64: 16>, scalar_prefetch = 0 : i64, scratch_operands = 0 : i64, tpu.core_type = #tpu.core_type<tc>, window_params = [{transform_indices = @transform_0, window_bounds = array<i64: 32, 16384>}, {transform_indices = @transform_1, window_bounds = array<i64: 32, 16384>}, {transform_indices = @transform_2, window_bounds = array<i64: 32, 16384>}, {transform_indices = @transform_3, window_bounds = array<i64: 32, 16384>}, {transform_indices = @transform_4, window_bounds = array<i64: 16384, 128>}]} {
    %get3A = arith.constant 0 : index
    %get3A_0 = arith.constant 0 : index
    %get3A_1 = vector.load %arg1[%get3A, %get3A_0] : memref<32x16384xf32, #tpu.memory_space<vmem>>, vector<32x16384xf32>
    %get3A_2 = arith.constant 0 : index
    %get3A_3 = arith.constant 0 : index
    %get3A_4 = vector.load %arg2[%get3A_2, %get3A_3] : memref<32x16384xf32, #tpu.memory_space<vmem>>, vector<32x16384xf32>
    %get3A_5 = arith.constant 0 : index
    %get3A_6 = arith.constant 0 : index
    %get3A_7 = vector.load %arg3[%get3A_5, %get3A_6] : memref<32x16384xf32, #tpu.memory_space<vmem>>, vector<32x16384xf32>
    %get3A_8 = arith.constant 0 : index
    %get3A_9 = arith.constant 0 : index
    %get3A_10 = vector.load %arg4[%get3A_8, %get3A_9] : memref<32x16384xf32, #tpu.memory_space<vmem>>, vector<32x16384xf32>
    %concatenate3A = tpu.concatenate %get3A_1, %get3A_4, %get3A_7, %get3A_10 in 0 : vector<32x16384xf32>, vector<32x16384xf32>, vector<32x16384xf32>, vector<32x16384xf32> -> vector<128x16384xf32>
    %transpose3A = tpu.transpose %concatenate3A, [1, 0] : vector<128x16384xf32> -> vector<16384x128xf32>
    %swap3A = arith.constant 0 : index
    %swap3A_11 = arith.constant 0 : index
    %swap3A_12 = vector.load %arg5[%swap3A, %swap3A_11] : memref<16384x128xf32, #tpu.memory_space<vmem>>, vector<16384x128xf32>
    tpu.vector_store %arg5[%swap3A, %swap3A_11], %transpose3A {strides = array<i32>} : memref<16384x128xf32, #tpu.memory_space<vmem>>, vector<16384x128xf32>,
    return
  }
  func.func @transform_0(%arg0: i32) -> (i32, i32) {
    %add3A = arith.constant 0 : i32
    %add3A_0 = arith.addi %add3A, %arg0 : i32
    %min3A = arith.constant 61 : i32
    %min3A_1 = arith.minsi %add3A_0, %min3A : i32
    %c0_i32 = arith.constant 0 : i32
    %c0_i32_2 = arith.constant 0 : i32
    return %c0_i32, %min3A_1 : i32, i32
  }
  func.func @transform_1(%arg0: i32) -> (i32, i32) {
    %add3A = arith.constant 16 : i32
    %add3A_0 = arith.addi %add3A, %arg0 : i32
    %min3A = arith.constant 61 : i32
    %min3A_1 = arith.minsi %add3A_0, %min3A : i32
    %c0_i32 = arith.constant 0 : i32
    %c0_i32_2 = arith.constant 0 : i32
    return %c0_i32, %min3A_1 : i32, i32
  }
  func.func @transform_2(%arg0: i32) -> (i32, i32) {
    %add3A = arith.constant 32 : i32
    %add3A_0 = arith.addi %add3A, %arg0 : i32
    %min3A = arith.constant 61 : i32
    %min3A_1 = arith.minsi %add3A_0, %min3A : i32
    %c0_i32 = arith.constant 0 : i32
    %c0_i32_2 = arith.constant 0 : i32
    return %c0_i32, %min3A_1 : i32, i32
  }
  func.func @transform_3(%arg0: i32) -> (i32, i32) {
    %add3A = arith.constant 48 : i32
    %add3A_0 = arith.addi %add3A, %arg0 : i32
    %min3A = arith.constant 61 : i32
    %min3A_1 = arith.minsi %add3A_0, %min3A : i32
    %c0_i32 = arith.constant 0 : i32
    %c0_i32_2 = arith.constant 0 : i32
    return %c0_i32, %min3A_1 : i32, i32
  }
  func.func @transform_4(%arg0: i32) -> (i32, i32) {
    %c0_i32 = arith.constant 0 : i32
    %c0_i32_0 = arith.constant 0 : i32
    return %arg0, %c0_i32 : i32, i32
  }
}

</mosaic_0001>

<sc_bundles>
// kernel: _impl.4.cloned.1.call-start
scs
__scs_entry_jumppad:
0x0: {  	(pc) =	sbr.rel $0x88, $3  }
0x1: {  	(tag) =	ssettag $0x0;
	lr =	simm.s32 $0x1  }
0x2: {  	[smem:$0x3F9E] =	sst lr;
	_ =	strace $0xD0000000  }
0x3: {  	_ = 	snop  }
0x4: {  	_ = 	snop  }
0x5: {  	_ = 	snop  }
0x6: {  	_ = 	snop  }
0x7: {  	_ = 	snop  }
__scs_overlays_trampoline_lowered:
0x8: {  	[smem:$0x3FAD] =	sst s0  }
0x9: {  	[smem:$0x3FAE] =	sst s1  }
0xa: {  	[smem:$0x3FAF] =	sst s2  }
0xb: {  	[smem:$0x3FB0] =	sst s3  }
0xc: {  	[smem:$0x3FB1] =	sst s4  }
0xd: {  	[smem:$0x3FB2] =	sst s5  }
0xe: {  	[smem:$0x3FB3] =	sst s6  }
0xf: {  	[smem:$0x3FB4] =	sst s7  }
0x10: {  	[smem:$0x3FB5] =	sst s8  }
0x11: {  	[smem:$0x3FB6] =	sst s9;
	s0 =	simm.s32 @!p0 $0x0  }
0x12: {  	s1 =	sld [smem:$0x3F9C];
	s0 =	simm.s32 @p0 $0x1  }
0x13: {  	[smem:$0x3FB7] =	sst s0;
	s0 =	simm.s32 @!p1 $0x0  }
0x14: {  	s2 =	sld [smem:$0x3F9B];
	s0 =	simm.s32 @p1 $0x1  }
0x15: {  	[smem:$0x3FB8] =	sst s0;
	s0 =	simm.s32 @!p2 $0x0  }
0x16: {  	s3 =	sld [smem:$0x3FDB];
	s0 =	simm.s32 @p2 $0x1  }
0x17: {  	s4 =	simm.s32 $0x1BF5;
	[smem:$0x3FBA] =	sst s0  }
0x18: {  	s0 =	sld [smem:$0x3F9D];
	_ =	swait.ge [sflag:s4], $0x0  }
0x19: {  	s7 =	sld [smem:$0x3F9E]  }
0x1a: {  	s8 =	sadd.s32 $0xFFFFE003, lr  }
0x1b: {  	s9 =	sadd.s32 $0xFFFFFEF7, lr;
	s5 =	simm.s32 $0xFFFFFFFF;
	p2 =	slt.u32 s8, $0xFFFFF086  }
0x1c: {  	p1 =	slt.u32 s9, $0xF7A;
	s5 =	simm.s32 @!p2 $0x0  }
0x1d: {  	s5 =	simm.s32 @p1 $0x1;
	p0 =	seq.s32 s7, s2  }
0x1e: {  	s7 =	smul.u32 @!p0 $0xF7A, s2;
	p2 =	seq.s32 @!p0 s5, $0x0  }
0x1f: {  	s9 =	smul.u32 $0xF7A, s1;
	s8 =	simm.s32 @!p0 $0x1BF5;
	p2 =	por !p2, p0  }
0x20: {  	[sflag:s8] =	ssyncset.s32 @!p0 $0xFFFFF086;
	s6 =	sadd.s32 @!p0 s3, s7;
	s7 =	simm.s32 @!p0 $0x108  }
0x21: {  	s3 =	sadd.s32 s3, s9;
	s6 =	sadd.s32 @!p0 $0x88, s6;
	s7 =	simm.s32 @p2 $0x1082  }
0x22: {  	[simem:s7], [sflag:s8] =	dma.local @!p0 [hbm:s6], $0xF7A  }
0x23: {  	s9 =	sor.u32 $0xD0000000, s2;
	s6 =	simm.s32 $0x108;
	_ =	swait.ge @!p0 [sflag:s8], $0x0  }
0x24: {  	s3 =	sadd.s32 $0x88, s3;
	s6 =	simm.s32 @!p1 $0x1082;
	[sflag:s4] =	ssyncset.s32 $0xFFFFF086  }
0x25: {  	[simem:s6], [sflag:s4] =	dma.local [hbm:s3], $0xF7A  }
0x26: {  	[smem:$0x3F9E] =	sst s1;
	(tag) =	ssettag s2;
	_ =	strace s9  }
0x27: {  	s1 =	sld [smem:$0x3FAE]  }
0x28: {  	s2 =	sld [smem:$0x3FAF]  }
0x29: {  	s4 =	sld [smem:$0x3FB1]  }
0x2a: {  	p0 =	seq.s32 s5, $0x0;
	s5 =	sld [smem:$0x3FB2]  }
0x2b: {  	s6 =	sld [smem:$0x3FB3]  }
0x2c: {  	s7 =	sld [smem:$0x3FB4]  }
0x2d: {  	s3 =	simm.s32 $0x108;
	s8 =	sld [smem:$0x3FB5]  }
0x2e: {  	s3 =	simm.s32 @!p0 $0x1082;
	s9 =	sld [smem:$0x3FB6]  }
0x2f: {  	lr =	sadd.s32 s0, s3;
	s0 =	sld [smem:$0x3FAD]  }
0x30: {  	s3 =	sld [smem:$0x3FB0]  }
0x31: {  	[smem:$0x3FB9] =	sst s10  }
0x32: {  	s10 =	sld [smem:$0x3FB7];
	_ =	sdelay $0x3  }
0x33: {  	p0 =	seq.s32 s10, $0x1;
	s10 =	sld [smem:$0x3FB9];
	_ =	sdelay $0x3  }
0x34: {  	[smem:$0x3FB9] =	sst s10  }
0x35: {  	s10 =	sld [smem:$0x3FB8];
	_ =	sdelay $0x3  }
0x36: {  	p1 =	seq.s32 s10, $0x1;
	s10 =	sld [smem:$0x3FB9];
	_ =	sdelay $0x3  }
0x37: {  	[smem:$0x3FB9] =	sst s10  }
0x38: {  	s10 =	sld [smem:$0x3FBA]  }
0x39: {  	_ = 	snop;
	(pc) =	sbr.ind lr, $3  }
0x3a: {  	_ = 	snop  }
0x3b: {  	_ = 	snop  }
0x3c: {  	p2 =	seq.s32 s10, $0x1;
	s10 =	sld [smem:$0x3FB9]  }
0x3d: {  	_ =	shalt  }
0x3e: {  	_ =	shalt  }
0x3f: {  	_ =	shalt  }
0x40: {  	_ =	shalt  }
0x41: {  	_ =	shalt  }
0x42: {  	_ =	shalt  }
0x43: {  	_ =	shalt  }
0x44: {  	_ =	shalt  }
0x45: {  	_ =	shalt  }
0x46: {  	_ =	shalt  }
0x47: {  	_ =	shalt  }
0x48: {  	_ =	shalt  }
0x49: {  	_ =	shalt  }
0x4a: {  	_ =	shalt  }
0x4b: {  	_ =	shalt  }
0x4c: {  	_ =	shalt  }
0x4d: {  	_ =	shalt  }
0x4e: {  	_ =	shalt  }
0x4f: {  	_ =	shalt  }
0x50: {  	_ =	shalt  }
0x51: {  	_ =	shalt  }
0x52: {  	_ =	shalt  }
0x53: {  	_ =	shalt  }
0x54: {  	_ =	shalt  }
0x55: {  	_ =	shalt  }
0x56: {  	_ =	shalt  }
0x57: {  	_ =	shalt  }
0x58: {  	_ =	shalt  }
0x59: {  	_ =	shalt  }
0x5a: {  	_ =	shalt  }
0x5b: {  	_ =	shalt  }
0x5c: {  	_ =	shalt  }
0x5d: {  	_ =	shalt  }
0x5e: {  	_ =	shalt  }
0x5f: {  	_ =	shalt  }
0x60: {  	_ =	shalt  }
0x61: {  	_ =	shalt  }
0x62: {  	_ =	shalt  }
0x63: {  	_ =	shalt  }
0x64: {  	_ =	shalt  }
0x65: {  	_ =	shalt  }
0x66: {  	_ =	shalt  }
0x67: {  	_ =	shalt  }
0x68: {  	_ =	shalt  }
0x69: {  	_ =	shalt  }
0x6a: {  	_ =	shalt  }
0x6b: {  	_ =	shalt  }
0x6c: {  	_ =	shalt  }
0x6d: {  	_ =	shalt  }
0x6e: {  	_ =	shalt  }
0x6f: {  	_ =	shalt  }
0x70: {  	_ =	shalt  }
0x71: {  	_ =	shalt  }
0x72: {  	_ =	shalt  }
0x73: {  	_ =	shalt  }
0x74: {  	_ =	shalt  }
0x75: {  	_ =	shalt  }
0x76: {  	_ =	shalt  }
0x77: {  	_ =	shalt  }
0x78: {  	_ =	shalt  }
0x79: {  	_ =	shalt  }
0x7a: {  	_ =	shalt  }
0x7b: {  	_ =	shalt  }
0x7c: {  	_ =	shalt  }
0x7d: {  	_ =	shalt  }
0x7e: {  	_ =	shalt  }
0x7f: {  	_ =	shalt  }
0x80: {  	_ =	shalt  }
0x81: {  	_ =	shalt  }
0x82: {  	_ =	shalt  }
0x83: {  	_ =	shalt  }
0x84: {  	_ =	shalt  }
0x85: {  	_ =	shalt  }
0x86: {  	_ =	shalt  }
0x87: {  	_ =	shalt  }
.Lfunc_end0:
.L_simem_size_0:
called_computation_lowered:
.L_overlay_start_0:
0x88: {  	s2 =	sld [smem:$0x3FD9]  }
0x89: {  	s3 =	sld [smem:$0x3FFE];
	_ =	sdelay $0x1  }
0x8a: {  	s1 =	srdreg.scid  }
0x8b: {  	s0 =	sand.u32 $0x1, s1  }
0x8c: {  	s17 =	sshll.u32 s0, $0xA;
	s2 =	sadd.s32 s3, s2  }
0x8d: {  	s2 =	sadd.s32 s2, s17  }
0x8e: {  	[smem:$0x3FC5] =	sst s2  }
0x8f: {  	_ = 	snop  }
0x90: {  	s2 =	sld [smem:$0x3FC8]  }
0x91: {  	s18 =	sld [smem:$0x3FD0];
	(tm) =	ssettm $0x1  }
0x92: {  	s4 =	sld [smem:$0x3FFB];
	_ =	sdelay $0x3  }
0x93: {  	_ =	strace s4  }
0x94: {  	s4 =	sld [smem:$0x3FFC];
	_ =	sdelay $0x3  }
0x95: {  	_ =	strace s4  }
0x96: {  	s4 =	sld [smem:$0x3FFD];
	_ =	sdelay $0x3  }
0x97: {  	_ =	strace s4  }
0x98: {  	_ =	strace $0x8FFFFFFF  }
0x99: {  	s19 =	sld [smem:$0x3FDB];
	_ =	sdelay $0x1  }
0x9a: {  	s5 =	simm.s32 $_scs_section_size  }
0x9b: {  	s6 =	simm.s32 $_size__tile_overlayer_lowered;
	s7 =	simm.s32 $_tile_overlayer_lowered  }
0x9c: {  	s22 =	simm.s32 $0x1BFF;
	s21 =	sshll.u32 s7, $0x1;
	s4 =	sadd.s32 s5, s19  }
0x9d: {  	s8 =	simm.s32 $0x0;
	s20 =	sshll.u32 s6, $0x1;
	s6 =	sadd.s32 s21, s4  }
0x9e: {  	[timem:s8], [sflag:s22] =	dma.local [hbm:s6], s20  }
0x9f: {  	_ =	swait.ge [sflag:s22], s20  }
0xa0: {  	s5 =	ssub.s32 $0x0, s20;
	[sflag:s22] =	ssyncset.done $0x0  }
0xa1: {  	[sflag:s22] =	ssyncadd.s32 s5;
	_ =	sdelay $0x1  }
0xa2: {  	s23 =	simm.s32 $0x1B8B  }
0xa3: {  	_ =	swait.ge [sflag:s23], $0x1  }
0xa4: {  	[sflag:s23] =	ssyncset.done $0x0  }
0xa5: {  	s25 =	simm.s32 $0x1B8E;
	s24 =	sld [smem:$0x3FFE];
	[sflag:s23] =	ssyncadd.s32 $0xFFFFFFFF  }
0xa6: {  	s26 =	simm.s32 $execute0_lowered;
	[smem:$0x3FD2] =	sst s25  }
0xa7: {  	s6 =	sshll.u32 s26, $0x1;
	_ =	strace $0x80000046;
	[dreg:$0x1] =	wrdreg $0xFFFFFFFF  }
0xa8: {  	s28 =	simm.s32 $_size_execute0_lowered;
	s4 =	sadd.s32 s4, s6;
	[dreg:$0x0] =	wrdreg $0x0  }
0xa9: {  	s6 =	sshll.u32 s28, $0x1;
	[dreg:$0x2] =	wrdreg s4  }
0xaa: {  	[dreg:$0x3] =	wrdreg s6  }
0xab: {  	[dreg:$0x4] =	wrdreg $0xC0  }
0xac: {  	_ =	task [dreg:s8], $0x5FFFF  }
0xad: {  	[dreg:$0x1] =	wrdreg $0xFFFFFFFF  }
0xae: {  	[dreg:$0x0] =	wrdreg $0x60  }
0xaf: {  	[dreg:$0x2] =	wrdreg s24  }
0xb0: {  	[dreg:$0x3] =	wrdreg s2  }
0xb1: {  	[dreg:$0x4] =	wrdreg s18  }
0xb2: {  	[dreg:$0x5] =	wrdreg $0x9  }
0xb3: {  	_ =	task.clear_ibuf [dreg:s8], $0x6FFFF;
	_ =	strace $0x90000046  }
0xb4: {  	s29 =	simm.s32 $0x9;
	_ =	strace $0x80000048  }
0xb5: {  	_ =	swait.ge [sflag:s29], $0x1  }
0xb6: {  	[sflag:s29] =	ssyncadd.s32 $0xFFFFFFFF  }
0xb7: {  	_ =	strace $0x90000048  }
0xb8: {  	_ =	sfence  }
0xb9: {  	s30 =	sld [smem:$0x0];
	_ =	sdelay $0x2  }
0xba: {  	s31 =	sshll.u32 s1, $0xD;
	s1 =	sshrl.u32 s1, $0x2  }
0xbb: {  	s3 =	sand.u32 $0x4000, s31;
	s1 =	sadd.s32 s1, s30  }
0xbc: {  	s0 =	sor.u32 s3, s0;
	s1 =	sshll.u32 s1, $0x11  }
0xbd: {  	s0 =	sor.u32 s1, s0  }
0xbe: {  	s0 =	sadd.s32 $0x8F2B, s0  }
0xbf: {  	[sflag:s0] =	ssyncadd.remote.s32 $0x1  }
0xc0: {  	_ =	sfence.sel $0xFFFF  }
0xc1: {  	[dreg:$0x0] =	wrdreg $0xFFFFFFFF;
	(pc) =	sbr.abs _section_cstart, $3  }
0xc2: {  	[dreg:$0x1] =	wrdreg $0xFFFFFFFF  }
0xc3: {  	_ =	task.clear_ibuf [dreg:s8], $0x2FFFF;
	_ =	strace $0x9FFFFFFF  }
0xc4: {  	(tm) =	ssettm $0x7FFFFFFF  }
0xc5: {  	_ =	shalt  }
tec
execute0_lowered:
.L_overlay_start_1:
0x0: {  	(tag) =	ssettag $0x1  }
0x1: {  	v0 =	vimm.s32 $0xFEDCBA98;
	s4 =	rddreg [dreg:$0x0];
	v1 =	vimm.s32 $0x76543210  }
0x2: {  	s5 =	rddreg [dreg:$0x1];
	v2 =	vimm.s32 $0xBA98FEDC;
	v3 =	vimm.s32 $0x32107654;
	v4 =	vimm.s32 $0xDCFE98BA  }
0x3: {  	s6 =	rddreg [dreg:$0x2];
	s2 =	srdreg.scid;
	s1 =	simm.s32 $0x0;
	v5 =	vimm.s32 $0x54761032;
	v6 =	vimm.s32 $0xEFCDAB89;
	v7 =	vimm.s32 $0x67452301  }
0x4: {  	s0 =	stileid.u32;
	s12 =	simm.s32 $0x1;
	s13 =	simm.s32 $0x2;
	v0 =	vunpack.c.l.s4.s8 v0;
	v1 =	vunpack.c.l.s4.s8 v1;
	v2 =	vunpack.c.l.s4.s8 v2  }
0x5: {  	s14 =	simm.s32 $0x14600;
	s15 =	simm.s32 $0x0;
	[smem:$0x7FF] =	sst s1;
	v3 =	vunpack.c.l.s4.s8 v3;
	v4 =	vunpack.c.l.s4.s8 v4;
	v5 =	vunpack.c.l.s4.s8 v5  }
0x6: {  	s3 =	sand.u32 $0x1, s2;
	s7 =	sshll.u32 s0, $0xA;
	s2 =	rddreg [dreg:$0x3];
	v6 =	vunpack.c.l.s4.s8 v6;
	v7 =	vunpack.c.l.s4.s8 v7;
	v0 =	vunpack.c.0.s8.s32 v0  }
0x7: {  	s8 =	sshll.u32 s3, $0x9;
	_ =	strace $0x80000047;
	s30 =	ssub.s32 $0x2, s3;
	v2 =	vunpack.c.0.s8.s32 v2;
	v3 =	vunpack.c.0.s8.s32 v3;
	v4 =	vunpack.c.0.s8.s32 v4  }
0x8: {  	s3 =	sadd.s32 $0x400, s4;
	s7 =	sor.u32 s8, s7;
	s10 =	sshrl.u32 s30, $0x1;
	v5 =	vunpack.c.0.s8.s32 v5;
	v6 =	vunpack.c.0.s8.s32 v6;
	v7 =	vunpack.c.0.s8.s32 v7  }
0x9: {  	v1 =	vunpack.c.0.s8.s32 v1;
	s9 =	sshll.u32 s7, $0x2;
	s8 =	ssub.s32 s30, s10;
	s31 =	sshrl.u32 s7, $0x3;
	v2 =	vcombine.low v3, v2  }
0xa: {  	s10 =	simm.s32 $0x200;
	s11 =	sadd.s32 s9, s4;
	s4 =	sadd.s32 s5, s31;
	v3 =	vcombine.low v5, v4;
	v4 =	vcombine.low v7, v6;
	v0 =	vand.u32 $0xF, v0  }
0xb: {  	s5 =	sadd.s32 s6, s9;
	s7 =	smax.u32 s8, $0x1;
	s8 =	simm.s32 $0x3;
	v0 =	vcombine.low v0, v1  }
0xc: {  	s9 =	simm.s32 $0x10600;
	s6 =	sadd.s32 $0x400400, s11;
	s11 =	simm.s32 $0x600;
	v1 =	vand.u32 $0xF, v2;
	v2 =	vand.u32 $0xF, v3;
	v3 =	vand.u32 $0xF, v4  }
.LBB2_1:
0xd: {  	[tilespmem:s1], [sflag:$0x3] =	stream.linear.gather [hbm4b:s4+s1], $0x200, $0x38;
	[tilespmem:$0x18600] =	vst v63  }
0xe: {  	_ =	swait.ge [sflag:s8], $0x200  }
0xf: {  	[sflag:s8] =	ssyncset.done $0x0  }
0x10: {  	s16 =	simm.s32 $0x0;
	[sflag:s8] =	ssyncadd.s32 $0xFFFFFE00  }
0x11: {  	[tilespmem:s9], [sflag:$0x2] =	stream.linear.gather [hbm4b:s5+s1], $0x4000, $0x38;
	[tilespmem:$0x18600] =	vst v63  }
0x12: {  	v4 =	vld [tilespmem:s16+$0x0]  }
0x13: {  	s17 =	simm.s32 $0x40  }
.LBB2_2:
0x14: {  	p0 =	sne.s32 s17, $0x7C0  }
.Ltmp0:
0x15: {  	_ = 	snop;
	(pc) =	sbr.rel @p0 .LBB2_2-.Ltmp0, $4  }
0x16: {  	_ = 	snop  }
0x17: {  	s18 =	sshra.s32 s17, $0x2;
	s17 =	sadd.s32 $0x40, s17;
	v5 =	vand.u32 $0x3FFFF, v4;
	v6 =	vshra.s32 v4, $0xD  }
0x18: {  	v4 =	vld [tilespmem:s18+$0x0];
	[tilespmem:s16+$0x200] =	vst v5;
	v5 =	vand.u32 $0xFFFFFFE0, v6  }
0x19: {  	[tilespmem:s16+$0x400] =	vst v5;
	s16 =	smov.u32 s18  }
0x1a: {  	_ =	sdelay $0x2  }
0x1b: {  	v5 =	vand.u32 $0x3FFFF, v4;
	v4 =	vshra.s32 v4, $0xD  }
0x1c: {  	[tilespmem:s16+$0x200] =	vst v5;
	v4 =	vand.u32 $0xFFFFFFE0, v4  }
0x1d: {  	[tilespmem:s16+$0x400] =	vst v4  }
0x1e: {  	[tilespmem:s11], [sflag:$0x1] =	stream.indirect.gather [hbm4b:s3+s10], $0x80, s10, s10, $0xb8;
	[tilespmem:$0x18600] =	vst v63  }
0x1f: {  	_ =	swait.ge [sflag:s12], $0x10000  }
0x20: {  	[sflag:s12] =	ssyncset.done $0x0  }
0x21: {  	[sflag:s12] =	ssyncadd.s32 $0xFFFF0000  }
0x22: {  	_ =	swait.ge [sflag:s13], $0x4000  }
0x23: {  	s17 =	simm.s32 $0x400;
	s18 =	simm.s32 $0x14700;
	[sflag:s13] =	ssyncset.done $0x0  }
0x24: {  	s19 =	simm.s32 $0x10700;
	s16 =	simm.s32 $0x0;
	[sflag:s13] =	ssyncadd.s32 $0xFFFFC000  }
.LBB2_4:
0x25: {  	v4 =	vld [tilespmem:s17+$0x0];
	_ =	sdelay $0x4  }
0x26: {  	(v2sf) =	vpush v4, $0x0;
	_ =	sdelay $0xe  }
0x27: {  	s20 =	spop (v2sf)  }
0x28: {  	s21 =	sand.u32 $0x7, s20;
	s20 =	sshll.u32 s20, $0x2  }
0x29: {  	s20 =	sand.u32 $0xFFFFFFE0, s20;
	s21 =	sshll.u32 s21, $0x2  }
0x2a: {  	s20 =	sor.u32 s21, s20  }
0x2b: {  	v6 =	vld [tilespmem:s19+$0xFFFFFF00];
	s21 =	sshra.s32 s20, $0x2;
	s20 =	sshra.s32 s16, $0x2  }
0x2c: {  	v8 =	vld [tilespmem:s19+$0xFFFFFF10];
	s21 =	sadd.s32 s20, s21  }
0x2d: {  	v5 =	vld [tilespmem:s21+$0x600]  }
0x2e: {  	v7 =	vld [tilespmem:s21+$0x610];
	_ =	sdelay $0x4  }
0x2f: {  	v5 =	vadd.f32 v6, v5;
	v24 =	vadd.f32 v8, v7;
	_ =	sdelay $0x1  }
0x30: {  	v25 =	vmul.f32 v5, v5;
	v8 =	vmul.f32 v24, v24;
	_ =	sdelay $0x1  }
0x31: {  	v7 =	vadd.f32 v8, v25;
	_ =	sdelay $0x1  }
0x32: {  	v8 =	vperm.xlane v7, v0;
	_ =	sdelay $0x1  }
0x33: {  	v7 =	vadd.f32 v7, v8;
	_ =	sdelay $0x1  }
0x34: {  	v8 =	vperm.xlane v7, v1;
	_ =	sdelay $0x1  }
0x35: {  	v7 =	vadd.f32 v7, v8;
	_ =	sdelay $0x1  }
0x36: {  	v8 =	vperm.xlane v7, v2;
	_ =	sdelay $0x1  }
0x37: {  	v7 =	vadd.f32 v7, v8;
	_ =	sdelay $0x1  }
0x38: {  	v8 =	vperm.xlane v7, v3;
	_ =	sdelay $0x1  }
0x39: {  	v7 =	vadd.f32 v7, v8;
	_ =	sdelay $0x1  }
0x3a: {  	v7 =	vadd.f32 $1.000000000e-30, v7;
	_ =	sdelay $0x1  }
0x3b: {  	v26 =	vshra.s32 v7, $0x1;
	v7 =	vmul.f32 $5.000000000e-01, v7  }
0x3c: {  	v8 =	vsub.s32 $0x5F3759DF, v26  }
0x3d: {  	v9 =	vmul.f32 v8, v7;
	_ =	sdelay $0x1  }
0x3e: {  	v9 =	vmul.f32 v8, v9;
	_ =	sdelay $0x1  }
0x3f: {  	v9 =	vsub.f32 $1.500000000e+00, v9;
	_ =	sdelay $0x1  }
0x40: {  	v8 =	vmul.f32 v8, v9  }
0x41: {  	(v2sf) =	vpush v4, $0x1  }
0x42: {  	v9 =	vmul.f32 v8, v7;
	_ =	sdelay $0x1  }
0x43: {  	v9 =	vmul.f32 v9, v8;
	_ =	sdelay $0x1  }
0x44: {  	v9 =	vsub.f32 $1.500000000e+00, v9;
	_ =	sdelay $0x1  }
0x45: {  	v8 =	vmul.f32 v9, v8;
	_ =	sdelay $0x1  }
0x46: {  	v7 =	vmul.f32 v8, v7;
	_ =	sdelay $0x1  }
0x47: {  	v7 =	vmul.f32 v7, v8;
	_ =	sdelay $0x1  }
0x48: {  	v7 =	vsub.f32 $1.500000000e+00, v7;
	_ =	sdelay $0x1  }
0x49: {  	s26 =	spop (v2sf);
	v7 =	vmul.f32 v7, v8  }
0x4a: {  	s22 =	sand.u32 $0x7, s26;
	s21 =	sshll.u32 s26, $0x2  }
0x4b: {  	s21 =	sand.u32 $0xFFFFFFE0, s21;
	s22 =	sshll.u32 s22, $0x2;
	v5 =	vmul.f32 v7, v5  }
0x4c: {  	s21 =	sor.u32 s22, s21;
	v6 =	vmul.f32 v7, v24  }
0x4d: {  	s21 =	sshra.s32 s21, $0x2;
	[tilespmem:s18+$0xFFFFFF00] =	vst v5  }
0x4e: {  	s21 =	sadd.s32 s20, s21;
	[tilespmem:s18+$0xFFFFFF10] =	vst v6  }
0x4f: {  	v5 =	vld [tilespmem:s21+$0x680]  }
0x50: {  	v6 =	vld [tilespmem:s19+$0xFFFFFF20]  }
0x51: {  	v27 =	vld [tilespmem:s21+$0x690]  }
0x52: {  	v28 =	vld [tilespmem:s19+$0xFFFFFF30];
	_ =	sdelay $0x4  }
0x53: {  	v5 =	vadd.f32 v6, v5;
	v29 =	vadd.f32 v28, v27;
	_ =	sdelay $0x1  }
0x54: {  	v30 =	vmul.f32 v5, v5;
	v8 =	vmul.f32 v29, v29;
	_ =	sdelay $0x1  }
0x55: {  	v7 =	vadd.f32 v8, v30;
	_ =	sdelay $0x1  }
0x56: {  	v8 =	vperm.xlane v7, v0;
	_ =	sdelay $0x1  }
0x57: {  	v7 =	vadd.f32 v7, v8;
	_ =	sdelay $0x1  }
0x58: {  	v8 =	vperm.xlane v7, v1;
	_ =	sdelay $0x1  }
0x59: {  	v7 =	vadd.f32 v7, v8;
	_ =	sdelay $0x1  }
0x5a: {  	v8 =	vperm.xlane v7, v2;
	_ =	sdelay $0x1  }
0x5b: {  	v7 =	vadd.f32 v7, v8;
	_ =	sdelay $0x1  }
0x5c: {  	v8 =	vperm.xlane v7, v3;
	_ =	sdelay $0x1  }
0x5d: {  	v7 =	vadd.f32 v7, v8;
	_ =	sdelay $0x1  }
0x5e: {  	v7 =	vadd.f32 $1.000000000e-30, v7;
	_ =	sdelay $0x1  }
0x5f: {  	v31 =	vshra.s32 v7, $0x1;
	v7 =	vmul.f32 $5.000000000e-01, v7  }
0x60: {  	v8 =	vsub.s32 $0x5F3759DF, v31  }
0x61: {  	v32 =	vmul.f32 v8, v7;
	_ =	sdelay $0x1  }
0x62: {  	v9 =	vmul.f32 v8, v32;
	_ =	sdelay $0x1  }
0x63: {  	v9 =	vsub.f32 $1.500000000e+00, v9;
	_ =	sdelay $0x1  }
0x64: {  	v8 =	vmul.f32 v8, v9  }
0x65: {  	(v2sf) =	vpush v4, $0x2  }
0x66: {  	v9 =	vmul.f32 v8, v7;
	_ =	sdelay $0x1  }
0x67: {  	v9 =	vmul.f32 v9, v8;
	_ =	sdelay $0x1  }
0x68: {  	v9 =	vsub.f32 $1.500000000e+00, v9;
	_ =	sdelay $0x1  }
0x69: {  	v8 =	vmul.f32 v9, v8;
	_ =	sdelay $0x1  }
0x6a: {  	v7 =	vmul.f32 v8, v7;
	_ =	sdelay $0x1  }
0x6b: {  	v7 =	vmul.f32 v7, v8;
	_ =	sdelay $0x1  }
0x6c: {  	v7 =	vsub.f32 $1.500000000e+00, v7;
	_ =	sdelay $0x1  }
0x6d: {  	s28 =	spop (v2sf);
	v7 =	vmul.f32 v7, v8  }
0x6e: {  	s29 =	sand.u32 $0x7, s28;
	s21 =	sshll.u32 s28, $0x2  }
0x6f: {  	s22 =	sshll.u32 s29, $0x2;
	s21 =	sand.u32 $0xFFFFFFE0, s21;
	v5 =	vmul.f32 v7, v5  }
0x70: {  	s21 =	sor.u32 s22, s21;
	v6 =	vmul.f32 v7, v29  }
0x71: {  	s21 =	sshra.s32 s21, $0x2;
	[tilespmem:s18+$0xFFFFFF20] =	vst v5  }
0x72: {  	s21 =	sadd.s32 s20, s21;
	[tilespmem:s18+$0xFFFFFF30] =	vst v6  }
0x73: {  	v5 =	vld [tilespmem:s21+$0x700]  }
0x74: {  	v6 =	vld [tilespmem:s19+$0xFFFFFF40]  }
0x75: {  	v33 =	vld [tilespmem:s21+$0x710]  }
0x76: {  	v34 =	vld [tilespmem:s19+$0xFFFFFF50];
	_ =	sdelay $0x4  }
0x77: {  	v5 =	vadd.f32 v6, v5;
	v35 =	vadd.f32 v34, v33;
	_ =	sdelay $0x1  }
0x78: {  	v36 =	vmul.f32 v5, v5;
	v8 =	vmul.f32 v35, v35;
	_ =	sdelay $0x1  }
0x79: {  	v7 =	vadd.f32 v8, v36;
	_ =	sdelay $0x1  }
0x7a: {  	v8 =	vperm.xlane v7, v0;
	_ =	sdelay $0x1  }
0x7b: {  	v7 =	vadd.f32 v7, v8;
	_ =	sdelay $0x1  }
0x7c: {  	v8 =	vperm.xlane v7, v1;
	_ =	sdelay $0x1  }
0x7d: {  	v7 =	vadd.f32 v7, v8;
	_ =	sdelay $0x1  }
0x7e: {  	v8 =	vperm.xlane v7, v2;
	_ =	sdelay $0x1  }
0x7f: {  	v7 =	vadd.f32 v7, v8;
	_ =	sdelay $0x1  }
0x80: {  	v8 =	vperm.xlane v7, v3;
	_ =	sdelay $0x1  }
0x81: {  	v7 =	vadd.f32 v7, v8;
	_ =	sdelay $0x1  }
0x82: {  	v7 =	vadd.f32 $1.000000000e-30, v7;
	_ =	sdelay $0x1  }
0x83: {  	v37 =	vshra.s32 v7, $0x1;
	v7 =	vmul.f32 $5.000000000e-01, v7  }
0x84: {  	v8 =	vsub.s32 $0x5F3759DF, v37  }
0x85: {  	v38 =	vmul.f32 v8, v7;
	_ =	sdelay $0x1  }
0x86: {  	v9 =	vmul.f32 v8, v38;
	_ =	sdelay $0x1  }
0x87: {  	v9 =	vsub.f32 $1.500000000e+00, v9;
	_ =	sdelay $0x1  }
0x88: {  	v8 =	vmul.f32 v8, v9  }
0x89: {  	(v2sf) =	vpush v4, $0x3  }
0x8a: {  	v9 =	vmul.f32 v8, v7;
	_ =	sdelay $0x1  }
0x8b: {  	v9 =	vmul.f32 v9, v8;
	_ =	sdelay $0x1  }
0x8c: {  	v9 =	vsub.f32 $1.500000000e+00, v9;
	_ =	sdelay $0x1  }
0x8d: {  	v8 =	vmul.f32 v9, v8;
	_ =	sdelay $0x1  }
0x8e: {  	v7 =	vmul.f32 v8, v7;
	_ =	sdelay $0x1  }
0x8f: {  	v7 =	vmul.f32 v7, v8;
	_ =	sdelay $0x1  }
0x90: {  	v7 =	vsub.f32 $1.500000000e+00, v7;
	_ =	sdelay $0x1  }
0x91: {  	s30 =	spop (v2sf);
	v7 =	vmul.f32 v7, v8  }
0x92: {  	s31 =	sand.u32 $0x7, s30;
	s21 =	sshll.u32 s30, $0x2  }
0x93: {  	s22 =	sshll.u32 s31, $0x2;
	s21 =	sand.u32 $0xFFFFFFE0, s21;
	v5 =	vmul.f32 v7, v5  }
0x94: {  	s21 =	sor.u32 s22, s21;
	v6 =	vmul.f32 v7, v35  }
0x95: {  	s21 =	sshra.s32 s21, $0x2;
	[tilespmem:s18+$0xFFFFFF40] =	vst v5  }
0x96: {  	s21 =	sadd.s32 s20, s21;
	[tilespmem:s18+$0xFFFFFF50] =	vst v6  }
0x97: {  	v5 =	vld [tilespmem:s21+$0x780]  }
0x98: {  	v6 =	vld [tilespmem:s19+$0xFFFFFF60]  }
0x99: {  	v39 =	vld [tilespmem:s21+$0x790]  }
0x9a: {  	v40 =	vld [tilespmem:s19+$0xFFFFFF70];
	_ =	sdelay $0x4  }
0x9b: {  	v5 =	vadd.f32 v6, v5;
	v41 =	vadd.f32 v40, v39;
	_ =	sdelay $0x1  }
0x9c: {  	v42 =	vmul.f32 v5, v5;
	v8 =	vmul.f32 v41, v41;
	_ =	sdelay $0x1  }
0x9d: {  	v7 =	vadd.f32 v8, v42;
	_ =	sdelay $0x1  }
0x9e: {  	v8 =	vperm.xlane v7, v0;
	_ =	sdelay $0x1  }
0x9f: {  	v7 =	vadd.f32 v7, v8;
	_ =	sdelay $0x1  }
0xa0: {  	v8 =	vperm.xlane v7, v1;
	_ =	sdelay $0x1  }
0xa1: {  	v7 =	vadd.f32 v7, v8;
	_ =	sdelay $0x1  }
0xa2: {  	v8 =	vperm.xlane v7, v2;
	_ =	sdelay $0x1  }
0xa3: {  	v7 =	vadd.f32 v7, v8;
	_ =	sdelay $0x1  }
0xa4: {  	v8 =	vperm.xlane v7, v3;
	_ =	sdelay $0x1  }
0xa5: {  	v7 =	vadd.f32 v7, v8;
	_ =	sdelay $0x1  }
0xa6: {  	v7 =	vadd.f32 $1.000000000e-30, v7;
	_ =	sdelay $0x1  }
0xa7: {  	v43 =	vshra.s32 v7, $0x1;
	v7 =	vmul.f32 $5.000000000e-01, v7  }
0xa8: {  	v8 =	vsub.s32 $0x5F3759DF, v43  }
0xa9: {  	v44 =	vmul.f32 v8, v7;
	_ =	sdelay $0x1  }
0xaa: {  	v9 =	vmul.f32 v8, v44;
	_ =	sdelay $0x1  }
0xab: {  	v9 =	vsub.f32 $1.500000000e+00, v9;
	_ =	sdelay $0x1  }
0xac: {  	v8 =	vmul.f32 v8, v9  }
0xad: {  	(v2sf) =	vpush v4, $0x4  }
0xae: {  	v9 =	vmul.f32 v8, v7;
	_ =	sdelay $0x1  }
0xaf: {  	v9 =	vmul.f32 v9, v8;
	_ =	sdelay $0x1  }
0xb0: {  	v9 =	vsub.f32 $1.500000000e+00, v9;
	_ =	sdelay $0x1  }
0xb1: {  	v8 =	vmul.f32 v9, v8;
	_ =	sdelay $0x1  }
0xb2: {  	v7 =	vmul.f32 v8, v7;
	_ =	sdelay $0x1  }
0xb3: {  	v7 =	vmul.f32 v7, v8;
	_ =	sdelay $0x1  }
0xb4: {  	v7 =	vsub.f32 $1.500000000e+00, v7;
	_ =	sdelay $0x1  }
0xb5: {  	s23 =	spop (v2sf);
	v7 =	vmul.f32 v7, v8  }
0xb6: {  	s24 =	sand.u32 $0x7, s23;
	s21 =	sshll.u32 s23, $0x2  }
0xb7: {  	s22 =	sshll.u32 s24, $0x2;
	s21 =	sand.u32 $0xFFFFFFE0, s21;
	v5 =	vmul.f32 v7, v5  }
0xb8: {  	s21 =	sor.u32 s22, s21;
	v6 =	vmul.f32 v7, v41  }
0xb9: {  	s21 =	sshra.s32 s21, $0x2;
	[tilespmem:s18+$0xFFFFFF60] =	vst v5  }
0xba: {  	s21 =	sadd.s32 s20, s21;
	[tilespmem:s18+$0xFFFFFF70] =	vst v6  }
0xbb: {  	v5 =	vld [tilespmem:s21+$0x800]  }
0xbc: {  	v6 =	vld [tilespmem:s19+$0xFFFFFF80]  }
0xbd: {  	v45 =	vld [tilespmem:s21+$0x810]  }
0xbe: {  	v46 =	vld [tilespmem:s19+$0xFFFFFF90];
	_ =	sdelay $0x4  }
0xbf: {  	v5 =	vadd.f32 v6, v5;
	v47 =	vadd.f32 v46, v45;
	_ =	sdelay $0x1  }
0xc0: {  	v48 =	vmul.f32 v5, v5;
	v8 =	vmul.f32 v47, v47;
	_ =	sdelay $0x1  }
0xc1: {  	v7 =	vadd.f32 v8, v48;
	_ =	sdelay $0x1  }
0xc2: {  	v8 =	vperm.xlane v7, v0;
	_ =	sdelay $0x1  }
0xc3: {  	v7 =	vadd.f32 v7, v8;
	_ =	sdelay $0x1  }
0xc4: {  	v8 =	vperm.xlane v7, v1;
	_ =	sdelay $0x1  }
0xc5: {  	v7 =	vadd.f32 v7, v8;
	_ =	sdelay $0x1  }
0xc6: {  	v8 =	vperm.xlane v7, v2;
	_ =	sdelay $0x1  }
0xc7: {  	v7 =	vadd.f32 v7, v8;
	_ =	sdelay $0x1  }
0xc8: {  	v8 =	vperm.xlane v7, v3;
	_ =	sdelay $0x1  }
0xc9: {  	v7 =	vadd.f32 v7, v8;
	_ =	sdelay $0x1  }
0xca: {  	v7 =	vadd.f32 $1.000000000e-30, v7;
	_ =	sdelay $0x1  }
0xcb: {  	v49 =	vshra.s32 v7, $0x1;
	v7 =	vmul.f32 $5.000000000e-01, v7  }
0xcc: {  	v8 =	vsub.s32 $0x5F3759DF, v49  }
0xcd: {  	v50 =	vmul.f32 v8, v7;
	_ =	sdelay $0x1  }
0xce: {  	v9 =	vmul.f32 v8, v50;
	_ =	sdelay $0x1  }
0xcf: {  	v9 =	vsub.f32 $1.500000000e+00, v9;
	_ =	sdelay $0x1  }
0xd0: {  	v8 =	vmul.f32 v8, v9  }
0xd1: {  	(v2sf) =	vpush v4, $0x5  }
0xd2: {  	v9 =	vmul.f32 v8, v7;
	_ =	sdelay $0x1  }
0xd3: {  	v9 =	vmul.f32 v9, v8;
	_ =	sdelay $0x1  }
0xd4: {  	v9 =	vsub.f32 $1.500000000e+00, v9;
	_ =	sdelay $0x1  }
0xd5: {  	v8 =	vmul.f32 v9, v8;
	_ =	sdelay $0x1  }
0xd6: {  	v7 =	vmul.f32 v8, v7;
	_ =	sdelay $0x1  }
0xd7: {  	v7 =	vmul.f32 v7, v8;
	_ =	sdelay $0x1  }
0xd8: {  	v7 =	vsub.f32 $1.500000000e+00, v7;
	_ =	sdelay $0x1  }
0xd9: {  	s25 =	spop (v2sf);
	v7 =	vmul.f32 v7, v8  }
0xda: {  	s26 =	sand.u32 $0x7, s25;
	s21 =	sshll.u32 s25, $0x2  }
0xdb: {  	s22 =	sshll.u32 s26, $0x2;
	s21 =	sand.u32 $0xFFFFFFE0, s21;
	v5 =	vmul.f32 v7, v5  }
0xdc: {  	s21 =	sor.u32 s22, s21;
	v6 =	vmul.f32 v7, v47  }
0xdd: {  	s21 =	sshra.s32 s21, $0x2;
	[tilespmem:s18+$0xFFFFFF80] =	vst v5  }
0xde: {  	s21 =	sadd.s32 s20, s21;
	[tilespmem:s18+$0xFFFFFF90] =	vst v6  }
0xdf: {  	v5 =	vld [tilespmem:s21+$0x880]  }
0xe0: {  	v6 =	vld [tilespmem:s19+$0xFFFFFFA0]  }
0xe1: {  	v51 =	vld [tilespmem:s21+$0x890]  }
0xe2: {  	v52 =	vld [tilespmem:s19+$0xFFFFFFB0];
	_ =	sdelay $0x4  }
0xe3: {  	v5 =	vadd.f32 v6, v5;
	v53 =	vadd.f32 v52, v51;
	_ =	sdelay $0x1  }
0xe4: {  	v54 =	vmul.f32 v5, v5;
	v8 =	vmul.f32 v53, v53;
	_ =	sdelay $0x1  }
0xe5: {  	v7 =	vadd.f32 v8, v54;
	_ =	sdelay $0x1  }
0xe6: {  	v8 =	vperm.xlane v7, v0;
	_ =	sdelay $0x1  }
0xe7: {  	v7 =	vadd.f32 v7, v8;
	_ =	sdelay $0x1  }
0xe8: {  	v8 =	vperm.xlane v7, v1;
	_ =	sdelay $0x1  }
0xe9: {  	v7 =	vadd.f32 v7, v8;
	_ =	sdelay $0x1  }
0xea: {  	v8 =	vperm.xlane v7, v2;
	_ =	sdelay $0x1  }
0xeb: {  	v7 =	vadd.f32 v7, v8;
	_ =	sdelay $0x1  }
0xec: {  	v8 =	vperm.xlane v7, v3;
	_ =	sdelay $0x1  }
0xed: {  	v7 =	vadd.f32 v7, v8;
	_ =	sdelay $0x1  }
0xee: {  	v7 =	vadd.f32 $1.000000000e-30, v7;
	_ =	sdelay $0x1  }
0xef: {  	v55 =	vshra.s32 v7, $0x1;
	v7 =	vmul.f32 $5.000000000e-01, v7  }
0xf0: {  	v8 =	vsub.s32 $0x5F3759DF, v55  }
0xf1: {  	v56 =	vmul.f32 v8, v7;
	_ =	sdelay $0x1  }
0xf2: {  	v9 =	vmul.f32 v8, v56;
	_ =	sdelay $0x1  }
0xf3: {  	v9 =	vsub.f32 $1.500000000e+00, v9;
	_ =	sdelay $0x1  }
0xf4: {  	v8 =	vmul.f32 v8, v9  }
0xf5: {  	(v2sf) =	vpush v4, $0x6  }
0xf6: {  	v9 =	vmul.f32 v8, v7;
	_ =	sdelay $0x1  }
0xf7: {  	v9 =	vmul.f32 v9, v8;
	_ =	sdelay $0x1  }
0xf8: {  	v9 =	vsub.f32 $1.500000000e+00, v9;
	_ =	sdelay $0x1  }
0xf9: {  	v8 =	vmul.f32 v9, v8;
	_ =	sdelay $0x1  }
0xfa: {  	v7 =	vmul.f32 v8, v7;
	_ =	sdelay $0x1  }
0xfb: {  	v7 =	vmul.f32 v7, v8;
	_ =	sdelay $0x1  }
0xfc: {  	v7 =	vsub.f32 $1.500000000e+00, v7;
	_ =	sdelay $0x1  }
0xfd: {  	s28 =	spop (v2sf);
	v7 =	vmul.f32 v7, v8  }
0xfe: {  	s29 =	sand.u32 $0x7, s28;
	s21 =	sshll.u32 s28, $0x2  }
0xff: {  	s22 =	sshll.u32 s29, $0x2;
	s21 =	sand.u32 $0xFFFFFFE0, s21;
	v5 =	vmul.f32 v7, v5  }
0x100: {  	s21 =	sor.u32 s22, s21;
	v6 =	vmul.f32 v7, v53  }
0x101: {  	s21 =	sshra.s32 s21, $0x2;
	[tilespmem:s18+$0xFFFFFFA0] =	vst v5  }
0x102: {  	s21 =	sadd.s32 s20, s21;
	[tilespmem:s18+$0xFFFFFFB0] =	vst v6  }
0x103: {  	v5 =	vld [tilespmem:s21+$0x900]  }
0x104: {  	v6 =	vld [tilespmem:s19+$0xFFFFFFC0]  }
0x105: {  	v57 =	vld [tilespmem:s21+$0x910]  }
0x106: {  	v58 =	vld [tilespmem:s19+$0xFFFFFFD0];
	_ =	sdelay $0x4  }
0x107: {  	v5 =	vadd.f32 v6, v5;
	v59 =	vadd.f32 v58, v57;
	_ =	sdelay $0x1  }
0x108: {  	v60 =	vmul.f32 v5, v5;
	v8 =	vmul.f32 v59, v59;
	_ =	sdelay $0x1  }
0x109: {  	v7 =	vadd.f32 v8, v60;
	_ =	sdelay $0x1  }
0x10a: {  	v8 =	vperm.xlane v7, v0;
	_ =	sdelay $0x1  }
0x10b: {  	v7 =	vadd.f32 v7, v8;
	_ =	sdelay $0x1  }
0x10c: {  	v8 =	vperm.xlane v7, v1;
	_ =	sdelay $0x1  }
0x10d: {  	v7 =	vadd.f32 v7, v8;
	_ =	sdelay $0x1  }
0x10e: {  	v8 =	vperm.xlane v7, v2;
	_ =	sdelay $0x1  }
0x10f: {  	v7 =	vadd.f32 v7, v8;
	_ =	sdelay $0x1  }
0x110: {  	v8 =	vperm.xlane v7, v3;
	_ =	sdelay $0x1  }
0x111: {  	v7 =	vadd.f32 v7, v8;
	_ =	sdelay $0x1  }
0x112: {  	v7 =	vadd.f32 $1.000000000e-30, v7;
	_ =	sdelay $0x1  }
0x113: {  	v61 =	vshra.s32 v7, $0x1;
	v7 =	vmul.f32 $5.000000000e-01, v7  }
0x114: {  	v8 =	vsub.s32 $0x5F3759DF, v61  }
0x115: {  	v62 =	vmul.f32 v8, v7;
	_ =	sdelay $0x1  }
0x116: {  	v9 =	vmul.f32 v8, v62;
	_ =	sdelay $0x1  }
0x117: {  	v9 =	vsub.f32 $1.500000000e+00, v9;
	_ =	sdelay $0x1  }
0x118: {  	v8 =	vmul.f32 v8, v9  }
0x119: {  	(v2sf) =	vpush v4, $0x7  }
0x11a: {  	v9 =	vmul.f32 v8, v7;
	_ =	sdelay $0x1  }
0x11b: {  	v9 =	vmul.f32 v9, v8;
	_ =	sdelay $0x1  }
0x11c: {  	v9 =	vsub.f32 $1.500000000e+00, v9;
	_ =	sdelay $0x1  }
0x11d: {  	v8 =	vmul.f32 v9, v8;
	_ =	sdelay $0x1  }
0x11e: {  	v7 =	vmul.f32 v8, v7;
	_ =	sdelay $0x1  }
0x11f: {  	v7 =	vmul.f32 v7, v8;
	_ =	sdelay $0x1  }
0x120: {  	v7 =	vsub.f32 $1.500000000e+00, v7;
	_ =	sdelay $0x1  }
0x121: {  	s30 =	spop (v2sf);
	v7 =	vmul.f32 v7, v8  }
0x122: {  	s31 =	sand.u32 $0x7, s30;
	s21 =	sshll.u32 s30, $0x2  }
0x123: {  	s22 =	sshll.u32 s31, $0x2;
	s21 =	sand.u32 $0xFFFFFFE0, s21;
	v5 =	vmul.f32 v7, v5  }
0x124: {  	s21 =	sor.u32 s22, s21;
	v6 =	vmul.f32 v7, v59  }
0x125: {  	s21 =	sshra.s32 s21, $0x2;
	[tilespmem:s18+$0xFFFFFFC0] =	vst v5  }
0x126: {  	s21 =	sadd.s32 s20, s21;
	[tilespmem:s18+$0xFFFFFFD0] =	vst v6  }
0x127: {  	v5 =	vld [tilespmem:s21+$0x980]  }
0x128: {  	v6 =	vld [tilespmem:s19+$0xFFFFFFE0]  }
0x129: {  	v63 =	vld [tilespmem:s21+$0x990]  }
0x12a: {  	v12 =	vld [tilespmem:s19+$0xFFFFFFF0];
	_ =	sdelay $0x4  }
0x12b: {  	v5 =	vadd.f32 v6, v5;
	v13 =	vadd.f32 v12, v63;
	_ =	sdelay $0x1  }
0x12c: {  	v14 =	vmul.f32 v5, v5;
	v8 =	vmul.f32 v13, v13;
	_ =	sdelay $0x1  }
0x12d: {  	v7 =	vadd.f32 v8, v14;
	_ =	sdelay $0x1  }
0x12e: {  	v8 =	vperm.xlane v7, v0;
	_ =	sdelay $0x1  }
0x12f: {  	v7 =	vadd.f32 v7, v8;
	_ =	sdelay $0x1  }
0x130: {  	v8 =	vperm.xlane v7, v1;
	_ =	sdelay $0x1  }
0x131: {  	v7 =	vadd.f32 v7, v8;
	_ =	sdelay $0x1  }
0x132: {  	v8 =	vperm.xlane v7, v2;
	_ =	sdelay $0x1  }
0x133: {  	v7 =	vadd.f32 v7, v8;
	_ =	sdelay $0x1  }
0x134: {  	v8 =	vperm.xlane v7, v3;
	_ =	sdelay $0x1  }
0x135: {  	v7 =	vadd.f32 v7, v8;
	_ =	sdelay $0x1  }
0x136: {  	v7 =	vadd.f32 $1.000000000e-30, v7;
	_ =	sdelay $0x1  }
0x137: {  	v15 =	vshra.s32 v7, $0x1;
	v7 =	vmul.f32 $5.000000000e-01, v7  }
0x138: {  	v8 =	vsub.s32 $0x5F3759DF, v15  }
0x139: {  	v16 =	vmul.f32 v8, v7;
	_ =	sdelay $0x1  }
0x13a: {  	v9 =	vmul.f32 v8, v16;
	_ =	sdelay $0x1  }
0x13b: {  	v9 =	vsub.f32 $1.500000000e+00, v9;
	_ =	sdelay $0x1  }
0x13c: {  	v8 =	vmul.f32 v8, v9  }
0x13d: {  	(v2sf) =	vpush v4, $0x8  }
0x13e: {  	v9 =	vmul.f32 v8, v7;
	_ =	sdelay $0x1  }
0x13f: {  	v9 =	vmul.f32 v9, v8;
	_ =	sdelay $0x1  }
0x140: {  	v9 =	vsub.f32 $1.500000000e+00, v9;
	_ =	sdelay $0x1  }
0x141: {  	v8 =	vmul.f32 v9, v8;
	_ =	sdelay $0x1  }
0x142: {  	v7 =	vmul.f32 v8, v7;
	_ =	sdelay $0x1  }
0x143: {  	v7 =	vmul.f32 v7, v8;
	_ =	sdelay $0x1  }
0x144: {  	v7 =	vsub.f32 $1.500000000e+00, v7;
	_ =	sdelay $0x1  }
0x145: {  	s23 =	spop (v2sf);
	v7 =	vmul.f32 v7, v8  }
0x146: {  	s24 =	sand.u32 $0x7, s23;
	s21 =	sshll.u32 s23, $0x2  }
0x147: {  	s22 =	sshll.u32 s24, $0x2;
	s21 =	sand.u32 $0xFFFFFFE0, s21;
	v5 =	vmul.f32 v7, v5  }
0x148: {  	s21 =	sor.u32 s22, s21;
	v6 =	vmul.f32 v7, v13  }
0x149: {  	s21 =	sshra.s32 s21, $0x2;
	[tilespmem:s18+$0xFFFFFFE0] =	vst v5  }
0x14a: {  	s21 =	sadd.s32 s20, s21;
	[tilespmem:s18+$0xFFFFFFF0] =	vst v6  }
0x14b: {  	v5 =	vld [tilespmem:s21+$0xA00]  }
0x14c: {  	v6 =	vld [tilespmem:s19+$0x0]  }
0x14d: {  	v17 =	vld [tilespmem:s21+$0xA10]  }
0x14e: {  	v18 =	vld [tilespmem:s19+$0x10];
	_ =	sdelay $0x4  }
0x14f: {  	v5 =	vadd.f32 v6, v5;
	v19 =	vadd.f32 v18, v17;
	_ =	sdelay $0x1  }
0x150: {  	v20 =	vmul.f32 v5, v5;
	v8 =	vmul.f32 v19, v19;
	_ =	sdelay $0x1  }
0x151: {  	v7 =	vadd.f32 v8, v20;
	_ =	sdelay $0x1  }
0x152: {  	v8 =	vperm.xlane v7, v0;
	_ =	sdelay $0x1  }
0x153: {  	v7 =	vadd.f32 v7, v8;
	_ =	sdelay $0x1  }
0x154: {  	v8 =	vperm.xlane v7, v1;
	_ =	sdelay $0x1  }
0x155: {  	v7 =	vadd.f32 v7, v8;
	_ =	sdelay $0x1  }
0x156: {  	v8 =	vperm.xlane v7, v2;
	_ =	sdelay $0x1  }
0x157: {  	v7 =	vadd.f32 v7, v8;
	_ =	sdelay $0x1  }
0x158: {  	v8 =	vperm.xlane v7, v3;
	_ =	sdelay $0x1  }
0x159: {  	v7 =	vadd.f32 v7, v8;
	_ =	sdelay $0x1  }
0x15a: {  	v7 =	vadd.f32 $1.000000000e-30, v7;
	_ =	sdelay $0x1  }
0x15b: {  	v21 =	vshra.s32 v7, $0x1;
	v7 =	vmul.f32 $5.000000000e-01, v7  }
0x15c: {  	v8 =	vsub.s32 $0x5F3759DF, v21  }
0x15d: {  	v22 =	vmul.f32 v8, v7;
	_ =	sdelay $0x1  }
0x15e: {  	v9 =	vmul.f32 v8, v22;
	_ =	sdelay $0x1  }
0x15f: {  	v9 =	vsub.f32 $1.500000000e+00, v9;
	_ =	sdelay $0x1  }
0x160: {  	v8 =	vmul.f32 v8, v9  }
0x161: {  	(v2sf) =	vpush v4, $0x9  }
0x162: {  	v9 =	vmul.f32 v8, v7;
	_ =	sdelay $0x1  }
0x163: {  	v9 =	vmul.f32 v9, v8;
	_ =	sdelay $0x1  }
0x164: {  	v9 =	vsub.f32 $1.500000000e+00, v9;
	_ =	sdelay $0x1  }
0x165: {  	v8 =	vmul.f32 v9, v8;
	_ =	sdelay $0x1  }
0x166: {  	v7 =	vmul.f32 v8, v7;
	_ =	sdelay $0x1  }
0x167: {  	v7 =	vmul.f32 v7, v8;
	_ =	sdelay $0x1  }
0x168: {  	v7 =	vsub.f32 $1.500000000e+00, v7;
	_ =	sdelay $0x1  }
0x169: {  	s25 =	spop (v2sf);
	v7 =	vmul.f32 v7, v8  }
0x16a: {  	s26 =	sand.u32 $0x7, s25;
	s21 =	sshll.u32 s25, $0x2  }
0x16b: {  	s22 =	sshll.u32 s26, $0x2;
	s21 =	sand.u32 $0xFFFFFFE0, s21;
	v5 =	vmul.f32 v7, v5  }
0x16c: {  	s21 =	sor.u32 s22, s21;
	v6 =	vmul.f32 v7, v19  }
0x16d: {  	s21 =	sshra.s32 s21, $0x2;
	[tilespmem:s18+$0x0] =	vst v5  }
0x16e: {  	s21 =	sadd.s32 s20, s21;
	[tilespmem:s18+$0x10] =	vst v6  }
0x16f: {  	v5 =	vld [tilespmem:s21+$0xA80]  }
0x170: {  	v6 =	vld [tilespmem:s19+$0x20]  }
0x171: {  	v23 =	vld [tilespmem:s21+$0xA90]  }
0x172: {  	v24 =	vld [tilespmem:s19+$0x30];
	_ =	sdelay $0x4  }
0x173: {  	v5 =	vadd.f32 v6, v5;
	v25 =	vadd.f32 v24, v23;
	_ =	sdelay $0x1  }
0x174: {  	v26 =	vmul.f32 v5, v5;
	v8 =	vmul.f32 v25, v25;
	_ =	sdelay $0x1  }
0x175: {  	v7 =	vadd.f32 v8, v26;
	_ =	sdelay $0x1  }
0x176: {  	v8 =	vperm.xlane v7, v0;
	_ =	sdelay $0x1  }
0x177: {  	v7 =	vadd.f32 v7, v8;
	_ =	sdelay $0x1  }
0x178: {  	v8 =	vperm.xlane v7, v1;
	_ =	sdelay $0x1  }
0x179: {  	v7 =	vadd.f32 v7, v8;
	_ =	sdelay $0x1  }
0x17a: {  	v8 =	vperm.xlane v7, v2;
	_ =	sdelay $0x1  }
0x17b: {  	v7 =	vadd.f32 v7, v8;
	_ =	sdelay $0x1  }
0x17c: {  	v8 =	vperm.xlane v7, v3;
	_ =	sdelay $0x1  }
0x17d: {  	v7 =	vadd.f32 v7, v8;
	_ =	sdelay $0x1  }
0x17e: {  	v7 =	vadd.f32 $1.000000000e-30, v7;
	_ =	sdelay $0x1  }
0x17f: {  	v27 =	vshra.s32 v7, $0x1;
	v7 =	vmul.f32 $5.000000000e-01, v7  }
0x180: {  	v8 =	vsub.s32 $0x5F3759DF, v27  }
0x181: {  	v28 =	vmul.f32 v8, v7;
	_ =	sdelay $0x1  }
0x182: {  	v9 =	vmul.f32 v8, v28;
	_ =	sdelay $0x1  }
0x183: {  	v9 =	vsub.f32 $1.500000000e+00, v9;
	_ =	sdelay $0x1  }
0x184: {  	v8 =	vmul.f32 v8, v9  }
0x185: {  	(v2sf) =	vpush v4, $0xA  }
0x186: {  	v9 =	vmul.f32 v8, v7;
	_ =	sdelay $0x1  }
0x187: {  	v9 =	vmul.f32 v9, v8;
	_ =	sdelay $0x1  }
0x188: {  	v9 =	vsub.f32 $1.500000000e+00, v9;
	_ =	sdelay $0x1  }
0x189: {  	v8 =	vmul.f32 v9, v8;
	_ =	sdelay $0x1  }
0x18a: {  	v7 =	vmul.f32 v8, v7;
	_ =	sdelay $0x1  }
0x18b: {  	v7 =	vmul.f32 v7, v8;
	_ =	sdelay $0x1  }
0x18c: {  	v7 =	vsub.f32 $1.500000000e+00, v7;
	_ =	sdelay $0x1  }
0x18d: {  	s28 =	spop (v2sf);
	v7 =	vmul.f32 v7, v8  }
0x18e: {  	s29 =	sand.u32 $0x7, s28;
	s21 =	sshll.u32 s28, $0x2  }
0x18f: {  	s22 =	sshll.u32 s29, $0x2;
	s21 =	sand.u32 $0xFFFFFFE0, s21;
	v5 =	vmul.f32 v7, v5  }
0x190: {  	s21 =	sor.u32 s22, s21;
	v6 =	vmul.f32 v7, v25  }
0x191: {  	s21 =	sshra.s32 s21, $0x2;
	[tilespmem:s18+$0x20] =	vst v5  }
0x192: {  	s21 =	sadd.s32 s20, s21;
	[tilespmem:s18+$0x30] =	vst v6  }
0x193: {  	v5 =	vld [tilespmem:s21+$0xB00]  }
0x194: {  	v6 =	vld [tilespmem:s19+$0x40]  }
0x195: {  	v29 =	vld [tilespmem:s21+$0xB10]  }
0x196: {  	v30 =	vld [tilespmem:s19+$0x50];
	_ =	sdelay $0x4  }
0x197: {  	v5 =	vadd.f32 v6, v5;
	v31 =	vadd.f32 v30, v29;
	_ =	sdelay $0x1  }
0x198: {  	v32 =	vmul.f32 v5, v5;
	v8 =	vmul.f32 v31, v31;
	_ =	sdelay $0x1  }
0x199: {  	v7 =	vadd.f32 v8, v32;
	_ =	sdelay $0x1  }
0x19a: {  	v8 =	vperm.xlane v7, v0;
	_ =	sdelay $0x1  }
0x19b: {  	v7 =	vadd.f32 v7, v8;
	_ =	sdelay $0x1  }
0x19c: {  	v8 =	vperm.xlane v7, v1;
	_ =	sdelay $0x1  }
0x19d: {  	v7 =	vadd.f32 v7, v8;
	_ =	sdelay $0x1  }
0x19e: {  	v8 =	vperm.xlane v7, v2;
	_ =	sdelay $0x1  }
0x19f: {  	v7 =	vadd.f32 v7, v8;
	_ =	sdelay $0x1  }
0x1a0: {  	v8 =	vperm.xlane v7, v3;
	_ =	sdelay $0x1  }
0x1a1: {  	v7 =	vadd.f32 v7, v8;
	_ =	sdelay $0x1  }
0x1a2: {  	v7 =	vadd.f32 $1.000000000e-30, v7;
	_ =	sdelay $0x1  }
0x1a3: {  	v33 =	vshra.s32 v7, $0x1;
	v7 =	vmul.f32 $5.000000000e-01, v7  }
0x1a4: {  	v8 =	vsub.s32 $0x5F3759DF, v33  }
0x1a5: {  	v34 =	vmul.f32 v8, v7;
	_ =	sdelay $0x1  }
0x1a6: {  	v9 =	vmul.f32 v8, v34;
	_ =	sdelay $0x1  }
0x1a7: {  	v9 =	vsub.f32 $1.500000000e+00, v9;
	_ =	sdelay $0x1  }
0x1a8: {  	v8 =	vmul.f32 v8, v9  }
0x1a9: {  	(v2sf) =	vpush v4, $0xB  }
0x1aa: {  	v9 =	vmul.f32 v8, v7;
	_ =	sdelay $0x1  }
0x1ab: {  	v9 =	vmul.f32 v9, v8;
	_ =	sdelay $0x1  }
0x1ac: {  	v9 =	vsub.f32 $1.500000000e+00, v9;
	_ =	sdelay $0x1  }
0x1ad: {  	v8 =	vmul.f32 v9, v8;
	_ =	sdelay $0x1  }
0x1ae: {  	v7 =	vmul.f32 v8, v7;
	_ =	sdelay $0x1  }
0x1af: {  	v7 =	vmul.f32 v7, v8;
	_ =	sdelay $0x1  }
0x1b0: {  	v7 =	vsub.f32 $1.500000000e+00, v7;
	_ =	sdelay $0x1  }
0x1b1: {  	s30 =	spop (v2sf);
	v7 =	vmul.f32 v7, v8  }
0x1b2: {  	s31 =	sand.u32 $0x7, s30;
	s21 =	sshll.u32 s30, $0x2  }
0x1b3: {  	s22 =	sshll.u32 s31, $0x2;
	s21 =	sand.u32 $0xFFFFFFE0, s21;
	v5 =	vmul.f32 v7, v5  }
0x1b4: {  	s21 =	sor.u32 s22, s21;
	v6 =	vmul.f32 v7, v31  }
0x1b5: {  	s21 =	sshra.s32 s21, $0x2;
	[tilespmem:s18+$0x40] =	vst v5  }
0x1b6: {  	s21 =	sadd.s32 s20, s21;
	[tilespmem:s18+$0x50] =	vst v6  }
0x1b7: {  	v5 =	vld [tilespmem:s21+$0xB80]  }
0x1b8: {  	v6 =	vld [tilespmem:s19+$0x60]  }
0x1b9: {  	v35 =	vld [tilespmem:s21+$0xB90]  }
0x1ba: {  	v36 =	vld [tilespmem:s19+$0x70];
	_ =	sdelay $0x4  }
0x1bb: {  	v5 =	vadd.f32 v6, v5;
	v37 =	vadd.f32 v36, v35;
	_ =	sdelay $0x1  }
0x1bc: {  	v38 =	vmul.f32 v5, v5;
	v8 =	vmul.f32 v37, v37;
	_ =	sdelay $0x1  }
0x1bd: {  	v7 =	vadd.f32 v8, v38;
	_ =	sdelay $0x1  }
0x1be: {  	v8 =	vperm.xlane v7, v0;
	_ =	sdelay $0x1  }
0x1bf: {  	v7 =	vadd.f32 v7, v8;
	_ =	sdelay $0x1  }
0x1c0: {  	v8 =	vperm.xlane v7, v1;
	_ =	sdelay $0x1  }
0x1c1: {  	v7 =	vadd.f32 v7, v8;
	_ =	sdelay $0x1  }
0x1c2: {  	v8 =	vperm.xlane v7, v2;
	_ =	sdelay $0x1  }
0x1c3: {  	v7 =	vadd.f32 v7, v8;
	_ =	sdelay $0x1  }
0x1c4: {  	v8 =	vperm.xlane v7, v3;
	_ =	sdelay $0x1  }
0x1c5: {  	v7 =	vadd.f32 v7, v8;
	_ =	sdelay $0x1  }
0x1c6: {  	v7 =	vadd.f32 $1.000000000e-30, v7;
	_ =	sdelay $0x1  }
0x1c7: {  	v39 =	vshra.s32 v7, $0x1;
	v7 =	vmul.f32 $5.000000000e-01, v7  }
0x1c8: {  	v8 =	vsub.s32 $0x5F3759DF, v39  }
0x1c9: {  	v40 =	vmul.f32 v8, v7;
	_ =	sdelay $0x1  }
0x1ca: {  	v9 =	vmul.f32 v8, v40;
	_ =	sdelay $0x1  }
0x1cb: {  	v9 =	vsub.f32 $1.500000000e+00, v9;
	_ =	sdelay $0x1  }
0x1cc: {  	v8 =	vmul.f32 v8, v9  }
0x1cd: {  	(v2sf) =	vpush v4, $0xC  }
0x1ce: {  	v9 =	vmul.f32 v8, v7;
	_ =	sdelay $0x1  }
0x1cf: {  	v9 =	vmul.f32 v9, v8;
	_ =	sdelay $0x1  }
0x1d0: {  	v9 =	vsub.f32 $1.500000000e+00, v9;
	_ =	sdelay $0x1  }
0x1d1: {  	v8 =	vmul.f32 v9, v8;
	_ =	sdelay $0x1  }
0x1d2: {  	v7 =	vmul.f32 v8, v7;
	_ =	sdelay $0x1  }
0x1d3: {  	v7 =	vmul.f32 v7, v8;
	_ =	sdelay $0x1  }
0x1d4: {  	v7 =	vsub.f32 $1.500000000e+00, v7;
	_ =	sdelay $0x1  }
0x1d5: {  	s23 =	spop (v2sf);
	v7 =	vmul.f32 v7, v8  }
0x1d6: {  	s24 =	sand.u32 $0x7, s23;
	s21 =	sshll.u32 s23, $0x2  }
0x1d7: {  	s22 =	sshll.u32 s24, $0x2;
	s21 =	sand.u32 $0xFFFFFFE0, s21;
	v5 =	vmul.f32 v7, v5  }
0x1d8: {  	s21 =	sor.u32 s22, s21;
	v6 =	vmul.f32 v7, v37  }
0x1d9: {  	s21 =	sshra.s32 s21, $0x2;
	[tilespmem:s18+$0x60] =	vst v5  }
0x1da: {  	s21 =	sadd.s32 s20, s21;
	[tilespmem:s18+$0x70] =	vst v6  }
0x1db: {  	v5 =	vld [tilespmem:s21+$0xC00]  }
0x1dc: {  	v6 =	vld [tilespmem:s19+$0x80]  }
0x1dd: {  	v41 =	vld [tilespmem:s21+$0xC10]  }
0x1de: {  	v42 =	vld [tilespmem:s19+$0x90];
	_ =	sdelay $0x4  }
0x1df: {  	v5 =	vadd.f32 v6, v5;
	v43 =	vadd.f32 v42, v41;
	_ =	sdelay $0x1  }
0x1e0: {  	v44 =	vmul.f32 v5, v5;
	v8 =	vmul.f32 v43, v43;
	_ =	sdelay $0x1  }
0x1e1: {  	v7 =	vadd.f32 v8, v44;
	_ =	sdelay $0x1  }
0x1e2: {  	v8 =	vperm.xlane v7, v0;
	_ =	sdelay $0x1  }
0x1e3: {  	v7 =	vadd.f32 v7, v8;
	_ =	sdelay $0x1  }
0x1e4: {  	v8 =	vperm.xlane v7, v1;
	_ =	sdelay $0x1  }
0x1e5: {  	v7 =	vadd.f32 v7, v8;
	_ =	sdelay $0x1  }
0x1e6: {  	v8 =	vperm.xlane v7, v2;
	_ =	sdelay $0x1  }
0x1e7: {  	v7 =	vadd.f32 v7, v8;
	_ =	sdelay $0x1  }
0x1e8: {  	v8 =	vperm.xlane v7, v3;
	_ =	sdelay $0x1  }
0x1e9: {  	v7 =	vadd.f32 v7, v8;
	_ =	sdelay $0x1  }
0x1ea: {  	v7 =	vadd.f32 $1.000000000e-30, v7;
	_ =	sdelay $0x1  }
0x1eb: {  	v45 =	vshra.s32 v7, $0x1;
	v7 =	vmul.f32 $5.000000000e-01, v7  }
0x1ec: {  	v8 =	vsub.s32 $0x5F3759DF, v45  }
0x1ed: {  	v46 =	vmul.f32 v8, v7;
	_ =	sdelay $0x1  }
0x1ee: {  	v9 =	vmul.f32 v8, v46;
	_ =	sdelay $0x1  }
0x1ef: {  	v9 =	vsub.f32 $1.500000000e+00, v9;
	_ =	sdelay $0x1  }
0x1f0: {  	v8 =	vmul.f32 v8, v9  }
0x1f1: {  	(v2sf) =	vpush v4, $0xD  }
0x1f2: {  	v9 =	vmul.f32 v8, v7;
	_ =	sdelay $0x1  }
0x1f3: {  	v9 =	vmul.f32 v9, v8;
	_ =	sdelay $0x1  }
0x1f4: {  	v9 =	vsub.f32 $1.500000000e+00, v9;
	_ =	sdelay $0x1  }
0x1f5: {  	v8 =	vmul.f32 v9, v8;
	_ =	sdelay $0x1  }
0x1f6: {  	v7 =	vmul.f32 v8, v7;
	_ =	sdelay $0x1  }
0x1f7: {  	v7 =	vmul.f32 v7, v8;
	_ =	sdelay $0x1  }
0x1f8: {  	v7 =	vsub.f32 $1.500000000e+00, v7;
	_ =	sdelay $0x1  }
0x1f9: {  	s25 =	spop (v2sf);
	v7 =	vmul.f32 v7, v8  }
0x1fa: {  	s26 =	sand.u32 $0x7, s25;
	s21 =	sshll.u32 s25, $0x2  }
0x1fb: {  	s22 =	sshll.u32 s26, $0x2;
	s21 =	sand.u32 $0xFFFFFFE0, s21;
	v5 =	vmul.f32 v7, v5  }
0x1fc: {  	s21 =	sor.u32 s22, s21;
	v6 =	vmul.f32 v7, v43  }
0x1fd: {  	s21 =	sshra.s32 s21, $0x2;
	[tilespmem:s18+$0x80] =	vst v5  }
0x1fe: {  	s21 =	sadd.s32 s20, s21;
	[tilespmem:s18+$0x90] =	vst v6  }
0x1ff: {  	v5 =	vld [tilespmem:s21+$0xC80]  }
0x200: {  	v6 =	vld [tilespmem:s19+$0xA0]  }
0x201: {  	v47 =	vld [tilespmem:s21+$0xC90]  }
0x202: {  	v48 =	vld [tilespmem:s19+$0xB0];
	_ =	sdelay $0x4  }
0x203: {  	v5 =	vadd.f32 v6, v5;
	v49 =	vadd.f32 v48, v47;
	_ =	sdelay $0x1  }
0x204: {  	v50 =	vmul.f32 v5, v5;
	v8 =	vmul.f32 v49, v49;
	_ =	sdelay $0x1  }
0x205: {  	v7 =	vadd.f32 v8, v50;
	_ =	sdelay $0x1  }
0x206: {  	v8 =	vperm.xlane v7, v0;
	_ =	sdelay $0x1  }
0x207: {  	v7 =	vadd.f32 v7, v8;
	_ =	sdelay $0x1  }
0x208: {  	v8 =	vperm.xlane v7, v1;
	_ =	sdelay $0x1  }
0x209: {  	v7 =	vadd.f32 v7, v8;
	_ =	sdelay $0x1  }
0x20a: {  	v8 =	vperm.xlane v7, v2;
	_ =	sdelay $0x1  }
0x20b: {  	v7 =	vadd.f32 v7, v8;
	_ =	sdelay $0x1  }
0x20c: {  	v8 =	vperm.xlane v7, v3;
	_ =	sdelay $0x1  }
0x20d: {  	v7 =	vadd.f32 v7, v8;
	_ =	sdelay $0x1  }
0x20e: {  	v7 =	vadd.f32 $1.000000000e-30, v7;
	_ =	sdelay $0x1  }
0x20f: {  	v51 =	vshra.s32 v7, $0x1;
	v7 =	vmul.f32 $5.000000000e-01, v7  }
0x210: {  	v8 =	vsub.s32 $0x5F3759DF, v51  }
0x211: {  	v52 =	vmul.f32 v8, v7;
	_ =	sdelay $0x1  }
0x212: {  	v9 =	vmul.f32 v8, v52;
	_ =	sdelay $0x1  }
0x213: {  	v9 =	vsub.f32 $1.500000000e+00, v9;
	_ =	sdelay $0x1  }
0x214: {  	v8 =	vmul.f32 v8, v9  }
0x215: {  	(v2sf) =	vpush v4, $0xE  }
0x216: {  	v9 =	vmul.f32 v8, v7;
	_ =	sdelay $0x1  }
0x217: {  	v9 =	vmul.f32 v9, v8;
	_ =	sdelay $0x1  }
0x218: {  	v9 =	vsub.f32 $1.500000000e+00, v9;
	_ =	sdelay $0x1  }
0x219: {  	v8 =	vmul.f32 v9, v8;
	_ =	sdelay $0x1  }
0x21a: {  	v7 =	vmul.f32 v8, v7;
	_ =	sdelay $0x1  }
0x21b: {  	v7 =	vmul.f32 v7, v8;
	_ =	sdelay $0x1  }
0x21c: {  	v7 =	vsub.f32 $1.500000000e+00, v7;
	_ =	sdelay $0x1  }
0x21d: {  	s28 =	spop (v2sf);
	v7 =	vmul.f32 v7, v8  }
0x21e: {  	s29 =	sand.u32 $0x7, s28;
	s21 =	sshll.u32 s28, $0x2  }
0x21f: {  	s22 =	sshll.u32 s29, $0x2;
	s21 =	sand.u32 $0xFFFFFFE0, s21;
	v5 =	vmul.f32 v7, v5  }
0x220: {  	s21 =	sor.u32 s22, s21;
	v6 =	vmul.f32 v7, v49  }
0x221: {  	s21 =	sshra.s32 s21, $0x2;
	[tilespmem:s18+$0xA0] =	vst v5  }
0x222: {  	s21 =	sadd.s32 s20, s21;
	[tilespmem:s18+$0xB0] =	vst v6  }
0x223: {  	v5 =	vld [tilespmem:s21+$0xD00]  }
0x224: {  	v6 =	vld [tilespmem:s19+$0xC0]  }
0x225: {  	v53 =	vld [tilespmem:s21+$0xD10]  }
0x226: {  	v54 =	vld [tilespmem:s19+$0xD0];
	_ =	sdelay $0x4  }
0x227: {  	v5 =	vadd.f32 v6, v5;
	v55 =	vadd.f32 v54, v53;
	_ =	sdelay $0x1  }
0x228: {  	v56 =	vmul.f32 v5, v5;
	v8 =	vmul.f32 v55, v55;
	_ =	sdelay $0x1  }
0x229: {  	v7 =	vadd.f32 v8, v56;
	_ =	sdelay $0x1  }
0x22a: {  	v8 =	vperm.xlane v7, v0;
	_ =	sdelay $0x1  }
0x22b: {  	v7 =	vadd.f32 v7, v8;
	_ =	sdelay $0x1  }
0x22c: {  	v8 =	vperm.xlane v7, v1;
	_ =	sdelay $0x1  }
0x22d: {  	v7 =	vadd.f32 v7, v8;
	_ =	sdelay $0x1  }
0x22e: {  	v8 =	vperm.xlane v7, v2;
	_ =	sdelay $0x1  }
0x22f: {  	v7 =	vadd.f32 v7, v8;
	_ =	sdelay $0x1  }
0x230: {  	v8 =	vperm.xlane v7, v3;
	_ =	sdelay $0x1  }
0x231: {  	v7 =	vadd.f32 v7, v8;
	_ =	sdelay $0x1  }
0x232: {  	v7 =	vadd.f32 $1.000000000e-30, v7;
	_ =	sdelay $0x1  }
0x233: {  	v57 =	vshra.s32 v7, $0x1;
	v7 =	vmul.f32 $5.000000000e-01, v7  }
0x234: {  	v8 =	vsub.s32 $0x5F3759DF, v57  }
0x235: {  	v58 =	vmul.f32 v8, v7;
	_ =	sdelay $0x1  }
0x236: {  	v9 =	vmul.f32 v8, v58;
	_ =	sdelay $0x1  }
0x237: {  	v9 =	vsub.f32 $1.500000000e+00, v9;
	_ =	sdelay $0x1  }
0x238: {  	v8 =	vmul.f32 v8, v9  }
0x239: {  	(v2sf) =	vpush v4, $0xF  }
0x23a: {  	v4 =	vmul.f32 v8, v7;
	_ =	sdelay $0x1  }
0x23b: {  	v4 =	vmul.f32 v4, v8;
	_ =	sdelay $0x1  }
0x23c: {  	v4 =	vsub.f32 $1.500000000e+00, v4;
	_ =	sdelay $0x1  }
0x23d: {  	v4 =	vmul.f32 v4, v8;
	_ =	sdelay $0x1  }
0x23e: {  	v7 =	vmul.f32 v4, v7;
	_ =	sdelay $0x1  }
0x23f: {  	v7 =	vmul.f32 v7, v4;
	_ =	sdelay $0x1  }
0x240: {  	v7 =	vsub.f32 $1.500000000e+00, v7;
	_ =	sdelay $0x1  }
0x241: {  	s30 =	spop (v2sf);
	v4 =	vmul.f32 v7, v4  }
0x242: {  	s31 =	sand.u32 $0x7, s30;
	s21 =	sshll.u32 s30, $0x2  }
0x243: {  	s22 =	sshll.u32 s31, $0x2;
	s21 =	sand.u32 $0xFFFFFFE0, s21;
	v5 =	vmul.f32 v4, v5  }
0x244: {  	s21 =	sor.u32 s22, s21;
	v4 =	vmul.f32 v4, v55  }
0x245: {  	s21 =	sshra.s32 s21, $0x2;
	[tilespmem:s18+$0xC0] =	vst v5  }
0x246: {  	s20 =	sadd.s32 s20, s21;
	[tilespmem:s18+$0xD0] =	vst v4  }
0x247: {  	v4 =	vld [tilespmem:s20+$0xD80]  }
0x248: {  	v5 =	vld [tilespmem:s19+$0xE0]  }
0x249: {  	v59 =	vld [tilespmem:s20+$0xD90]  }
0x24a: {  	v60 =	vld [tilespmem:s19+$0xF0];
	_ =	sdelay $0x4  }
0x24b: {  	v4 =	vadd.f32 v5, v4;
	v5 =	vadd.f32 v60, v59;
	_ =	sdelay $0x1  }
0x24c: {  	v61 =	vmul.f32 v4, v4;
	v7 =	vmul.f32 v5, v5;
	_ =	sdelay $0x1  }
0x24d: {  	v6 =	vadd.f32 v7, v61;
	_ =	sdelay $0x1  }
0x24e: {  	v7 =	vperm.xlane v6, v0;
	_ =	sdelay $0x1  }
0x24f: {  	v6 =	vadd.f32 v6, v7;
	_ =	sdelay $0x1  }
0x250: {  	v7 =	vperm.xlane v6, v1;
	_ =	sdelay $0x1  }
0x251: {  	v6 =	vadd.f32 v6, v7;
	_ =	sdelay $0x1  }
0x252: {  	v7 =	vperm.xlane v6, v2;
	_ =	sdelay $0x1  }
0x253: {  	v6 =	vadd.f32 v6, v7;
	_ =	sdelay $0x1  }
0x254: {  	v7 =	vperm.xlane v6, v3;
	_ =	sdelay $0x1  }
0x255: {  	v6 =	vadd.f32 v6, v7;
	_ =	sdelay $0x1  }
0x256: {  	v6 =	vadd.f32 $1.000000000e-30, v6;
	_ =	sdelay $0x1  }
0x257: {  	v62 =	vshra.s32 v6, $0x1;
	v6 =	vmul.f32 $5.000000000e-01, v6  }
0x258: {  	v7 =	vsub.s32 $0x5F3759DF, v62  }
0x259: {  	v63 =	vmul.f32 v7, v6;
	_ =	sdelay $0x1  }
0x25a: {  	v8 =	vmul.f32 v7, v63;
	_ =	sdelay $0x1  }
0x25b: {  	v8 =	vsub.f32 $1.500000000e+00, v8;
	_ =	sdelay $0x1  }
0x25c: {  	v7 =	vmul.f32 v7, v8;
	_ =	sdelay $0x1  }
0x25d: {  	v8 =	vmul.f32 v7, v6;
	_ =	sdelay $0x1  }
0x25e: {  	v8 =	vmul.f32 v8, v7;
	_ =	sdelay $0x1  }
0x25f: {  	v8 =	vsub.f32 $1.500000000e+00, v8;
	_ =	sdelay $0x1  }
0x260: {  	v7 =	vmul.f32 v8, v7;
	_ =	sdelay $0x1  }
0x261: {  	v6 =	vmul.f32 v7, v6;
	_ =	sdelay $0x1  }
0x262: {  	v6 =	vmul.f32 v6, v7;
	_ =	sdelay $0x1  }
0x263: {  	v6 =	vsub.f32 $1.500000000e+00, v6;
	_ =	sdelay $0x1  }
0x264: {  	p0 =	sne.s32 s16, $0x3E000;
	v6 =	vmul.f32 v6, v7  }
.Ltmp1:
0x265: {  	_ = 	snop;
	(pc) =	sbr.rel @p0 .LBB2_4-.Ltmp1, $4  }
0x266: {  	v4 =	vmul.f32 v6, v4  }
0x267: {  	v5 =	vmul.f32 v6, v5  }
0x268: {  	s17 =	sadd.s32 $0x10, s17;
	[tilespmem:s18+$0xE0] =	vst v4  }
0x269: {  	s16 =	sadd.s32 $0x2000, s16;
	s19 =	sadd.s32 $0x200, s19;
	[tilespmem:s18+$0xF0] =	vst v5;
	s18 =	sadd.s32 $0x200, s18  }
0x26a: {  	s15 =	sadd.s32 $0x1, s15  }
0x26b: {  	p0 =	sne.s32 s15, s7  }
.Ltmp2:
0x26c: {  	_ = 	snop;
	(pc) =	sbr.rel @p0 .LBB2_1-.Ltmp2, $4  }
0x26d: {  	[hbm4b:s6+s1] =	stream.linear.scatter [tilespmem:s14], [sflag:$0x3], $0x4000, $0x38;
	[tilespmem:$0x18600] =	vst v63  }
0x26e: {  	_ =	swait.ge [sflag:s8], $0x4000  }
0x26f: {  	[sflag:s8] =	ssyncset.done $0x0  }
0x270: {  	[sflag:s8] =	ssyncadd.s32 $0xFFFFC000  }
0x271: {  	_ =	sfence.sel $0x180000  }
0x272: {  	[bflag:$0x0] =	sbarrier.arrive $0xFFFF  }
0x273: {  	p0 =	sne.s32 s0, $0x0;
	_ =	strace $0x90000047  }
0x274: {  	s0 =	sadd.s32 @!p0 $0x100000, s2;
	[bflag:$0x2] =	sbarrier.arrive $0xFFFF  }
0x275: {  	[sflag:s0] =	ssyncadd.tile.s32 @!p0 $0x1;
	_ =	shalt  }
.Lfunc_end2:
_tile_overlayer_lowered:
.L_overlay_start_2:
0x276: {  	(tag) =	ssettag $0x2  }
0x277: {  	s0 =	rddreg [dreg:$0x0];
	s2 =	stileid.u32  }
0x278: {  	s1 =	rddreg [dreg:$0x1];
	p0 =	sne.s32 s2, $0x0  }
0x279: {  	s3 =	rddreg [dreg:$0x2];
	[bflag:$0x3] =	sbarrier.arrive $0xFFFF;
	s2 =	simm.s32 @!p0 $0x1C03  }
0x27a: {  	[timem:s3], [sflag:s2] =	dma.local @!p0 [hbm:s0], s1  }
0x27b: {  	s0 =	simm.s32 @!p0 $0x3  }
0x27c: {  	_ =	swait.ge @!p0 [sflag:s0], s1  }
0x27d: {  	s1 =	ssub.s32 @!p0 $0x0, s1;
	[sflag:s0] =	ssyncset.done @!p0 $0x0  }
0x27e: {  	[sflag:s0] =	ssyncadd.s32 @!p0 s1  }
0x27f: {  	[bflag:$0x3] =	sbarrier.arrive $0xFFFF  }
0x280: {  	_ =	shalt  }

</sc_bundles>
